<compile_context>
chip_gen: v7x
topology: tpu7x:2x2x1
jax: 0.10.2.dev20260603
libtpu: 0.0.44.dev20260713+nightly
codegen_flags: <defaults>
</compile_context>

<pallas_src>
import jax
import jax.numpy as jnp
from jax import lax
from jax.experimental import pallas as pl
from jax.experimental.pallas import tpu as pltpu
from jax.experimental.pallas import tpu_sc as plsc

B = 16384
K = 20
D = 32
NC = 2
NS = 16
NW = NC * NS
NB = B // NW
NBUF = 8
TCH = 128
NTC = NB // TCH
NGRP = NB // 16
NL = NB // 4


def _sc_tgt_body(tgt_i, inemb3, trows_o, idx_v, out_v, *rest):
    tbufs, tsems = rest[:16], rest[16:]
    w = lax.axis_index("s") * NC + lax.axis_index("c")
    pltpu.sync_copy(tgt_i.at[pl.ds(w * NB, NB)], idx_v)
    v0g = idx_v[pl.ds(0, 16)]
    for j in range(16):
        t = v0g[j]
        pltpu.async_copy(inemb3.at[t // 8], tbufs[j], tsems[j])

    def body(g, vg):
        vn = idx_v[pl.ds(((g + 1) % NGRP) * 16, 16)]
        for j in range(16):
            t = vg[j]
            pltpu.make_async_copy(
                inemb3.at[t // 8], tbufs[j], tsems[j]).wait()
            r = t % 8
            v0 = tbufs[j][r, pl.ds(0, 16)]
            v1 = tbufs[j][r, pl.ds(16, 16)]
            line = g * 4 + j // 4
            col = (j % 4) * D
            out_v[line, pl.ds(col, 16)] = v0
            out_v[line, pl.ds(col + 16, 16)] = v1
            t2 = vn[j]
            pltpu.async_copy(inemb3.at[t2 // 8], tbufs[j], tsems[j])
        return vn

    fin = lax.fori_loop(0, NGRP, body, v0g)
    for j in range(16):
        t = fin[j]
        pltpu.make_async_copy(inemb3.at[t // 8], tbufs[j], tsems[j]).wait()
    pltpu.sync_copy(out_v, trows_o.at[pl.ds(w * NL, NL), :])


@jax.jit
def _sc_tgt_rows(target, in_emb3):
    mesh = plsc.VectorSubcoreMesh(core_axis_name="c", subcore_axis_name="s")
    f = pl.kernel(
        _sc_tgt_body,
        mesh=mesh,
        compiler_params=pltpu.CompilerParams(needs_layout_passes=False),
        out_type=jax.ShapeDtypeStruct((B // 4, 128), jnp.float32),
        scratch_types=(
            [pltpu.VMEM((NB,), jnp.int32),
             pltpu.VMEM((NL, 128), jnp.float32)]
            + [pltpu.VMEM((8, D), jnp.float32)] * 16
            + [pltpu.SemaphoreType.DMA] * 16
        ),
    )
    return f(target, in_emb3)


def _sc_body(ctx_i, neg_i, trows, outemb, pos_o, neg_o,
             ctx_iv, neg_iv, tgt_r, ctx_r, pos_v, neg_v, sem_tc, *rest):
    nbufs, sems = rest[:NBUF], rest[NBUF:]
    w = lax.axis_index("s") * NC + lax.axis_index("c")

    pltpu.sync_copy(ctx_i.at[pl.ds(w * NB, NB)], ctx_iv)
    pltpu.sync_copy(neg_i.at[pl.ds(w * NB, NB), :], neg_iv)
    pltpu.sync_copy(trows.at[pl.ds(w * NL, NL), :], tgt_r)

    handles = []
    for j in range(NTC):
        handles.append(pltpu.async_copy(
            outemb.at[ctx_iv.at[pl.ds(j * TCH, TCH)]],
            ctx_r.at[pl.ds(j * TCH, TCH)], sem_tc))

    for j in range(NBUF):
        pltpu.async_copy(outemb.at[neg_iv.at[j]], nbufs[j], sems[j])

    for h in handles:
        h.wait()

    iota = lax.iota(jnp.int32, 16)

    def pos_body(g, carry):
        acc = jnp.zeros((16,), jnp.float32)
        for rr in range(16):
            b = g * 16 + rr
            line = g * 4 + rr // 4
            col = (rr % 4) * D
            t0 = tgt_r[line, pl.ds(col, 16)]
            t1 = tgt_r[line, pl.ds(col + 16, 16)]
            c0 = ctx_r[b, pl.ds(0, 16)]
            c1 = ctx_r[b, pl.ds(16, 16)]
            s = jnp.sum(t0 * c0 + t1 * c1)
            acc = jnp.where(iota == rr, s, acc)
        pos_v[pl.ds(g * 16, 16)] = acc
        return carry

    lax.fori_loop(0, NB // 16, pos_body, 0)

    def neg_body(o, carry):
        for j in range(NBUF):
            b = o * NBUF + j
            line = o * (NBUF // 4) + j // 4
            col = (j % 4) * D
            pltpu.make_async_copy(
                outemb.at[neg_iv.at[b]], nbufs[j], sems[j]).wait()
            t0 = tgt_r[line, pl.ds(col, 16)]
            t1 = tgt_r[line, pl.ds(col + 16, 16)]
            acc0 = jnp.zeros((16,), jnp.float32)
            acc1 = jnp.zeros((16,), jnp.float32)
            for rr in range(K):
                n0 = nbufs[j][rr, pl.ds(0, 16)]
                n1 = nbufs[j][rr, pl.ds(16, 16)]
                s = jnp.sum(n0 * t0 + n1 * t1)
                if rr < 16:
                    acc0 = jnp.where(iota == rr, s, acc0)
                else:
                    acc1 = jnp.where(iota == rr - 16, s, acc1)
            neg_v[b, pl.ds(0, 16)] = acc0
            neg_v[b, pl.ds(16, 16)] = acc1
            nxt = (b + NBUF) % NB
            pltpu.async_copy(outemb.at[neg_iv.at[nxt]], nbufs[j], sems[j])
        return carry

    lax.fori_loop(0, NB // NBUF, neg_body, 0)

    for j in range(NBUF):
        pltpu.make_async_copy(
            outemb.at[neg_iv.at[j]], nbufs[j], sems[j]).wait()

    pltpu.sync_copy(pos_v, pos_o.at[pl.ds(w * NB, NB)])
    pltpu.sync_copy(neg_v, neg_o.at[pl.ds(w * NB, NB), :])


@jax.jit
def _sc_dots(ctx_idx, neg_idx, trows, out_emb):
    mesh = plsc.VectorSubcoreMesh(core_axis_name="c", subcore_axis_name="s")
    f = pl.kernel(
        _sc_body,
        mesh=mesh,
        compiler_params=pltpu.CompilerParams(
            needs_layout_passes=False, use_tc_tiling_on_sc=False),
        out_type=[
            jax.ShapeDtypeStruct((B,), jnp.float32),
            jax.ShapeDtypeStruct((B, D), jnp.float32),
        ],
        scratch_types=(
            [pltpu.VMEM((NB,), jnp.int32),
             pltpu.VMEM((NB, K), jnp.int32),
             pltpu.VMEM((NL, 128), jnp.float32),
             pltpu.VMEM((NB, D), jnp.float32),
             pltpu.VMEM((NB,), jnp.float32),
             pltpu.VMEM((NB, D), jnp.float32),
             pltpu.SemaphoreType.DMA]
            + [pltpu.VMEM((K, D), jnp.float32)] * NBUF
            + [pltpu.SemaphoreType.DMA] * NBUF
        ),
    )
    return f(ctx_idx, neg_idx, trows, out_emb)


def _tc_loss_body(pos_ref, neg_ref, o_ref):
    p = pos_ref[...]
    n = neg_ref[...]

    def ls(v):
        return jnp.minimum(v, 0.0) - jnp.log(1.0 + jnp.exp(-jnp.abs(v)))

    cols = lax.broadcasted_iota(jnp.int32, n.shape, 1)
    valid = (cols % D) < K
    s_pos = jnp.sum(ls(p))
    s_neg = jnp.sum(jnp.where(valid, ls(-n), 0.0))
    o_ref[0, 0] = -(s_pos / B + s_neg / (B * K))


@jax.jit
def _tc_loss(pos2, neg2):
    out = pl.pallas_call(
        _tc_loss_body,
        out_shape=jax.ShapeDtypeStruct((1, 1), jnp.float32),
        out_specs=pl.BlockSpec(memory_space=pltpu.SMEM),
    )(pos2, neg2)
    return out[0, 0]


def kernel(target, context, neg_samples, in_emb, out_emb):
    in_emb3 = in_emb.reshape(in_emb.shape[0] // 8, 8, D)
    trows = _sc_tgt_rows(target.astype(jnp.int32), in_emb3)
    pos1, negp = _sc_dots(context.astype(jnp.int32),
                          neg_samples.astype(jnp.int32), trows, out_emb)
    return _tc_loss(pos1.reshape(B // 128, 128),
                    negp.reshape(B * D // 128, 128))

# --- scband reference (transcript-rebuilt; emitter-appended) ---
"""Pipeline reference for scband-skip-gram-neg-66417374265565 (READ-ONLY COPY).

The authoritative reference and input builder live on the scoring server;
editing this copy changes nothing except your own understanding.
"""

import jax, jax.numpy as jnp
import numpy as np

VOCAB = 1000000
EMBED = 32
BATCH = 16384
NEG = 20

def setup_inputs(seed: int = 0) -> dict:
    key = jax.random.key(seed)
    k1, k2, k3, k4, k5 = jax.random.split(key, 5)
    bound = 0.5 / EMBED
    target = jax.random.randint(k1, (BATCH,), 0, VOCAB, dtype=jnp.int64 if jax.config.jax_enable_x64 else jnp.int32)
    context = jax.random.randint(k2, (BATCH,), 0, VOCAB, dtype=jnp.int64 if jax.config.jax_enable_x64 else jnp.int32)
    neg_samples = jax.random.randint(k3, (BATCH, NEG), 0, VOCAB, dtype=jnp.int64 if jax.config.jax_enable_x64 else jnp.int32)
    in_emb = jax.random.uniform(k4, (VOCAB, EMBED), dtype=jnp.float32, minval=-bound, maxval=bound)
    out_emb = jax.random.uniform(k5, (VOCAB, EMBED), dtype=jnp.float32, minval=-bound, maxval=bound)
    return {"target": target, "context": context, "neg_samples": neg_samples, "in_emb": in_emb, "out_emb": out_emb}

def reference(target, context, neg_samples, in_emb, out_emb):
    emb_target = jnp.take(in_emb, target, axis=0)            # [B, D]
    emb_ctx = jnp.take(out_emb, context, axis=0)             # [B, D]
    emb_neg = jnp.take(out_emb, neg_samples, axis=0)         # [B, K, D]
    pos = jnp.sum(emb_target * emb_ctx, axis=1)              # [B]
    neg = jnp.einsum('bkd,bd->bk', emb_neg, emb_target)      # [B, K]
    pos_loss = jnp.mean(jax.nn.log_sigmoid(pos))
    neg_loss = jnp.mean(jax.nn.log_sigmoid(-neg))
    return -(pos_loss + neg_loss)

if __name__ == "__main__":
    import jax
    _d = setup_inputs()
    print(jax.jit(kernel)(*tuple(_d.values())))

</pallas_src>

<mosaic_0001>
#map = affine_map<(d0, d1) -> (0)>
#map1 = affine_map<(d0, d1) -> (0, 0, 0)>
#map2 = affine_map<(d0, d1) -> (0, 0)>
module attributes {stable_mosaic.version = 14 : i64} {
  func.func @_sc_tgt_body(%arg0: i32, %arg1: i32, %arg2: memref<16384xi32, #tpu.memory_space<hbm>>, %arg3: memref<125000x8x32xf32, #tpu.memory_space<hbm>>, %arg4: memref<4096x128xf32, #tpu.memory_space<hbm>>, %arg5: memref<512xi32, #tpu.memory_space<vmem>>, %arg6: memref<128x128xf32, #tpu.memory_space<vmem>>, %arg7: memref<8x32xf32, #tpu.memory_space<vmem>>, %arg8: memref<8x32xf32, #tpu.memory_space<vmem>>, %arg9: memref<8x32xf32, #tpu.memory_space<vmem>>, %arg10: memref<8x32xf32, #tpu.memory_space<vmem>>, %arg11: memref<8x32xf32, #tpu.memory_space<vmem>>, %arg12: memref<8x32xf32, #tpu.memory_space<vmem>>, %arg13: memref<8x32xf32, #tpu.memory_space<vmem>>, %arg14: memref<8x32xf32, #tpu.memory_space<vmem>>, %arg15: memref<8x32xf32, #tpu.memory_space<vmem>>, %arg16: memref<8x32xf32, #tpu.memory_space<vmem>>, %arg17: memref<8x32xf32, #tpu.memory_space<vmem>>, %arg18: memref<8x32xf32, #tpu.memory_space<vmem>>, %arg19: memref<8x32xf32, #tpu.memory_space<vmem>>, %arg20: memref<8x32xf32, #tpu.memory_space<vmem>>, %arg21: memref<8x32xf32, #tpu.memory_space<vmem>>, %arg22: memref<8x32xf32, #tpu.memory_space<vmem>>, %arg23: memref<!tpu.dma_semaphore, #tpu.memory_space<semaphore_mem>>, %arg24: memref<!tpu.dma_semaphore, #tpu.memory_space<semaphore_mem>>, %arg25: memref<!tpu.dma_semaphore, #tpu.memory_space<semaphore_mem>>, %arg26: memref<!tpu.dma_semaphore, #tpu.memory_space<semaphore_mem>>, %arg27: memref<!tpu.dma_semaphore, #tpu.memory_space<semaphore_mem>>, %arg28: memref<!tpu.dma_semaphore, #tpu.memory_space<semaphore_mem>>, %arg29: memref<!tpu.dma_semaphore, #tpu.memory_space<semaphore_mem>>, %arg30: memref<!tpu.dma_semaphore, #tpu.memory_space<semaphore_mem>>, %arg31: memref<!tpu.dma_semaphore, #tpu.memory_space<semaphore_mem>>, %arg32: memref<!tpu.dma_semaphore, #tpu.memory_space<semaphore_mem>>, %arg33: memref<!tpu.dma_semaphore, #tpu.memory_space<semaphore_mem>>, %arg34: memref<!tpu.dma_semaphore, #tpu.memory_space<semaphore_mem>>, %arg35: memref<!tpu.dma_semaphore, #tpu.memory_space<semaphore_mem>>, %arg36: memref<!tpu.dma_semaphore, #tpu.memory_space<semaphore_mem>>, %arg37: memref<!tpu.dma_semaphore, #tpu.memory_space<semaphore_mem>>, %arg38: memref<!tpu.dma_semaphore, #tpu.memory_space<semaphore_mem>>) attributes {dimension_semantics = [#tpu.dimension_semantics<core_parallel>, #tpu.dimension_semantics<subcore_parallel>], iteration_bounds = array<i64: 2, 16>, scalar_prefetch = 0 : i64, scratch_operands = 34 : i64, tpu.core_type = #tpu.core_type<sc_vector_subcore>, window_params = [{transform_indices = #map}, {transform_indices = #map1}, {transform_indices = #map2}]} {
    %mul3A = arith.constant 2 : i32
    %mul3A_0 = arith.muli %arg1, %mul3A : i32
    %add3A = arith.addi %mul3A_0, %arg0 : i32
    %mul3A_1 = arith.constant 512 : i32
    %mul3A_2 = arith.muli %add3A, %mul3A_1 : i32
    "tpu.region"() ({
      %run_scoped3A = tpu.sem_alloc : memref<!tpu.dma_semaphore, #tpu.memory_space<semaphore_mem>>
      %dma_start3A_1087 = tpu.memref_slice %arg2[%mul3A_2] : memref<16384xi32, #tpu.memory_space<hbm>> -> memref<512xi32, #tpu.memory_space<hbm>>
      %dma_start3A_1088 = tpu.memref_slice %arg2[%mul3A_2] : memref<16384xi32, #tpu.memory_space<hbm>> -> memref<512xi32, #tpu.memory_space<hbm>>
      tpu.enqueue_dma source(%dma_start3A_1088 : memref<512xi32, #tpu.memory_space<hbm>>) target(%arg5 : memref<512xi32, #tpu.memory_space<vmem>>) target_semaphore(%run_scoped3A : memref<!tpu.dma_semaphore, #tpu.memory_space<semaphore_mem>>)
      %dma_wait3A_1089 = tpu.memref_slice %arg2[%mul3A_2] : memref<16384xi32, #tpu.memory_space<hbm>> -> memref<512xi32, #tpu.memory_space<hbm>>
      %dma_wait3A_1090 = tpu.memref_slice %arg2[%mul3A_2] : memref<16384xi32, #tpu.memory_space<hbm>> -> memref<512xi32, #tpu.memory_space<hbm>>
      tpu.wait_dma2 semaphore(%run_scoped3A : memref<!tpu.dma_semaphore, #tpu.memory_space<semaphore_mem>>) src(%dma_wait3A_1090 : memref<512xi32, #tpu.memory_space<hbm>>) dst(%arg5 : memref<512xi32, #tpu.memory_space<vmem>>)
      tpu.yield
    }) : () -> ()
    %get3A = arith.constant 0 : index
    %get3A_3 = tpu.vector_load %arg5[%get3A] {strides = array<i32>} : memref<512xi32, #tpu.memory_space<vmem>>, vector<16xi32>,
    %slice3A = vector.extract_strided_slice %get3A_3 {offsets = [0], sizes = [1], strides = [1]} : vector<16xi32> to vector<1xi32>
    %squeeze3A = vector.extract %slice3A[0] : i32 from vector<1xi32>
    %jit3A = arith.constant 8 : i32
    %div3A = arith.divsi %squeeze3A, %jit3A : i32
    %sign3A = arith.constant 0 : i32
    %sign3A_4 = arith.cmpi sgt, %squeeze3A, %sign3A : i32
    %sign3A_5 = arith.extui %sign3A_4 : i1 to i32
    %sign3A_6 = arith.constant 0 : i32
    %sign3A_7 = arith.cmpi slt, %squeeze3A, %sign3A_6 : i32
    %sign3A_8 = arith.extui %sign3A_7 : i1 to i32
    %sign3A_9 = arith.subi %sign3A_5, %sign3A_8 : i32
    %sign3A_10 = arith.constant 0 : i32
    %sign3A_11 = arith.cmpi sgt, %jit3A, %sign3A_10 : i32
    %sign3A_12 = arith.extui %sign3A_11 : i1 to i32
    %sign3A_13 = arith.constant 0 : i32
    %sign3A_14 = arith.cmpi slt, %jit3A, %sign3A_13 : i32
    %sign3A_15 = arith.extui %sign3A_14 : i1 to i32
    %sign3A_16 = arith.subi %sign3A_12, %sign3A_15 : i32
    %ne3A = arith.cmpi ne, %sign3A_9, %sign3A_16 : i32
    %rem3A = arith.remsi %squeeze3A, %jit3A : i32
    %ne3A_17 = arith.constant 0 : i32
    %ne3A_18 = arith.cmpi ne, %rem3A, %ne3A_17 : i32
    %and3A = arith.andi %ne3A, %ne3A_18 : i1
    %sub3A = arith.constant 1 : i32
    %sub3A_19 = arith.subi %div3A, %sub3A : i32
    %select_n3A = arith.select %and3A, %sub3A_19, %div3A : i32
    %dma_start3A = arith.constant 0 : i32
    %dma_start3A_20 = arith.constant 0 : i32
    %dma_start3A_21 = tpu.memref_slice %arg3[%select_n3A, %dma_start3A, %dma_start3A_20] : memref<125000x8x32xf32, #tpu.memory_space<hbm>> -> memref<1x8x32xf32, #tpu.memory_space<hbm>>
    %dma_start3A_22 = tpu.memref_squeeze %dma_start3A_21 : memref<1x8x32xf32, #tpu.memory_space<hbm>> -> memref<8x32xf32, #tpu.memory_space<hbm>>
    %dma_start3A_23 = arith.constant 0 : i32
    %dma_start3A_24 = arith.constant 0 : i32
    %dma_start3A_25 = tpu.memref_slice %arg3[%select_n3A, %dma_start3A_23, %dma_start3A_24] : memref<125000x8x32xf32, #tpu.memory_space<hbm>> -> memref<1x8x32xf32, #tpu.memory_space<hbm>>
    %dma_start3A_26 = tpu.memref_squeeze %dma_start3A_25 : memref<1x8x32xf32, #tpu.memory_space<hbm>> -> memref<8x32xf32, #tpu.memory_space<hbm>>
    tpu.enqueue_dma source(%dma_start3A_26 : memref<8x32xf32, #tpu.memory_space<hbm>>) target(%arg7 : memref<8x32xf32, #tpu.memory_space<vmem>>) target_semaphore(%arg23 : memref<!tpu.dma_semaphore, #tpu.memory_space<semaphore_mem>>)
    %slice3A_27 = vector.extract_strided_slice %get3A_3 {offsets = [1], sizes = [1], strides = [1]} : vector<16xi32> to vector<1xi32>
    %squeeze3A_28 = vector.extract %slice3A_27[0] : i32 from vector<1xi32>
    %jit3A_29 = arith.constant 8 : i32
    %div3A_30 = arith.divsi %squeeze3A_28, %jit3A_29 : i32
    %sign3A_31 = arith.constant 0 : i32
    %sign3A_32 = arith.cmpi sgt, %squeeze3A_28, %sign3A_31 : i32
    %sign3A_33 = arith.extui %sign3A_32 : i1 to i32
    %sign3A_34 = arith.constant 0 : i32
    %sign3A_35 = arith.cmpi slt, %squeeze3A_28, %sign3A_34 : i32
    %sign3A_36 = arith.extui %sign3A_35 : i1 to i32
    %sign3A_37 = arith.subi %sign3A_33, %sign3A_36 : i32
    %sign3A_38 = arith.constant 0 : i32
    %sign3A_39 = arith.cmpi sgt, %jit3A_29, %sign3A_38 : i32
    %sign3A_40 = arith.extui %sign3A_39 : i1 to i32
    %sign3A_41 = arith.constant 0 : i32
    %sign3A_42 = arith.cmpi slt, %jit3A_29, %sign3A_41 : i32
    %sign3A_43 = arith.extui %sign3A_42 : i1 to i32
    %sign3A_44 = arith.subi %sign3A_40, %sign3A_43 : i32
    %ne3A_45 = arith.cmpi ne, %sign3A_37, %sign3A_44 : i32
    %rem3A_46 = arith.remsi %squeeze3A_28, %jit3A_29 : i32
    %ne3A_47 = arith.constant 0 : i32
    %ne3A_48 = arith.cmpi ne, %rem3A_46, %ne3A_47 : i32
    %and3A_49 = arith.andi %ne3A_45, %ne3A_48 : i1
    %sub3A_50 = arith.constant 1 : i32
    %sub3A_51 = arith.subi %div3A_30, %sub3A_50 : i32
    %select_n3A_52 = arith.select %and3A_49, %sub3A_51, %div3A_30 : i32
    %dma_start3A_53 = arith.constant 0 : i32
    %dma_start3A_54 = arith.constant 0 : i32
    %dma_start3A_55 = tpu.memref_slice %arg3[%select_n3A_52, %dma_start3A_53, %dma_start3A_54] : memref<125000x8x32xf32, #tpu.memory_space<hbm>> -> memref<1x8x32xf32, #tpu.memory_space<hbm>>
    %dma_start3A_56 = tpu.memref_squeeze %dma_start3A_55 : memref<1x8x32xf32, #tpu.memory_space<hbm>> -> memref<8x32xf32, #tpu.memory_space<hbm>>
    %dma_start3A_57 = arith.constant 0 : i32
    %dma_start3A_58 = arith.constant 0 : i32
    %dma_start3A_59 = tpu.memref_slice %arg3[%select_n3A_52, %dma_start3A_57, %dma_start3A_58] : memref<125000x8x32xf32, #tpu.memory_space<hbm>> -> memref<1x8x32xf32, #tpu.memory_space<hbm>>
    %dma_start3A_60 = tpu.memref_squeeze %dma_start3A_59 : memref<1x8x32xf32, #tpu.memory_space<hbm>> -> memref<8x32xf32, #tpu.memory_space<hbm>>
    tpu.enqueue_dma source(%dma_start3A_60 : memref<8x32xf32, #tpu.memory_space<hbm>>) target(%arg8 : memref<8x32xf32, #tpu.memory_space<vmem>>) target_semaphore(%arg24 : memref<!tpu.dma_semaphore, #tpu.memory_space<semaphore_mem>>)
    %slice3A_61 = vector.extract_strided_slice %get3A_3 {offsets = [2], sizes = [1], strides = [1]} : vector<16xi32> to vector<1xi32>
    %squeeze3A_62 = vector.extract %slice3A_61[0] : i32 from vector<1xi32>
    %jit3A_63 = arith.constant 8 : i32
    %div3A_64 = arith.divsi %squeeze3A_62, %jit3A_63 : i32
    %sign3A_65 = arith.constant 0 : i32
    %sign3A_66 = arith.cmpi sgt, %squeeze3A_62, %sign3A_65 : i32
    %sign3A_67 = arith.extui %sign3A_66 : i1 to i32
    %sign3A_68 = arith.constant 0 : i32
    %sign3A_69 = arith.cmpi slt, %squeeze3A_62, %sign3A_68 : i32
    %sign3A_70 = arith.extui %sign3A_69 : i1 to i32
    %sign3A_71 = arith.subi %sign3A_67, %sign3A_70 : i32
    %sign3A_72 = arith.constant 0 : i32
    %sign3A_73 = arith.cmpi sgt, %jit3A_63, %sign3A_72 : i32
    %sign3A_74 = arith.extui %sign3A_73 : i1 to i32
    %sign3A_75 = arith.constant 0 : i32
    %sign3A_76 = arith.cmpi slt, %jit3A_63, %sign3A_75 : i32
    %sign3A_77 = arith.extui %sign3A_76 : i1 to i32
    %sign3A_78 = arith.subi %sign3A_74, %sign3A_77 : i32
    %ne3A_79 = arith.cmpi ne, %sign3A_71, %sign3A_78 : i32
    %rem3A_80 = arith.remsi %squeeze3A_62, %jit3A_63 : i32
    %ne3A_81 = arith.constant 0 : i32
    %ne3A_82 = arith.cmpi ne, %rem3A_80, %ne3A_81 : i32
    %and3A_83 = arith.andi %ne3A_79, %ne3A_82 : i1
    %sub3A_84 = arith.constant 1 : i32
    %sub3A_85 = arith.subi %div3A_64, %sub3A_84 : i32
    %select_n3A_86 = arith.select %and3A_83, %sub3A_85, %div3A_64 : i32
    %dma_start3A_87 = arith.constant 0 : i32
    %dma_start3A_88 = arith.constant 0 : i32
    %dma_start3A_89 = tpu.memref_slice %arg3[%select_n3A_86, %dma_start3A_87, %dma_start3A_88] : memref<125000x8x32xf32, #tpu.memory_space<hbm>> -> memref<1x8x32xf32, #tpu.memory_space<hbm>>
    %dma_start3A_90 = tpu.memref_squeeze %dma_start3A_89 : memref<1x8x32xf32, #tpu.memory_space<hbm>> -> memref<8x32xf32, #tpu.memory_space<hbm>>
    %dma_start3A_91 = arith.constant 0 : i32
    %dma_start3A_92 = arith.constant 0 : i32
    %dma_start3A_93 = tpu.memref_slice %arg3[%select_n3A_86, %dma_start3A_91, %dma_start3A_92] : memref<125000x8x32xf32, #tpu.memory_space<hbm>> -> memref<1x8x32xf32, #tpu.memory_space<hbm>>
    %dma_start3A_94 = tpu.memref_squeeze %dma_start3A_93 : memref<1x8x32xf32, #tpu.memory_space<hbm>> -> memref<8x32xf32, #tpu.memory_space<hbm>>
    tpu.enqueue_dma source(%dma_start3A_94 : memref<8x32xf32, #tpu.memory_space<hbm>>) target(%arg9 : memref<8x32xf32, #tpu.memory_space<vmem>>) target_semaphore(%arg25 : memref<!tpu.dma_semaphore, #tpu.memory_space<semaphore_mem>>)
    %slice3A_95 = vector.extract_strided_slice %get3A_3 {offsets = [3], sizes = [1], strides = [1]} : vector<16xi32> to vector<1xi32>
    %squeeze3A_96 = vector.extract %slice3A_95[0] : i32 from vector<1xi32>
    %jit3A_97 = arith.constant 8 : i32
    %div3A_98 = arith.divsi %squeeze3A_96, %jit3A_97 : i32
    %sign3A_99 = arith.constant 0 : i32
    %sign3A_100 = arith.cmpi sgt, %squeeze3A_96, %sign3A_99 : i32
    %sign3A_101 = arith.extui %sign3A_100 : i1 to i32
    %sign3A_102 = arith.constant 0 : i32
    %sign3A_103 = arith.cmpi slt, %squeeze3A_96, %sign3A_102 : i32
    %sign3A_104 = arith.extui %sign3A_103 : i1 to i32
    %sign3A_105 = arith.subi %sign3A_101, %sign3A_104 : i32
    %sign3A_106 = arith.constant 0 : i32
    %sign3A_107 = arith.cmpi sgt, %jit3A_97, %sign3A_106 : i32
    %sign3A_108 = arith.extui %sign3A_107 : i1 to i32
    %sign3A_109 = arith.constant 0 : i32
    %sign3A_110 = arith.cmpi slt, %jit3A_97, %sign3A_109 : i32
    %sign3A_111 = arith.extui %sign3A_110 : i1 to i32
    %sign3A_112 = arith.subi %sign3A_108, %sign3A_111 : i32
    %ne3A_113 = arith.cmpi ne, %sign3A_105, %sign3A_112 : i32
    %rem3A_114 = arith.remsi %squeeze3A_96, %jit3A_97 : i32
    %ne3A_115 = arith.constant 0 : i32
    %ne3A_116 = arith.cmpi ne, %rem3A_114, %ne3A_115 : i32
    %and3A_117 = arith.andi %ne3A_113, %ne3A_116 : i1
    %sub3A_118 = arith.constant 1 : i32
    %sub3A_119 = arith.subi %div3A_98, %sub3A_118 : i32
    %select_n3A_120 = arith.select %and3A_117, %sub3A_119, %div3A_98 : i32
    %dma_start3A_121 = arith.constant 0 : i32
    %dma_start3A_122 = arith.constant 0 : i32
    %dma_start3A_123 = tpu.memref_slice %arg3[%select_n3A_120, %dma_start3A_121, %dma_start3A_122] : memref<125000x8x32xf32, #tpu.memory_space<hbm>> -> memref<1x8x32xf32, #tpu.memory_space<hbm>>
    %dma_start3A_124 = tpu.memref_squeeze %dma_start3A_123 : memref<1x8x32xf32, #tpu.memory_space<hbm>> -> memref<8x32xf32, #tpu.memory_space<hbm>>
    %dma_start3A_125 = arith.constant 0 : i32
    %dma_start3A_126 = arith.constant 0 : i32
    %dma_start3A_127 = tpu.memref_slice %arg3[%select_n3A_120, %dma_start3A_125, %dma_start3A_126] : memref<125000x8x32xf32, #tpu.memory_space<hbm>> -> memref<1x8x32xf32, #tpu.memory_space<hbm>>
    %dma_start3A_128 = tpu.memref_squeeze %dma_start3A_127 : memref<1x8x32xf32, #tpu.memory_space<hbm>> -> memref<8x32xf32, #tpu.memory_space<hbm>>
    tpu.enqueue_dma source(%dma_start3A_128 : memref<8x32xf32, #tpu.memory_space<hbm>>) target(%arg10 : memref<8x32xf32, #tpu.memory_space<vmem>>) target_semaphore(%arg26 : memref<!tpu.dma_semaphore, #tpu.memory_space<semaphore_mem>>)
    %slice3A_129 = vector.extract_strided_slice %get3A_3 {offsets = [4], sizes = [1], strides = [1]} : vector<16xi32> to vector<1xi32>
    %squeeze3A_130 = vector.extract %slice3A_129[0] : i32 from vector<1xi32>
    %jit3A_131 = arith.constant 8 : i32
    %div3A_132 = arith.divsi %squeeze3A_130, %jit3A_131 : i32
    %sign3A_133 = arith.constant 0 : i32
    %sign3A_134 = arith.cmpi sgt, %squeeze3A_130, %sign3A_133 : i32
    %sign3A_135 = arith.extui %sign3A_134 : i1 to i32
    %sign3A_136 = arith.constant 0 : i32
    %sign3A_137 = arith.cmpi slt, %squeeze3A_130, %sign3A_136 : i32
    %sign3A_138 = arith.extui %sign3A_137 : i1 to i32
    %sign3A_139 = arith.subi %sign3A_135, %sign3A_138 : i32
    %sign3A_140 = arith.constant 0 : i32
    %sign3A_141 = arith.cmpi sgt, %jit3A_131, %sign3A_140 : i32
    %sign3A_142 = arith.extui %sign3A_141 : i1 to i32
    %sign3A_143 = arith.constant 0 : i32
    %sign3A_144 = arith.cmpi slt, %jit3A_131, %sign3A_143 : i32
    %sign3A_145 = arith.extui %sign3A_144 : i1 to i32
    %sign3A_146 = arith.subi %sign3A_142, %sign3A_145 : i32
    %ne3A_147 = arith.cmpi ne, %sign3A_139, %sign3A_146 : i32
    %rem3A_148 = arith.remsi %squeeze3A_130, %jit3A_131 : i32
    %ne3A_149 = arith.constant 0 : i32
    %ne3A_150 = arith.cmpi ne, %rem3A_148, %ne3A_149 : i32
    %and3A_151 = arith.andi %ne3A_147, %ne3A_150 : i1
    %sub3A_152 = arith.constant 1 : i32
    %sub3A_153 = arith.subi %div3A_132, %sub3A_152 : i32
    %select_n3A_154 = arith.select %and3A_151, %sub3A_153, %div3A_132 : i32
    %dma_start3A_155 = arith.constant 0 : i32
    %dma_start3A_156 = arith.constant 0 : i32
    %dma_start3A_157 = tpu.memref_slice %arg3[%select_n3A_154, %dma_start3A_155, %dma_start3A_156] : memref<125000x8x32xf32, #tpu.memory_space<hbm>> -> memref<1x8x32xf32, #tpu.memory_space<hbm>>
    %dma_start3A_158 = tpu.memref_squeeze %dma_start3A_157 : memref<1x8x32xf32, #tpu.memory_space<hbm>> -> memref<8x32xf32, #tpu.memory_space<hbm>>
    %dma_start3A_159 = arith.constant 0 : i32
    %dma_start3A_160 = arith.constant 0 : i32
    %dma_start3A_161 = tpu.memref_slice %arg3[%select_n3A_154, %dma_start3A_159, %dma_start3A_160] : memref<125000x8x32xf32, #tpu.memory_space<hbm>> -> memref<1x8x32xf32, #tpu.memory_space<hbm>>
    %dma_start3A_162 = tpu.memref_squeeze %dma_start3A_161 : memref<1x8x32xf32, #tpu.memory_space<hbm>> -> memref<8x32xf32, #tpu.memory_space<hbm>>
    tpu.enqueue_dma source(%dma_start3A_162 : memref<8x32xf32, #tpu.memory_space<hbm>>) target(%arg11 : memref<8x32xf32, #tpu.memory_space<vmem>>) target_semaphore(%arg27 : memref<!tpu.dma_semaphore, #tpu.memory_space<semaphore_mem>>)
    %slice3A_163 = vector.extract_strided_slice %get3A_3 {offsets = [5], sizes = [1], strides = [1]} : vector<16xi32> to vector<1xi32>
    %squeeze3A_164 = vector.extract %slice3A_163[0] : i32 from vector<1xi32>
    %jit3A_165 = arith.constant 8 : i32
    %div3A_166 = arith.divsi %squeeze3A_164, %jit3A_165 : i32
    %sign3A_167 = arith.constant 0 : i32
    %sign3A_168 = arith.cmpi sgt, %squeeze3A_164, %sign3A_167 : i32
    %sign3A_169 = arith.extui %sign3A_168 : i1 to i32
    %sign3A_170 = arith.constant 0 : i32
    %sign3A_171 = arith.cmpi slt, %squeeze3A_164, %sign3A_170 : i32
    %sign3A_172 = arith.extui %sign3A_171 : i1 to i32
    %sign3A_173 = arith.subi %sign3A_169, %sign3A_172 : i32
    %sign3A_174 = arith.constant 0 : i32
    %sign3A_175 = arith.cmpi sgt, %jit3A_165, %sign3A_174 : i32
    %sign3A_176 = arith.extui %sign3A_175 : i1 to i32
    %sign3A_177 = arith.constant 0 : i32
    %sign3A_178 = arith.cmpi slt, %jit3A_165, %sign3A_177 : i32
    %sign3A_179 = arith.extui %sign3A_178 : i1 to i32
    %sign3A_180 = arith.subi %sign3A_176, %sign3A_179 : i32
    %ne3A_181 = arith.cmpi ne, %sign3A_173, %sign3A_180 : i32
    %rem3A_182 = arith.remsi %squeeze3A_164, %jit3A_165 : i32
    %ne3A_183 = arith.constant 0 : i32
    %ne3A_184 = arith.cmpi ne, %rem3A_182, %ne3A_183 : i32
    %and3A_185 = arith.andi %ne3A_181, %ne3A_184 : i1
    %sub3A_186 = arith.constant 1 : i32
    %sub3A_187 = arith.subi %div3A_166, %sub3A_186 : i32
    %select_n3A_188 = arith.select %and3A_185, %sub3A_187, %div3A_166 : i32
    %dma_start3A_189 = arith.constant 0 : i32
    %dma_start3A_190 = arith.constant 0 : i32
    %dma_start3A_191 = tpu.memref_slice %arg3[%select_n3A_188, %dma_start3A_189, %dma_start3A_190] : memref<125000x8x32xf32, #tpu.memory_space<hbm>> -> memref<1x8x32xf32, #tpu.memory_space<hbm>>
    %dma_start3A_192 = tpu.memref_squeeze %dma_start3A_191 : memref<1x8x32xf32, #tpu.memory_space<hbm>> -> memref<8x32xf32, #tpu.memory_space<hbm>>
    %dma_start3A_193 = arith.constant 0 : i32
    %dma_start3A_194 = arith.constant 0 : i32
    %dma_start3A_195 = tpu.memref_slice %arg3[%select_n3A_188, %dma_start3A_193, %dma_start3A_194] : memref<125000x8x32xf32, #tpu.memory_space<hbm>> -> memref<1x8x32xf32, #tpu.memory_space<hbm>>
    %dma_start3A_196 = tpu.memref_squeeze %dma_start3A_195 : memref<1x8x32xf32, #tpu.memory_space<hbm>> -> memref<8x32xf32, #tpu.memory_space<hbm>>
    tpu.enqueue_dma source(%dma_start3A_196 : memref<8x32xf32, #tpu.memory_space<hbm>>) target(%arg12 : memref<8x32xf32, #tpu.memory_space<vmem>>) target_semaphore(%arg28 : memref<!tpu.dma_semaphore, #tpu.memory_space<semaphore_mem>>)
    %slice3A_197 = vector.extract_strided_slice %get3A_3 {offsets = [6], sizes = [1], strides = [1]} : vector<16xi32> to vector<1xi32>
    %squeeze3A_198 = vector.extract %slice3A_197[0] : i32 from vector<1xi32>
    %jit3A_199 = arith.constant 8 : i32
    %div3A_200 = arith.divsi %squeeze3A_198, %jit3A_199 : i32
    %sign3A_201 = arith.constant 0 : i32
    %sign3A_202 = arith.cmpi sgt, %squeeze3A_198, %sign3A_201 : i32
    %sign3A_203 = arith.extui %sign3A_202 : i1 to i32
    %sign3A_204 = arith.constant 0 : i32
    %sign3A_205 = arith.cmpi slt, %squeeze3A_198, %sign3A_204 : i32
    %sign3A_206 = arith.extui %sign3A_205 : i1 to i32
    %sign3A_207 = arith.subi %sign3A_203, %sign3A_206 : i32
    %sign3A_208 = arith.constant 0 : i32
    %sign3A_209 = arith.cmpi sgt, %jit3A_199, %sign3A_208 : i32
    %sign3A_210 = arith.extui %sign3A_209 : i1 to i32
    %sign3A_211 = arith.constant 0 : i32
    %sign3A_212 = arith.cmpi slt, %jit3A_199, %sign3A_211 : i32
    %sign3A_213 = arith.extui %sign3A_212 : i1 to i32
    %sign3A_214 = arith.subi %sign3A_210, %sign3A_213 : i32
    %ne3A_215 = arith.cmpi ne, %sign3A_207, %sign3A_214 : i32
    %rem3A_216 = arith.remsi %squeeze3A_198, %jit3A_199 : i32
    %ne3A_217 = arith.constant 0 : i32
    %ne3A_218 = arith.cmpi ne, %rem3A_216, %ne3A_217 : i32
    %and3A_219 = arith.andi %ne3A_215, %ne3A_218 : i1
    %sub3A_220 = arith.constant 1 : i32
    %sub3A_221 = arith.subi %div3A_200, %sub3A_220 : i32
    %select_n3A_222 = arith.select %and3A_219, %sub3A_221, %div3A_200 : i32
    %dma_start3A_223 = arith.constant 0 : i32
    %dma_start3A_224 = arith.constant 0 : i32
    %dma_start3A_225 = tpu.memref_slice %arg3[%select_n3A_222, %dma_start3A_223, %dma_start3A_224] : memref<125000x8x32xf32, #tpu.memory_space<hbm>> -> memref<1x8x32xf32, #tpu.memory_space<hbm>>
    %dma_start3A_226 = tpu.memref_squeeze %dma_start3A_225 : memref<1x8x32xf32, #tpu.memory_space<hbm>> -> memref<8x32xf32, #tpu.memory_space<hbm>>
    %dma_start3A_227 = arith.constant 0 : i32
    %dma_start3A_228 = arith.constant 0 : i32
    %dma_start3A_229 = tpu.memref_slice %arg3[%select_n3A_222, %dma_start3A_227, %dma_start3A_228] : memref<125000x8x32xf32, #tpu.memory_space<hbm>> -> memref<1x8x32xf32, #tpu.memory_space<hbm>>
    %dma_start3A_230 = tpu.memref_squeeze %dma_start3A_229 : memref<1x8x32xf32, #tpu.memory_space<hbm>> -> memref<8x32xf32, #tpu.memory_space<hbm>>
    tpu.enqueue_dma source(%dma_start3A_230 : memref<8x32xf32, #tpu.memory_space<hbm>>) target(%arg13 : memref<8x32xf32, #tpu.memory_space<vmem>>) target_semaphore(%arg29 : memref<!tpu.dma_semaphore, #tpu.memory_space<semaphore_mem>>)
    %slice3A_231 = vector.extract_strided_slice %get3A_3 {offsets = [7], sizes = [1], strides = [1]} : vector<16xi32> to vector<1xi32>
    %squeeze3A_232 = vector.extract %slice3A_231[0] : i32 from vector<1xi32>
    %jit3A_233 = arith.constant 8 : i32
    %div3A_234 = arith.divsi %squeeze3A_232, %jit3A_233 : i32
    %sign3A_235 = arith.constant 0 : i32
    %sign3A_236 = arith.cmpi sgt, %squeeze3A_232, %sign3A_235 : i32
    %sign3A_237 = arith.extui %sign3A_236 : i1 to i32
    %sign3A_238 = arith.constant 0 : i32
    %sign3A_239 = arith.cmpi slt, %squeeze3A_232, %sign3A_238 : i32
    %sign3A_240 = arith.extui %sign3A_239 : i1 to i32
    %sign3A_241 = arith.subi %sign3A_237, %sign3A_240 : i32
    %sign3A_242 = arith.constant 0 : i32
    %sign3A_243 = arith.cmpi sgt, %jit3A_233, %sign3A_242 : i32
    %sign3A_244 = arith.extui %sign3A_243 : i1 to i32
    %sign3A_245 = arith.constant 0 : i32
    %sign3A_246 = arith.cmpi slt, %jit3A_233, %sign3A_245 : i32
    %sign3A_247 = arith.extui %sign3A_246 : i1 to i32
    %sign3A_248 = arith.subi %sign3A_244, %sign3A_247 : i32
    %ne3A_249 = arith.cmpi ne, %sign3A_241, %sign3A_248 : i32
    %rem3A_250 = arith.remsi %squeeze3A_232, %jit3A_233 : i32
    %ne3A_251 = arith.constant 0 : i32
    %ne3A_252 = arith.cmpi ne, %rem3A_250, %ne3A_251 : i32
    %and3A_253 = arith.andi %ne3A_249, %ne3A_252 : i1
    %sub3A_254 = arith.constant 1 : i32
    %sub3A_255 = arith.subi %div3A_234, %sub3A_254 : i32
    %select_n3A_256 = arith.select %and3A_253, %sub3A_255, %div3A_234 : i32
    %dma_start3A_257 = arith.constant 0 : i32
    %dma_start3A_258 = arith.constant 0 : i32
    %dma_start3A_259 = tpu.memref_slice %arg3[%select_n3A_256, %dma_start3A_257, %dma_start3A_258] : memref<125000x8x32xf32, #tpu.memory_space<hbm>> -> memref<1x8x32xf32, #tpu.memory_space<hbm>>
    %dma_start3A_260 = tpu.memref_squeeze %dma_start3A_259 : memref<1x8x32xf32, #tpu.memory_space<hbm>> -> memref<8x32xf32, #tpu.memory_space<hbm>>
    %dma_start3A_261 = arith.constant 0 : i32
    %dma_start3A_262 = arith.constant 0 : i32
    %dma_start3A_263 = tpu.memref_slice %arg3[%select_n3A_256, %dma_start3A_261, %dma_start3A_262] : memref<125000x8x32xf32, #tpu.memory_space<hbm>> -> memref<1x8x32xf32, #tpu.memory_space<hbm>>
    %dma_start3A_264 = tpu.memref_squeeze %dma_start3A_263 : memref<1x8x32xf32, #tpu.memory_space<hbm>> -> memref<8x32xf32, #tpu.memory_space<hbm>>
    tpu.enqueue_dma source(%dma_start3A_264 : memref<8x32xf32, #tpu.memory_space<hbm>>) target(%arg14 : memref<8x32xf32, #tpu.memory_space<vmem>>) target_semaphore(%arg30 : memref<!tpu.dma_semaphore, #tpu.memory_space<semaphore_mem>>)
    %slice3A_265 = vector.extract_strided_slice %get3A_3 {offsets = [8], sizes = [1], strides = [1]} : vector<16xi32> to vector<1xi32>
    %squeeze3A_266 = vector.extract %slice3A_265[0] : i32 from vector<1xi32>
    %jit3A_267 = arith.constant 8 : i32
    %div3A_268 = arith.divsi %squeeze3A_266, %jit3A_267 : i32
    %sign3A_269 = arith.constant 0 : i32
    %sign3A_270 = arith.cmpi sgt, %squeeze3A_266, %sign3A_269 : i32
    %sign3A_271 = arith.extui %sign3A_270 : i1 to i32
    %sign3A_272 = arith.constant 0 : i32
    %sign3A_273 = arith.cmpi slt, %squeeze3A_266, %sign3A_272 : i32
    %sign3A_274 = arith.extui %sign3A_273 : i1 to i32
    %sign3A_275 = arith.subi %sign3A_271, %sign3A_274 : i32
    %sign3A_276 = arith.constant 0 : i32
    %sign3A_277 = arith.cmpi sgt, %jit3A_267, %sign3A_276 : i32
    %sign3A_278 = arith.extui %sign3A_277 : i1 to i32
    %sign3A_279 = arith.constant 0 : i32
    %sign3A_280 = arith.cmpi slt, %jit3A_267, %sign3A_279 : i32
    %sign3A_281 = arith.extui %sign3A_280 : i1 to i32
    %sign3A_282 = arith.subi %sign3A_278, %sign3A_281 : i32
    %ne3A_283 = arith.cmpi ne, %sign3A_275, %sign3A_282 : i32
    %rem3A_284 = arith.remsi %squeeze3A_266, %jit3A_267 : i32
    %ne3A_285 = arith.constant 0 : i32
    %ne3A_286 = arith.cmpi ne, %rem3A_284, %ne3A_285 : i32
    %and3A_287 = arith.andi %ne3A_283, %ne3A_286 : i1
    %sub3A_288 = arith.constant 1 : i32
    %sub3A_289 = arith.subi %div3A_268, %sub3A_288 : i32
    %select_n3A_290 = arith.select %and3A_287, %sub3A_289, %div3A_268 : i32
    %dma_start3A_291 = arith.constant 0 : i32
    %dma_start3A_292 = arith.constant 0 : i32
    %dma_start3A_293 = tpu.memref_slice %arg3[%select_n3A_290, %dma_start3A_291, %dma_start3A_292] : memref<125000x8x32xf32, #tpu.memory_space<hbm>> -> memref<1x8x32xf32, #tpu.memory_space<hbm>>
    %dma_start3A_294 = tpu.memref_squeeze %dma_start3A_293 : memref<1x8x32xf32, #tpu.memory_space<hbm>> -> memref<8x32xf32, #tpu.memory_space<hbm>>
    %dma_start3A_295 = arith.constant 0 : i32
    %dma_start3A_296 = arith.constant 0 : i32
    %dma_start3A_297 = tpu.memref_slice %arg3[%select_n3A_290, %dma_start3A_295, %dma_start3A_296] : memref<125000x8x32xf32, #tpu.memory_space<hbm>> -> memref<1x8x32xf32, #tpu.memory_space<hbm>>
    %dma_start3A_298 = tpu.memref_squeeze %dma_start3A_297 : memref<1x8x32xf32, #tpu.memory_space<hbm>> -> memref<8x32xf32, #tpu.memory_space<hbm>>
    tpu.enqueue_dma source(%dma_start3A_298 : memref<8x32xf32, #tpu.memory_space<hbm>>) target(%arg15 : memref<8x32xf32, #tpu.memory_space<vmem>>) target_semaphore(%arg31 : memref<!tpu.dma_semaphore, #tpu.memory_space<semaphore_mem>>)
    %slice3A_299 = vector.extract_strided_slice %get3A_3 {offsets = [9], sizes = [1], strides = [1]} : vector<16xi32> to vector<1xi32>
    %squeeze3A_300 = vector.extract %slice3A_299[0] : i32 from vector<1xi32>
    %jit3A_301 = arith.constant 8 : i32
    %div3A_302 = arith.divsi %squeeze3A_300, %jit3A_301 : i32
    %sign3A_303 = arith.constant 0 : i32
    %sign3A_304 = arith.cmpi sgt, %squeeze3A_300, %sign3A_303 : i32
    %sign3A_305 = arith.extui %sign3A_304 : i1 to i32
    %sign3A_306 = arith.constant 0 : i32
    %sign3A_307 = arith.cmpi slt, %squeeze3A_300, %sign3A_306 : i32
    %sign3A_308 = arith.extui %sign3A_307 : i1 to i32
    %sign3A_309 = arith.subi %sign3A_305, %sign3A_308 : i32
    %sign3A_310 = arith.constant 0 : i32
    %sign3A_311 = arith.cmpi sgt, %jit3A_301, %sign3A_310 : i32
    %sign3A_312 = arith.extui %sign3A_311 : i1 to i32
    %sign3A_313 = arith.constant 0 : i32
    %sign3A_314 = arith.cmpi slt, %jit3A_301, %sign3A_313 : i32
    %sign3A_315 = arith.extui %sign3A_314 : i1 to i32
    %sign3A_316 = arith.subi %sign3A_312, %sign3A_315 : i32
    %ne3A_317 = arith.cmpi ne, %sign3A_309, %sign3A_316 : i32
    %rem3A_318 = arith.remsi %squeeze3A_300, %jit3A_301 : i32
    %ne3A_319 = arith.constant 0 : i32
    %ne3A_320 = arith.cmpi ne, %rem3A_318, %ne3A_319 : i32
    %and3A_321 = arith.andi %ne3A_317, %ne3A_320 : i1
    %sub3A_322 = arith.constant 1 : i32
    %sub3A_323 = arith.subi %div3A_302, %sub3A_322 : i32
    %select_n3A_324 = arith.select %and3A_321, %sub3A_323, %div3A_302 : i32
    %dma_start3A_325 = arith.constant 0 : i32
    %dma_start3A_326 = arith.constant 0 : i32
    %dma_start3A_327 = tpu.memref_slice %arg3[%select_n3A_324, %dma_start3A_325, %dma_start3A_326] : memref<125000x8x32xf32, #tpu.memory_space<hbm>> -> memref<1x8x32xf32, #tpu.memory_space<hbm>>
    %dma_start3A_328 = tpu.memref_squeeze %dma_start3A_327 : memref<1x8x32xf32, #tpu.memory_space<hbm>> -> memref<8x32xf32, #tpu.memory_space<hbm>>
    %dma_start3A_329 = arith.constant 0 : i32
    %dma_start3A_330 = arith.constant 0 : i32
    %dma_start3A_331 = tpu.memref_slice %arg3[%select_n3A_324, %dma_start3A_329, %dma_start3A_330] : memref<125000x8x32xf32, #tpu.memory_space<hbm>> -> memref<1x8x32xf32, #tpu.memory_space<hbm>>
    %dma_start3A_332 = tpu.memref_squeeze %dma_start3A_331 : memref<1x8x32xf32, #tpu.memory_space<hbm>> -> memref<8x32xf32, #tpu.memory_space<hbm>>
    tpu.enqueue_dma source(%dma_start3A_332 : memref<8x32xf32, #tpu.memory_space<hbm>>) target(%arg16 : memref<8x32xf32, #tpu.memory_space<vmem>>) target_semaphore(%arg32 : memref<!tpu.dma_semaphore, #tpu.memory_space<semaphore_mem>>)
    %slice3A_333 = vector.extract_strided_slice %get3A_3 {offsets = [10], sizes = [1], strides = [1]} : vector<16xi32> to vector<1xi32>
    %squeeze3A_334 = vector.extract %slice3A_333[0] : i32 from vector<1xi32>
    %jit3A_335 = arith.constant 8 : i32
    %div3A_336 = arith.divsi %squeeze3A_334, %jit3A_335 : i32
    %sign3A_337 = arith.constant 0 : i32
    %sign3A_338 = arith.cmpi sgt, %squeeze3A_334, %sign3A_337 : i32
    %sign3A_339 = arith.extui %sign3A_338 : i1 to i32
    %sign3A_340 = arith.constant 0 : i32
    %sign3A_341 = arith.cmpi slt, %squeeze3A_334, %sign3A_340 : i32
    %sign3A_342 = arith.extui %sign3A_341 : i1 to i32
    %sign3A_343 = arith.subi %sign3A_339, %sign3A_342 : i32
    %sign3A_344 = arith.constant 0 : i32
    %sign3A_345 = arith.cmpi sgt, %jit3A_335, %sign3A_344 : i32
    %sign3A_346 = arith.extui %sign3A_345 : i1 to i32
    %sign3A_347 = arith.constant 0 : i32
    %sign3A_348 = arith.cmpi slt, %jit3A_335, %sign3A_347 : i32
    %sign3A_349 = arith.extui %sign3A_348 : i1 to i32
    %sign3A_350 = arith.subi %sign3A_346, %sign3A_349 : i32
    %ne3A_351 = arith.cmpi ne, %sign3A_343, %sign3A_350 : i32
    %rem3A_352 = arith.remsi %squeeze3A_334, %jit3A_335 : i32
    %ne3A_353 = arith.constant 0 : i32
    %ne3A_354 = arith.cmpi ne, %rem3A_352, %ne3A_353 : i32
    %and3A_355 = arith.andi %ne3A_351, %ne3A_354 : i1
    %sub3A_356 = arith.constant 1 : i32
    %sub3A_357 = arith.subi %div3A_336, %sub3A_356 : i32
    %select_n3A_358 = arith.select %and3A_355, %sub3A_357, %div3A_336 : i32
    %dma_start3A_359 = arith.constant 0 : i32
    %dma_start3A_360 = arith.constant 0 : i32
    %dma_start3A_361 = tpu.memref_slice %arg3[%select_n3A_358, %dma_start3A_359, %dma_start3A_360] : memref<125000x8x32xf32, #tpu.memory_space<hbm>> -> memref<1x8x32xf32, #tpu.memory_space<hbm>>
    %dma_start3A_362 = tpu.memref_squeeze %dma_start3A_361 : memref<1x8x32xf32, #tpu.memory_space<hbm>> -> memref<8x32xf32, #tpu.memory_space<hbm>>
    %dma_start3A_363 = arith.constant 0 : i32
    %dma_start3A_364 = arith.constant 0 : i32
    %dma_start3A_365 = tpu.memref_slice %arg3[%select_n3A_358, %dma_start3A_363, %dma_start3A_364] : memref<125000x8x32xf32, #tpu.memory_space<hbm>> -> memref<1x8x32xf32, #tpu.memory_space<hbm>>
    %dma_start3A_366 = tpu.memref_squeeze %dma_start3A_365 : memref<1x8x32xf32, #tpu.memory_space<hbm>> -> memref<8x32xf32, #tpu.memory_space<hbm>>
    tpu.enqueue_dma source(%dma_start3A_366 : memref<8x32xf32, #tpu.memory_space<hbm>>) target(%arg17 : memref<8x32xf32, #tpu.memory_space<vmem>>) target_semaphore(%arg33 : memref<!tpu.dma_semaphore, #tpu.memory_space<semaphore_mem>>)
    %slice3A_367 = vector.extract_strided_slice %get3A_3 {offsets = [11], sizes = [1], strides = [1]} : vector<16xi32> to vector<1xi32>
    %squeeze3A_368 = vector.extract %slice3A_367[0] : i32 from vector<1xi32>
    %jit3A_369 = arith.constant 8 : i32
    %div3A_370 = arith.divsi %squeeze3A_368, %jit3A_369 : i32
    %sign3A_371 = arith.constant 0 : i32
    %sign3A_372 = arith.cmpi sgt, %squeeze3A_368, %sign3A_371 : i32
    %sign3A_373 = arith.extui %sign3A_372 : i1 to i32
    %sign3A_374 = arith.constant 0 : i32
    %sign3A_375 = arith.cmpi slt, %squeeze3A_368, %sign3A_374 : i32
    %sign3A_376 = arith.extui %sign3A_375 : i1 to i32
    %sign3A_377 = arith.subi %sign3A_373, %sign3A_376 : i32
    %sign3A_378 = arith.constant 0 : i32
    %sign3A_379 = arith.cmpi sgt, %jit3A_369, %sign3A_378 : i32
    %sign3A_380 = arith.extui %sign3A_379 : i1 to i32
    %sign3A_381 = arith.constant 0 : i32
    %sign3A_382 = arith.cmpi slt, %jit3A_369, %sign3A_381 : i32
    %sign3A_383 = arith.extui %sign3A_382 : i1 to i32
    %sign3A_384 = arith.subi %sign3A_380, %sign3A_383 : i32
    %ne3A_385 = arith.cmpi ne, %sign3A_377, %sign3A_384 : i32
    %rem3A_386 = arith.remsi %squeeze3A_368, %jit3A_369 : i32
    %ne3A_387 = arith.constant 0 : i32
    %ne3A_388 = arith.cmpi ne, %rem3A_386, %ne3A_387 : i32
    %and3A_389 = arith.andi %ne3A_385, %ne3A_388 : i1
    %sub3A_390 = arith.constant 1 : i32
    %sub3A_391 = arith.subi %div3A_370, %sub3A_390 : i32
    %select_n3A_392 = arith.select %and3A_389, %sub3A_391, %div3A_370 : i32
    %dma_start3A_393 = arith.constant 0 : i32
    %dma_start3A_394 = arith.constant 0 : i32
    %dma_start3A_395 = tpu.memref_slice %arg3[%select_n3A_392, %dma_start3A_393, %dma_start3A_394] : memref<125000x8x32xf32, #tpu.memory_space<hbm>> -> memref<1x8x32xf32, #tpu.memory_space<hbm>>
    %dma_start3A_396 = tpu.memref_squeeze %dma_start3A_395 : memref<1x8x32xf32, #tpu.memory_space<hbm>> -> memref<8x32xf32, #tpu.memory_space<hbm>>
    %dma_start3A_397 = arith.constant 0 : i32
    %dma_start3A_398 = arith.constant 0 : i32
    %dma_start3A_399 = tpu.memref_slice %arg3[%select_n3A_392, %dma_start3A_397, %dma_start3A_398] : memref<125000x8x32xf32, #tpu.memory_space<hbm>> -> memref<1x8x32xf32, #tpu.memory_space<hbm>>
    %dma_start3A_400 = tpu.memref_squeeze %dma_start3A_399 : memref<1x8x32xf32, #tpu.memory_space<hbm>> -> memref<8x32xf32, #tpu.memory_space<hbm>>
    tpu.enqueue_dma source(%dma_start3A_400 : memref<8x32xf32, #tpu.memory_space<hbm>>) target(%arg18 : memref<8x32xf32, #tpu.memory_space<vmem>>) target_semaphore(%arg34 : memref<!tpu.dma_semaphore, #tpu.memory_space<semaphore_mem>>)
    %slice3A_401 = vector.extract_strided_slice %get3A_3 {offsets = [12], sizes = [1], strides = [1]} : vector<16xi32> to vector<1xi32>
    %squeeze3A_402 = vector.extract %slice3A_401[0] : i32 from vector<1xi32>
    %jit3A_403 = arith.constant 8 : i32
    %div3A_404 = arith.divsi %squeeze3A_402, %jit3A_403 : i32
    %sign3A_405 = arith.constant 0 : i32
    %sign3A_406 = arith.cmpi sgt, %squeeze3A_402, %sign3A_405 : i32
    %sign3A_407 = arith.extui %sign3A_406 : i1 to i32
    %sign3A_408 = arith.constant 0 : i32
    %sign3A_409 = arith.cmpi slt, %squeeze3A_402, %sign3A_408 : i32
    %sign3A_410 = arith.extui %sign3A_409 : i1 to i32
    %sign3A_411 = arith.subi %sign3A_407, %sign3A_410 : i32
    %sign3A_412 = arith.constant 0 : i32
    %sign3A_413 = arith.cmpi sgt, %jit3A_403, %sign3A_412 : i32
    %sign3A_414 = arith.extui %sign3A_413 : i1 to i32
    %sign3A_415 = arith.constant 0 : i32
    %sign3A_416 = arith.cmpi slt, %jit3A_403, %sign3A_415 : i32
    %sign3A_417 = arith.extui %sign3A_416 : i1 to i32
    %sign3A_418 = arith.subi %sign3A_414, %sign3A_417 : i32
    %ne3A_419 = arith.cmpi ne, %sign3A_411, %sign3A_418 : i32
    %rem3A_420 = arith.remsi %squeeze3A_402, %jit3A_403 : i32
    %ne3A_421 = arith.constant 0 : i32
    %ne3A_422 = arith.cmpi ne, %rem3A_420, %ne3A_421 : i32
    %and3A_423 = arith.andi %ne3A_419, %ne3A_422 : i1
    %sub3A_424 = arith.constant 1 : i32
    %sub3A_425 = arith.subi %div3A_404, %sub3A_424 : i32
    %select_n3A_426 = arith.select %and3A_423, %sub3A_425, %div3A_404 : i32
    %dma_start3A_427 = arith.constant 0 : i32
    %dma_start3A_428 = arith.constant 0 : i32
    %dma_start3A_429 = tpu.memref_slice %arg3[%select_n3A_426, %dma_start3A_427, %dma_start3A_428] : memref<125000x8x32xf32, #tpu.memory_space<hbm>> -> memref<1x8x32xf32, #tpu.memory_space<hbm>>
    %dma_start3A_430 = tpu.memref_squeeze %dma_start3A_429 : memref<1x8x32xf32, #tpu.memory_space<hbm>> -> memref<8x32xf32, #tpu.memory_space<hbm>>
    %dma_start3A_431 = arith.constant 0 : i32
    %dma_start3A_432 = arith.constant 0 : i32
    %dma_start3A_433 = tpu.memref_slice %arg3[%select_n3A_426, %dma_start3A_431, %dma_start3A_432] : memref<125000x8x32xf32, #tpu.memory_space<hbm>> -> memref<1x8x32xf32, #tpu.memory_space<hbm>>
    %dma_start3A_434 = tpu.memref_squeeze %dma_start3A_433 : memref<1x8x32xf32, #tpu.memory_space<hbm>> -> memref<8x32xf32, #tpu.memory_space<hbm>>
    tpu.enqueue_dma source(%dma_start3A_434 : memref<8x32xf32, #tpu.memory_space<hbm>>) target(%arg19 : memref<8x32xf32, #tpu.memory_space<vmem>>) target_semaphore(%arg35 : memref<!tpu.dma_semaphore, #tpu.memory_space<semaphore_mem>>)
    %slice3A_435 = vector.extract_strided_slice %get3A_3 {offsets = [13], sizes = [1], strides = [1]} : vector<16xi32> to vector<1xi32>
    %squeeze3A_436 = vector.extract %slice3A_435[0] : i32 from vector<1xi32>
    %jit3A_437 = arith.constant 8 : i32
    %div3A_438 = arith.divsi %squeeze3A_436, %jit3A_437 : i32
    %sign3A_439 = arith.constant 0 : i32
    %sign3A_440 = arith.cmpi sgt, %squeeze3A_436, %sign3A_439 : i32
    %sign3A_441 = arith.extui %sign3A_440 : i1 to i32
    %sign3A_442 = arith.constant 0 : i32
    %sign3A_443 = arith.cmpi slt, %squeeze3A_436, %sign3A_442 : i32
    %sign3A_444 = arith.extui %sign3A_443 : i1 to i32
    %sign3A_445 = arith.subi %sign3A_441, %sign3A_444 : i32
    %sign3A_446 = arith.constant 0 : i32
    %sign3A_447 = arith.cmpi sgt, %jit3A_437, %sign3A_446 : i32
    %sign3A_448 = arith.extui %sign3A_447 : i1 to i32
    %sign3A_449 = arith.constant 0 : i32
    %sign3A_450 = arith.cmpi slt, %jit3A_437, %sign3A_449 : i32
    %sign3A_451 = arith.extui %sign3A_450 : i1 to i32
    %sign3A_452 = arith.subi %sign3A_448, %sign3A_451 : i32
    %ne3A_453 = arith.cmpi ne, %sign3A_445, %sign3A_452 : i32
    %rem3A_454 = arith.remsi %squeeze3A_436, %jit3A_437 : i32
    %ne3A_455 = arith.constant 0 : i32
    %ne3A_456 = arith.cmpi ne, %rem3A_454, %ne3A_455 : i32
    %and3A_457 = arith.andi %ne3A_453, %ne3A_456 : i1
    %sub3A_458 = arith.constant 1 : i32
    %sub3A_459 = arith.subi %div3A_438, %sub3A_458 : i32
    %select_n3A_460 = arith.select %and3A_457, %sub3A_459, %div3A_438 : i32
    %dma_start3A_461 = arith.constant 0 : i32
    %dma_start3A_462 = arith.constant 0 : i32
    %dma_start3A_463 = tpu.memref_slice %arg3[%select_n3A_460, %dma_start3A_461, %dma_start3A_462] : memref<125000x8x32xf32, #tpu.memory_space<hbm>> -> memref<1x8x32xf32, #tpu.memory_space<hbm>>
    %dma_start3A_464 = tpu.memref_squeeze %dma_start3A_463 : memref<1x8x32xf32, #tpu.memory_space<hbm>> -> memref<8x32xf32, #tpu.memory_space<hbm>>
    %dma_start3A_465 = arith.constant 0 : i32
    %dma_start3A_466 = arith.constant 0 : i32
    %dma_start3A_467 = tpu.memref_slice %arg3[%select_n3A_460, %dma_start3A_465, %dma_start3A_466] : memref<125000x8x32xf32, #tpu.memory_space<hbm>> -> memref<1x8x32xf32, #tpu.memory_space<hbm>>
    %dma_start3A_468 = tpu.memref_squeeze %dma_start3A_467 : memref<1x8x32xf32, #tpu.memory_space<hbm>> -> memref<8x32xf32, #tpu.memory_space<hbm>>
    tpu.enqueue_dma source(%dma_start3A_468 : memref<8x32xf32, #tpu.memory_space<hbm>>) target(%arg20 : memref<8x32xf32, #tpu.memory_space<vmem>>) target_semaphore(%arg36 : memref<!tpu.dma_semaphore, #tpu.memory_space<semaphore_mem>>)
    %slice3A_469 = vector.extract_strided_slice %get3A_3 {offsets = [14], sizes = [1], strides = [1]} : vector<16xi32> to vector<1xi32>
    %squeeze3A_470 = vector.extract %slice3A_469[0] : i32 from vector<1xi32>
    %jit3A_471 = arith.constant 8 : i32
    %div3A_472 = arith.divsi %squeeze3A_470, %jit3A_471 : i32
    %sign3A_473 = arith.constant 0 : i32
    %sign3A_474 = arith.cmpi sgt, %squeeze3A_470, %sign3A_473 : i32
    %sign3A_475 = arith.extui %sign3A_474 : i1 to i32
    %sign3A_476 = arith.constant 0 : i32
    %sign3A_477 = arith.cmpi slt, %squeeze3A_470, %sign3A_476 : i32
    %sign3A_478 = arith.extui %sign3A_477 : i1 to i32
    %sign3A_479 = arith.subi %sign3A_475, %sign3A_478 : i32
    %sign3A_480 = arith.constant 0 : i32
    %sign3A_481 = arith.cmpi sgt, %jit3A_471, %sign3A_480 : i32
    %sign3A_482 = arith.extui %sign3A_481 : i1 to i32
    %sign3A_483 = arith.constant 0 : i32
    %sign3A_484 = arith.cmpi slt, %jit3A_471, %sign3A_483 : i32
    %sign3A_485 = arith.extui %sign3A_484 : i1 to i32
    %sign3A_486 = arith.subi %sign3A_482, %sign3A_485 : i32
    %ne3A_487 = arith.cmpi ne, %sign3A_479, %sign3A_486 : i32
    %rem3A_488 = arith.remsi %squeeze3A_470, %jit3A_471 : i32
    %ne3A_489 = arith.constant 0 : i32
    %ne3A_490 = arith.cmpi ne, %rem3A_488, %ne3A_489 : i32
    %and3A_491 = arith.andi %ne3A_487, %ne3A_490 : i1
    %sub3A_492 = arith.constant 1 : i32
    %sub3A_493 = arith.subi %div3A_472, %sub3A_492 : i32
    %select_n3A_494 = arith.select %and3A_491, %sub3A_493, %div3A_472 : i32
    %dma_start3A_495 = arith.constant 0 : i32
    %dma_start3A_496 = arith.constant 0 : i32
    %dma_start3A_497 = tpu.memref_slice %arg3[%select_n3A_494, %dma_start3A_495, %dma_start3A_496] : memref<125000x8x32xf32, #tpu.memory_space<hbm>> -> memref<1x8x32xf32, #tpu.memory_space<hbm>>
    %dma_start3A_498 = tpu.memref_squeeze %dma_start3A_497 : memref<1x8x32xf32, #tpu.memory_space<hbm>> -> memref<8x32xf32, #tpu.memory_space<hbm>>
    %dma_start3A_499 = arith.constant 0 : i32
    %dma_start3A_500 = arith.constant 0 : i32
    %dma_start3A_501 = tpu.memref_slice %arg3[%select_n3A_494, %dma_start3A_499, %dma_start3A_500] : memref<125000x8x32xf32, #tpu.memory_space<hbm>> -> memref<1x8x32xf32, #tpu.memory_space<hbm>>
    %dma_start3A_502 = tpu.memref_squeeze %dma_start3A_501 : memref<1x8x32xf32, #tpu.memory_space<hbm>> -> memref<8x32xf32, #tpu.memory_space<hbm>>
    tpu.enqueue_dma source(%dma_start3A_502 : memref<8x32xf32, #tpu.memory_space<hbm>>) target(%arg21 : memref<8x32xf32, #tpu.memory_space<vmem>>) target_semaphore(%arg37 : memref<!tpu.dma_semaphore, #tpu.memory_space<semaphore_mem>>)
    %slice3A_503 = vector.extract_strided_slice %get3A_3 {offsets = [15], sizes = [1], strides = [1]} : vector<16xi32> to vector<1xi32>
    %squeeze3A_504 = vector.extract %slice3A_503[0] : i32 from vector<1xi32>
    %jit3A_505 = arith.constant 8 : i32
    %div3A_506 = arith.divsi %squeeze3A_504, %jit3A_505 : i32
    %sign3A_507 = arith.constant 0 : i32
    %sign3A_508 = arith.cmpi sgt, %squeeze3A_504, %sign3A_507 : i32
    %sign3A_509 = arith.extui %sign3A_508 : i1 to i32
    %sign3A_510 = arith.constant 0 : i32
    %sign3A_511 = arith.cmpi slt, %squeeze3A_504, %sign3A_510 : i32
    %sign3A_512 = arith.extui %sign3A_511 : i1 to i32
    %sign3A_513 = arith.subi %sign3A_509, %sign3A_512 : i32
    %sign3A_514 = arith.constant 0 : i32
    %sign3A_515 = arith.cmpi sgt, %jit3A_505, %sign3A_514 : i32
    %sign3A_516 = arith.extui %sign3A_515 : i1 to i32
    %sign3A_517 = arith.constant 0 : i32
    %sign3A_518 = arith.cmpi slt, %jit3A_505, %sign3A_517 : i32
    %sign3A_519 = arith.extui %sign3A_518 : i1 to i32
    %sign3A_520 = arith.subi %sign3A_516, %sign3A_519 : i32
    %ne3A_521 = arith.cmpi ne, %sign3A_513, %sign3A_520 : i32
    %rem3A_522 = arith.remsi %squeeze3A_504, %jit3A_505 : i32
    %ne3A_523 = arith.constant 0 : i32
    %ne3A_524 = arith.cmpi ne, %rem3A_522, %ne3A_523 : i32
    %and3A_525 = arith.andi %ne3A_521, %ne3A_524 : i1
    %sub3A_526 = arith.constant 1 : i32
    %sub3A_527 = arith.subi %div3A_506, %sub3A_526 : i32
    %select_n3A_528 = arith.select %and3A_525, %sub3A_527, %div3A_506 : i32
    %dma_start3A_529 = arith.constant 0 : i32
    %dma_start3A_530 = arith.constant 0 : i32
    %dma_start3A_531 = tpu.memref_slice %arg3[%select_n3A_528, %dma_start3A_529, %dma_start3A_530] : memref<125000x8x32xf32, #tpu.memory_space<hbm>> -> memref<1x8x32xf32, #tpu.memory_space<hbm>>
    %dma_start3A_532 = tpu.memref_squeeze %dma_start3A_531 : memref<1x8x32xf32, #tpu.memory_space<hbm>> -> memref<8x32xf32, #tpu.memory_space<hbm>>
    %dma_start3A_533 = arith.constant 0 : i32
    %dma_start3A_534 = arith.constant 0 : i32
    %dma_start3A_535 = tpu.memref_slice %arg3[%select_n3A_528, %dma_start3A_533, %dma_start3A_534] : memref<125000x8x32xf32, #tpu.memory_space<hbm>> -> memref<1x8x32xf32, #tpu.memory_space<hbm>>
    %dma_start3A_536 = tpu.memref_squeeze %dma_start3A_535 : memref<1x8x32xf32, #tpu.memory_space<hbm>> -> memref<8x32xf32, #tpu.memory_space<hbm>>
    tpu.enqueue_dma source(%dma_start3A_536 : memref<8x32xf32, #tpu.memory_space<hbm>>) target(%arg22 : memref<8x32xf32, #tpu.memory_space<vmem>>) target_semaphore(%arg38 : memref<!tpu.dma_semaphore, #tpu.memory_space<semaphore_mem>>)
    %scan3A = arith.constant 0 : i32
    %scan3A_537 = arith.constant 32 : i32
    %scan3A_538 = arith.addi %scan3A, %scan3A_537 : i32
    %scan3A_539 = arith.constant 1 : i32
    %scan3A_540 = scf.for %scan3A_1087 = %scan3A to %scan3A_538 step %scan3A_539 iter_args(%scan3A_1088 = %get3A_3) -> (vector<16xi32>)  : i32 {
      %add3A_1089 = arith.constant 1 : i32
      %add3A_1090 = arith.addi %scan3A_1087, %add3A_1089 : i32
      %jit3A_1091 = arith.constant 32 : i32
      %eq3A = arith.constant 0 : i32
      %eq3A_1092 = arith.cmpi eq, %jit3A_1091, %eq3A : i32
      %jit3A_1093 = arith.constant 1 : i32
      %select_n3A_1094 = arith.select %eq3A_1092, %jit3A_1093, %jit3A_1091 : i32
      %rem3A_1095 = arith.remsi %add3A_1090, %select_n3A_1094 : i32
      %ne3A_1096 = arith.constant 0 : i32
      %ne3A_1097 = arith.cmpi ne, %rem3A_1095, %ne3A_1096 : i32
      %lt3A = arith.constant 0 : i32
      %lt3A_1098 = arith.cmpi slt, %rem3A_1095, %lt3A : i32
      %lt3A_1099 = arith.constant 0 : i32
      %lt3A_1100 = arith.cmpi slt, %select_n3A_1094, %lt3A_1099 : i32
      %ne3A_1101 = arith.xori %lt3A_1098, %lt3A_1100 : i1
      %and3A_1102 = arith.andi %ne3A_1101, %ne3A_1097 : i1
      %add3A_1103 = arith.addi %rem3A_1095, %select_n3A_1094 : i32
      %select_n3A_1104 = arith.select %and3A_1102, %add3A_1103, %rem3A_1095 : i32
      %mul3A_1105 = arith.constant 16 : i32
      %mul3A_1106 = arith.muli %select_n3A_1104, %mul3A_1105 : i32
      %get3A_1107 = arith.index_cast %mul3A_1106 : i32 to index
      %get3A_1108 = tpu.vector_load %arg5[%get3A_1107] {strides = array<i32>} : memref<512xi32, #tpu.memory_space<vmem>>, vector<16xi32>,
      %slice3A_1109 = vector.extract_strided_slice %scan3A_1088 {offsets = [0], sizes = [1], strides = [1]} : vector<16xi32> to vector<1xi32>
      %squeeze3A_1110 = vector.extract %slice3A_1109[0] : i32 from vector<1xi32>
      %jit3A_1111 = arith.constant 8 : i32
      %div3A_1112 = arith.divsi %squeeze3A_1110, %jit3A_1111 : i32
      %sign3A_1113 = arith.constant 0 : i32
      %sign3A_1114 = arith.cmpi sgt, %squeeze3A_1110, %sign3A_1113 : i32
      %sign3A_1115 = arith.extui %sign3A_1114 : i1 to i32
      %sign3A_1116 = arith.constant 0 : i32
      %sign3A_1117 = arith.cmpi slt, %squeeze3A_1110, %sign3A_1116 : i32
      %sign3A_1118 = arith.extui %sign3A_1117 : i1 to i32
      %sign3A_1119 = arith.subi %sign3A_1115, %sign3A_1118 : i32
      %sign3A_1120 = arith.constant 0 : i32
      %sign3A_1121 = arith.cmpi sgt, %jit3A_1111, %sign3A_1120 : i32
      %sign3A_1122 = arith.extui %sign3A_1121 : i1 to i32
      %sign3A_1123 = arith.constant 0 : i32
      %sign3A_1124 = arith.cmpi slt, %jit3A_1111, %sign3A_1123 : i32
      %sign3A_1125 = arith.extui %sign3A_1124 : i1 to i32
      %sign3A_1126 = arith.subi %sign3A_1122, %sign3A_1125 : i32
      %ne3A_1127 = arith.cmpi ne, %sign3A_1119, %sign3A_1126 : i32
      %rem3A_1128 = arith.remsi %squeeze3A_1110, %jit3A_1111 : i32
      %ne3A_1129 = arith.constant 0 : i32
      %ne3A_1130 = arith.cmpi ne, %rem3A_1128, %ne3A_1129 : i32
      %and3A_1131 = arith.andi %ne3A_1127, %ne3A_1130 : i1
      %sub3A_1132 = arith.constant 1 : i32
      %sub3A_1133 = arith.subi %div3A_1112, %sub3A_1132 : i32
      %select_n3A_1134 = arith.select %and3A_1131, %sub3A_1133, %div3A_1112 : i32
      %dma_wait3A_1135 = arith.constant 0 : i32
      %dma_wait3A_1136 = arith.constant 0 : i32
      %dma_wait3A_1137 = tpu.memref_slice %arg3[%select_n3A_1134, %dma_wait3A_1135, %dma_wait3A_1136] : memref<125000x8x32xf32, #tpu.memory_space<hbm>> -> memref<1x8x32xf32, #tpu.memory_space<hbm>>
      %dma_wait3A_1138 = tpu.memref_squeeze %dma_wait3A_1137 : memref<1x8x32xf32, #tpu.memory_space<hbm>> -> memref<8x32xf32, #tpu.memory_space<hbm>>
      %dma_wait3A_1139 = arith.constant 0 : i32
      %dma_wait3A_1140 = arith.constant 0 : i32
      %dma_wait3A_1141 = tpu.memref_slice %arg3[%select_n3A_1134, %dma_wait3A_1139, %dma_wait3A_1140] : memref<125000x8x32xf32, #tpu.memory_space<hbm>> -> memref<1x8x32xf32, #tpu.memory_space<hbm>>
      %dma_wait3A_1142 = tpu.memref_squeeze %dma_wait3A_1141 : memref<1x8x32xf32, #tpu.memory_space<hbm>> -> memref<8x32xf32, #tpu.memory_space<hbm>>
      tpu.wait_dma2 semaphore(%arg23 : memref<!tpu.dma_semaphore, #tpu.memory_space<semaphore_mem>>) src(%dma_wait3A_1142 : memref<8x32xf32, #tpu.memory_space<hbm>>) dst(%arg7 : memref<8x32xf32, #tpu.memory_space<vmem>>)
      %jit3A_1143 = arith.constant 8 : i32
      %eq3A_1144 = arith.constant 0 : i32
      %eq3A_1145 = arith.cmpi eq, %jit3A_1143, %eq3A_1144 : i32
      %jit3A_1146 = arith.constant 1 : i32
      %select_n3A_1147 = arith.select %eq3A_1145, %jit3A_1146, %jit3A_1143 : i32
      %rem3A_1148 = arith.remsi %squeeze3A_1110, %select_n3A_1147 : i32
      %ne3A_1149 = arith.constant 0 : i32
      %ne3A_1150 = arith.cmpi ne, %rem3A_1148, %ne3A_1149 : i32
      %lt3A_1151 = arith.constant 0 : i32
      %lt3A_1152 = arith.cmpi slt, %rem3A_1148, %lt3A_1151 : i32
      %lt3A_1153 = arith.constant 0 : i32
      %lt3A_1154 = arith.cmpi slt, %select_n3A_1147, %lt3A_1153 : i32
      %ne3A_1155 = arith.xori %lt3A_1152, %lt3A_1154 : i1
      %and3A_1156 = arith.andi %ne3A_1155, %ne3A_1150 : i1
      %add3A_1157 = arith.addi %rem3A_1148, %select_n3A_1147 : i32
      %select_n3A_1158 = arith.select %and3A_1156, %add3A_1157, %rem3A_1148 : i32
      %get3A_1159 = arith.index_cast %select_n3A_1158 : i32 to index
      %get3A_1160 = arith.constant 0 : index
      %get3A_1161 = tpu.vector_load %arg7[%get3A_1159, %get3A_1160] {strides = array<i32>} : memref<8x32xf32, #tpu.memory_space<vmem>>, vector<16xf32>,
      %get3A_1162 = arith.index_cast %select_n3A_1158 : i32 to index
      %get3A_1163 = arith.constant 16 : index
      %get3A_1164 = tpu.vector_load %arg7[%get3A_1162, %get3A_1163] {strides = array<i32>} : memref<8x32xf32, #tpu.memory_space<vmem>>, vector<16xf32>,
      %mul3A_1165 = arith.constant 4 : i32
      %mul3A_1166 = arith.muli %scan3A_1087, %mul3A_1165 : i32
      %add3A_1167 = arith.constant 0 : i32
      %add3A_1168 = arith.addi %mul3A_1166, %add3A_1167 : i32
      %swap3A = arith.index_cast %add3A_1168 : i32 to index
      %swap3A_1169 = arith.constant 0 : index
      %swap3A_1170 = tpu.vector_load %arg6[%swap3A, %swap3A_1169] {strides = array<i32>} : memref<128x128xf32, #tpu.memory_space<vmem>>, vector<16xf32>,
      tpu.vector_store %arg6[%swap3A, %swap3A_1169], %get3A_1161 {strides = array<i32>} : memref<128x128xf32, #tpu.memory_space<vmem>>, vector<16xf32>,
      %swap3A_1171 = arith.index_cast %add3A_1168 : i32 to index
      %swap3A_1172 = arith.constant 16 : index
      %swap3A_1173 = tpu.vector_load %arg6[%swap3A_1171, %swap3A_1172] {strides = array<i32>} : memref<128x128xf32, #tpu.memory_space<vmem>>, vector<16xf32>,
      tpu.vector_store %arg6[%swap3A_1171, %swap3A_1172], %get3A_1164 {strides = array<i32>} : memref<128x128xf32, #tpu.memory_space<vmem>>, vector<16xf32>,
      %slice3A_1174 = vector.extract_strided_slice %get3A_1108 {offsets = [0], sizes = [1], strides = [1]} : vector<16xi32> to vector<1xi32>
      %squeeze3A_1175 = vector.extract %slice3A_1174[0] : i32 from vector<1xi32>
      %jit3A_1176 = arith.constant 8 : i32
      %div3A_1177 = arith.divsi %squeeze3A_1175, %jit3A_1176 : i32
      %sign3A_1178 = arith.constant 0 : i32
      %sign3A_1179 = arith.cmpi sgt, %squeeze3A_1175, %sign3A_1178 : i32
      %sign3A_1180 = arith.extui %sign3A_1179 : i1 to i32
      %sign3A_1181 = arith.constant 0 : i32
      %sign3A_1182 = arith.cmpi slt, %squeeze3A_1175, %sign3A_1181 : i32
      %sign3A_1183 = arith.extui %sign3A_1182 : i1 to i32
      %sign3A_1184 = arith.subi %sign3A_1180, %sign3A_1183 : i32
      %sign3A_1185 = arith.constant 0 : i32
      %sign3A_1186 = arith.cmpi sgt, %jit3A_1176, %sign3A_1185 : i32
      %sign3A_1187 = arith.extui %sign3A_1186 : i1 to i32
      %sign3A_1188 = arith.constant 0 : i32
      %sign3A_1189 = arith.cmpi slt, %jit3A_1176, %sign3A_1188 : i32
      %sign3A_1190 = arith.extui %sign3A_1189 : i1 to i32
      %sign3A_1191 = arith.subi %sign3A_1187, %sign3A_1190 : i32
      %ne3A_1192 = arith.cmpi ne, %sign3A_1184, %sign3A_1191 : i32
      %rem3A_1193 = arith.remsi %squeeze3A_1175, %jit3A_1176 : i32
      %ne3A_1194 = arith.constant 0 : i32
      %ne3A_1195 = arith.cmpi ne, %rem3A_1193, %ne3A_1194 : i32
      %and3A_1196 = arith.andi %ne3A_1192, %ne3A_1195 : i1
      %sub3A_1197 = arith.constant 1 : i32
      %sub3A_1198 = arith.subi %div3A_1177, %sub3A_1197 : i32
      %select_n3A_1199 = arith.select %and3A_1196, %sub3A_1198, %div3A_1177 : i32
      %dma_start3A_1200 = arith.constant 0 : i32
      %dma_start3A_1201 = arith.constant 0 : i32
      %dma_start3A_1202 = tpu.memref_slice %arg3[%select_n3A_1199, %dma_start3A_1200, %dma_start3A_1201] : memref<125000x8x32xf32, #tpu.memory_space<hbm>> -> memref<1x8x32xf32, #tpu.memory_space<hbm>>
      %dma_start3A_1203 = tpu.memref_squeeze %dma_start3A_1202 : memref<1x8x32xf32, #tpu.memory_space<hbm>> -> memref<8x32xf32, #tpu.memory_space<hbm>>
      %dma_start3A_1204 = arith.constant 0 : i32
      %dma_start3A_1205 = arith.constant 0 : i32
      %dma_start3A_1206 = tpu.memref_slice %arg3[%select_n3A_1199, %dma_start3A_1204, %dma_start3A_1205] : memref<125000x8x32xf32, #tpu.memory_space<hbm>> -> memref<1x8x32xf32, #tpu.memory_space<hbm>>
      %dma_start3A_1207 = tpu.memref_squeeze %dma_start3A_1206 : memref<1x8x32xf32, #tpu.memory_space<hbm>> -> memref<8x32xf32, #tpu.memory_space<hbm>>
      tpu.enqueue_dma source(%dma_start3A_1207 : memref<8x32xf32, #tpu.memory_space<hbm>>) target(%arg7 : memref<8x32xf32, #tpu.memory_space<vmem>>) target_semaphore(%arg23 : memref<!tpu.dma_semaphore, #tpu.memory_space<semaphore_mem>>)
      %slice3A_1208 = vector.extract_strided_slice %scan3A_1088 {offsets = [1], sizes = [1], strides = [1]} : vector<16xi32> to vector<1xi32>
      %squeeze3A_1209 = vector.extract %slice3A_1208[0] : i32 from vector<1xi32>
      %jit3A_1210 = arith.constant 8 : i32
      %div3A_1211 = arith.divsi %squeeze3A_1209, %jit3A_1210 : i32
      %sign3A_1212 = arith.constant 0 : i32
      %sign3A_1213 = arith.cmpi sgt, %squeeze3A_1209, %sign3A_1212 : i32
      %sign3A_1214 = arith.extui %sign3A_1213 : i1 to i32
      %sign3A_1215 = arith.constant 0 : i32
      %sign3A_1216 = arith.cmpi slt, %squeeze3A_1209, %sign3A_1215 : i32
      %sign3A_1217 = arith.extui %sign3A_1216 : i1 to i32
      %sign3A_1218 = arith.subi %sign3A_1214, %sign3A_1217 : i32
      %sign3A_1219 = arith.constant 0 : i32
      %sign3A_1220 = arith.cmpi sgt, %jit3A_1210, %sign3A_1219 : i32
      %sign3A_1221 = arith.extui %sign3A_1220 : i1 to i32
      %sign3A_1222 = arith.constant 0 : i32
      %sign3A_1223 = arith.cmpi slt, %jit3A_1210, %sign3A_1222 : i32
      %sign3A_1224 = arith.extui %sign3A_1223 : i1 to i32
      %sign3A_1225 = arith.subi %sign3A_1221, %sign3A_1224 : i32
      %ne3A_1226 = arith.cmpi ne, %sign3A_1218, %sign3A_1225 : i32
      %rem3A_1227 = arith.remsi %squeeze3A_1209, %jit3A_1210 : i32
      %ne3A_1228 = arith.constant 0 : i32
      %ne3A_1229 = arith.cmpi ne, %rem3A_1227, %ne3A_1228 : i32
      %and3A_1230 = arith.andi %ne3A_1226, %ne3A_1229 : i1
      %sub3A_1231 = arith.constant 1 : i32
      %sub3A_1232 = arith.subi %div3A_1211, %sub3A_1231 : i32
      %select_n3A_1233 = arith.select %and3A_1230, %sub3A_1232, %div3A_1211 : i32
      %dma_wait3A_1234 = arith.constant 0 : i32
      %dma_wait3A_1235 = arith.constant 0 : i32
      %dma_wait3A_1236 = tpu.memref_slice %arg3[%select_n3A_1233, %dma_wait3A_1234, %dma_wait3A_1235] : memref<125000x8x32xf32, #tpu.memory_space<hbm>> -> memref<1x8x32xf32, #tpu.memory_space<hbm>>
      %dma_wait3A_1237 = tpu.memref_squeeze %dma_wait3A_1236 : memref<1x8x32xf32, #tpu.memory_space<hbm>> -> memref<8x32xf32, #tpu.memory_space<hbm>>
      %dma_wait3A_1238 = arith.constant 0 : i32
      %dma_wait3A_1239 = arith.constant 0 : i32
      %dma_wait3A_1240 = tpu.memref_slice %arg3[%select_n3A_1233, %dma_wait3A_1238, %dma_wait3A_1239] : memref<125000x8x32xf32, #tpu.memory_space<hbm>> -> memref<1x8x32xf32, #tpu.memory_space<hbm>>
      %dma_wait3A_1241 = tpu.memref_squeeze %dma_wait3A_1240 : memref<1x8x32xf32, #tpu.memory_space<hbm>> -> memref<8x32xf32, #tpu.memory_space<hbm>>
      tpu.wait_dma2 semaphore(%arg24 : memref<!tpu.dma_semaphore, #tpu.memory_space<semaphore_mem>>) src(%dma_wait3A_1241 : memref<8x32xf32, #tpu.memory_space<hbm>>) dst(%arg8 : memref<8x32xf32, #tpu.memory_space<vmem>>)
      %jit3A_1242 = arith.constant 8 : i32
      %eq3A_1243 = arith.constant 0 : i32
      %eq3A_1244 = arith.cmpi eq, %jit3A_1242, %eq3A_1243 : i32
      %jit3A_1245 = arith.constant 1 : i32
      %select_n3A_1246 = arith.select %eq3A_1244, %jit3A_1245, %jit3A_1242 : i32
      %rem3A_1247 = arith.remsi %squeeze3A_1209, %select_n3A_1246 : i32
      %ne3A_1248 = arith.constant 0 : i32
      %ne3A_1249 = arith.cmpi ne, %rem3A_1247, %ne3A_1248 : i32
      %lt3A_1250 = arith.constant 0 : i32
      %lt3A_1251 = arith.cmpi slt, %rem3A_1247, %lt3A_1250 : i32
      %lt3A_1252 = arith.constant 0 : i32
      %lt3A_1253 = arith.cmpi slt, %select_n3A_1246, %lt3A_1252 : i32
      %ne3A_1254 = arith.xori %lt3A_1251, %lt3A_1253 : i1
      %and3A_1255 = arith.andi %ne3A_1254, %ne3A_1249 : i1
      %add3A_1256 = arith.addi %rem3A_1247, %select_n3A_1246 : i32
      %select_n3A_1257 = arith.select %and3A_1255, %add3A_1256, %rem3A_1247 : i32
      %get3A_1258 = arith.index_cast %select_n3A_1257 : i32 to index
      %get3A_1259 = arith.constant 0 : index
      %get3A_1260 = tpu.vector_load %arg8[%get3A_1258, %get3A_1259] {strides = array<i32>} : memref<8x32xf32, #tpu.memory_space<vmem>>, vector<16xf32>,
      %get3A_1261 = arith.index_cast %select_n3A_1257 : i32 to index
      %get3A_1262 = arith.constant 16 : index
      %get3A_1263 = tpu.vector_load %arg8[%get3A_1261, %get3A_1262] {strides = array<i32>} : memref<8x32xf32, #tpu.memory_space<vmem>>, vector<16xf32>,
      %mul3A_1264 = arith.constant 4 : i32
      %mul3A_1265 = arith.muli %scan3A_1087, %mul3A_1264 : i32
      %add3A_1266 = arith.constant 0 : i32
      %add3A_1267 = arith.addi %mul3A_1265, %add3A_1266 : i32
      %swap3A_1268 = arith.index_cast %add3A_1267 : i32 to index
      %swap3A_1269 = arith.constant 32 : index
      %swap3A_1270 = tpu.vector_load %arg6[%swap3A_1268, %swap3A_1269] {strides = array<i32>} : memref<128x128xf32, #tpu.memory_space<vmem>>, vector<16xf32>,
      tpu.vector_store %arg6[%swap3A_1268, %swap3A_1269], %get3A_1260 {strides = array<i32>} : memref<128x128xf32, #tpu.memory_space<vmem>>, vector<16xf32>,
      %swap3A_1271 = arith.index_cast %add3A_1267 : i32 to index
      %swap3A_1272 = arith.constant 48 : index
      %swap3A_1273 = tpu.vector_load %arg6[%swap3A_1271, %swap3A_1272] {strides = array<i32>} : memref<128x128xf32, #tpu.memory_space<vmem>>, vector<16xf32>,
      tpu.vector_store %arg6[%swap3A_1271, %swap3A_1272], %get3A_1263 {strides = array<i32>} : memref<128x128xf32, #tpu.memory_space<vmem>>, vector<16xf32>,
      %slice3A_1274 = vector.extract_strided_slice %get3A_1108 {offsets = [1], sizes = [1], strides = [1]} : vector<16xi32> to vector<1xi32>
      %squeeze3A_1275 = vector.extract %slice3A_1274[0] : i32 from vector<1xi32>
      %jit3A_1276 = arith.constant 8 : i32
      %div3A_1277 = arith.divsi %squeeze3A_1275, %jit3A_1276 : i32
      %sign3A_1278 = arith.constant 0 : i32
      %sign3A_1279 = arith.cmpi sgt, %squeeze3A_1275, %sign3A_1278 : i32
      %sign3A_1280 = arith.extui %sign3A_1279 : i1 to i32
      %sign3A_1281 = arith.constant 0 : i32
      %sign3A_1282 = arith.cmpi slt, %squeeze3A_1275, %sign3A_1281 : i32
      %sign3A_1283 = arith.extui %sign3A_1282 : i1 to i32
      %sign3A_1284 = arith.subi %sign3A_1280, %sign3A_1283 : i32
      %sign3A_1285 = arith.constant 0 : i32
      %sign3A_1286 = arith.cmpi sgt, %jit3A_1276, %sign3A_1285 : i32
      %sign3A_1287 = arith.extui %sign3A_1286 : i1 to i32
      %sign3A_1288 = arith.constant 0 : i32
      %sign3A_1289 = arith.cmpi slt, %jit3A_1276, %sign3A_1288 : i32
      %sign3A_1290 = arith.extui %sign3A_1289 : i1 to i32
      %sign3A_1291 = arith.subi %sign3A_1287, %sign3A_1290 : i32
      %ne3A_1292 = arith.cmpi ne, %sign3A_1284, %sign3A_1291 : i32
      %rem3A_1293 = arith.remsi %squeeze3A_1275, %jit3A_1276 : i32
      %ne3A_1294 = arith.constant 0 : i32
      %ne3A_1295 = arith.cmpi ne, %rem3A_1293, %ne3A_1294 : i32
      %and3A_1296 = arith.andi %ne3A_1292, %ne3A_1295 : i1
      %sub3A_1297 = arith.constant 1 : i32
      %sub3A_1298 = arith.subi %div3A_1277, %sub3A_1297 : i32
      %select_n3A_1299 = arith.select %and3A_1296, %sub3A_1298, %div3A_1277 : i32
      %dma_start3A_1300 = arith.constant 0 : i32
      %dma_start3A_1301 = arith.constant 0 : i32
      %dma_start3A_1302 = tpu.memref_slice %arg3[%select_n3A_1299, %dma_start3A_1300, %dma_start3A_1301] : memref<125000x8x32xf32, #tpu.memory_space<hbm>> -> memref<1x8x32xf32, #tpu.memory_space<hbm>>
      %dma_start3A_1303 = tpu.memref_squeeze %dma_start3A_1302 : memref<1x8x32xf32, #tpu.memory_space<hbm>> -> memref<8x32xf32, #tpu.memory_space<hbm>>
      %dma_start3A_1304 = arith.constant 0 : i32
      %dma_start3A_1305 = arith.constant 0 : i32
      %dma_start3A_1306 = tpu.memref_slice %arg3[%select_n3A_1299, %dma_start3A_1304, %dma_start3A_1305] : memref<125000x8x32xf32, #tpu.memory_space<hbm>> -> memref<1x8x32xf32, #tpu.memory_space<hbm>>
      %dma_start3A_1307 = tpu.memref_squeeze %dma_start3A_1306 : memref<1x8x32xf32, #tpu.memory_space<hbm>> -> memref<8x32xf32, #tpu.memory_space<hbm>>
      tpu.enqueue_dma source(%dma_start3A_1307 : memref<8x32xf32, #tpu.memory_space<hbm>>) target(%arg8 : memref<8x32xf32, #tpu.memory_space<vmem>>) target_semaphore(%arg24 : memref<!tpu.dma_semaphore, #tpu.memory_space<semaphore_mem>>)
      %slice3A_1308 = vector.extract_strided_slice %scan3A_1088 {offsets = [2], sizes = [1], strides = [1]} : vector<16xi32> to vector<1xi32>
      %squeeze3A_1309 = vector.extract %slice3A_1308[0] : i32 from vector<1xi32>
      %jit3A_1310 = arith.constant 8 : i32
      %div3A_1311 = arith.divsi %squeeze3A_1309, %jit3A_1310 : i32
      %sign3A_1312 = arith.constant 0 : i32
      %sign3A_1313 = arith.cmpi sgt, %squeeze3A_1309, %sign3A_1312 : i32
      %sign3A_1314 = arith.extui %sign3A_1313 : i1 to i32
      %sign3A_1315 = arith.constant 0 : i32
      %sign3A_1316 = arith.cmpi slt, %squeeze3A_1309, %sign3A_1315 : i32
      %sign3A_1317 = arith.extui %sign3A_1316 : i1 to i32
      %sign3A_1318 = arith.subi %sign3A_1314, %sign3A_1317 : i32
      %sign3A_1319 = arith.constant 0 : i32
      %sign3A_1320 = arith.cmpi sgt, %jit3A_1310, %sign3A_1319 : i32
      %sign3A_1321 = arith.extui %sign3A_1320 : i1 to i32
      %sign3A_1322 = arith.constant 0 : i32
      %sign3A_1323 = arith.cmpi slt, %jit3A_1310, %sign3A_1322 : i32
      %sign3A_1324 = arith.extui %sign3A_1323 : i1 to i32
      %sign3A_1325 = arith.subi %sign3A_1321, %sign3A_1324 : i32
      %ne3A_1326 = arith.cmpi ne, %sign3A_1318, %sign3A_1325 : i32
      %rem3A_1327 = arith.remsi %squeeze3A_1309, %jit3A_1310 : i32
      %ne3A_1328 = arith.constant 0 : i32
      %ne3A_1329 = arith.cmpi ne, %rem3A_1327, %ne3A_1328 : i32
      %and3A_1330 = arith.andi %ne3A_1326, %ne3A_1329 : i1
      %sub3A_1331 = arith.constant 1 : i32
      %sub3A_1332 = arith.subi %div3A_1311, %sub3A_1331 : i32
      %select_n3A_1333 = arith.select %and3A_1330, %sub3A_1332, %div3A_1311 : i32
      %dma_wait3A_1334 = arith.constant 0 : i32
      %dma_wait3A_1335 = arith.constant 0 : i32
      %dma_wait3A_1336 = tpu.memref_slice %arg3[%select_n3A_1333, %dma_wait3A_1334, %dma_wait3A_1335] : memref<125000x8x32xf32, #tpu.memory_space<hbm>> -> memref<1x8x32xf32, #tpu.memory_space<hbm>>
      %dma_wait3A_1337 = tpu.memref_squeeze %dma_wait3A_1336 : memref<1x8x32xf32, #tpu.memory_space<hbm>> -> memref<8x32xf32, #tpu.memory_space<hbm>>
      %dma_wait3A_1338 = arith.constant 0 : i32
      %dma_wait3A_1339 = arith.constant 0 : i32
      %dma_wait3A_1340 = tpu.memref_slice %arg3[%select_n3A_1333, %dma_wait3A_1338, %dma_wait3A_1339] : memref<125000x8x32xf32, #tpu.memory_space<hbm>> -> memref<1x8x32xf32, #tpu.memory_space<hbm>>
      %dma_wait3A_1341 = tpu.memref_squeeze %dma_wait3A_1340 : memref<1x8x32xf32, #tpu.memory_space<hbm>> -> memref<8x32xf32, #tpu.memory_space<hbm>>
      tpu.wait_dma2 semaphore(%arg25 : memref<!tpu.dma_semaphore, #tpu.memory_space<semaphore_mem>>) src(%dma_wait3A_1341 : memref<8x32xf32, #tpu.memory_space<hbm>>) dst(%arg9 : memref<8x32xf32, #tpu.memory_space<vmem>>)
      %jit3A_1342 = arith.constant 8 : i32
      %eq3A_1343 = arith.constant 0 : i32
      %eq3A_1344 = arith.cmpi eq, %jit3A_1342, %eq3A_1343 : i32
      %jit3A_1345 = arith.constant 1 : i32
      %select_n3A_1346 = arith.select %eq3A_1344, %jit3A_1345, %jit3A_1342 : i32
      %rem3A_1347 = arith.remsi %squeeze3A_1309, %select_n3A_1346 : i32
      %ne3A_1348 = arith.constant 0 : i32
      %ne3A_1349 = arith.cmpi ne, %rem3A_1347, %ne3A_1348 : i32
      %lt3A_1350 = arith.constant 0 : i32
      %lt3A_1351 = arith.cmpi slt, %rem3A_1347, %lt3A_1350 : i32
      %lt3A_1352 = arith.constant 0 : i32
      %lt3A_1353 = arith.cmpi slt, %select_n3A_1346, %lt3A_1352 : i32
      %ne3A_1354 = arith.xori %lt3A_1351, %lt3A_1353 : i1
      %and3A_1355 = arith.andi %ne3A_1354, %ne3A_1349 : i1
      %add3A_1356 = arith.addi %rem3A_1347, %select_n3A_1346 : i32
      %select_n3A_1357 = arith.select %and3A_1355, %add3A_1356, %rem3A_1347 : i32
      %get3A_1358 = arith.index_cast %select_n3A_1357 : i32 to index
      %get3A_1359 = arith.constant 0 : index
      %get3A_1360 = tpu.vector_load %arg9[%get3A_1358, %get3A_1359] {strides = array<i32>} : memref<8x32xf32, #tpu.memory_space<vmem>>, vector<16xf32>,
      %get3A_1361 = arith.index_cast %select_n3A_1357 : i32 to index
      %get3A_1362 = arith.constant 16 : index
      %get3A_1363 = tpu.vector_load %arg9[%get3A_1361, %get3A_1362] {strides = array<i32>} : memref<8x32xf32, #tpu.memory_space<vmem>>, vector<16xf32>,
      %mul3A_1364 = arith.constant 4 : i32
      %mul3A_1365 = arith.muli %scan3A_1087, %mul3A_1364 : i32
      %add3A_1366 = arith.constant 0 : i32
      %add3A_1367 = arith.addi %mul3A_1365, %add3A_1366 : i32
      %swap3A_1368 = arith.index_cast %add3A_1367 : i32 to index
      %swap3A_1369 = arith.constant 64 : index
      %swap3A_1370 = tpu.vector_load %arg6[%swap3A_1368, %swap3A_1369] {strides = array<i32>} : memref<128x128xf32, #tpu.memory_space<vmem>>, vector<16xf32>,
      tpu.vector_store %arg6[%swap3A_1368, %swap3A_1369], %get3A_1360 {strides = array<i32>} : memref<128x128xf32, #tpu.memory_space<vmem>>, vector<16xf32>,
      %swap3A_1371 = arith.index_cast %add3A_1367 : i32 to index
      %swap3A_1372 = arith.constant 80 : index
      %swap3A_1373 = tpu.vector_load %arg6[%swap3A_1371, %swap3A_1372] {strides = array<i32>} : memref<128x128xf32, #tpu.memory_space<vmem>>, vector<16xf32>,
      tpu.vector_store %arg6[%swap3A_1371, %swap3A_1372], %get3A_1363 {strides = array<i32>} : memref<128x128xf32, #tpu.memory_space<vmem>>, vector<16xf32>,
      %slice3A_1374 = vector.extract_strided_slice %get3A_1108 {offsets = [2], sizes = [1], strides = [1]} : vector<16xi32> to vector<1xi32>
      %squeeze3A_1375 = vector.extract %slice3A_1374[0] : i32 from vector<1xi32>
      %jit3A_1376 = arith.constant 8 : i32
      %div3A_1377 = arith.divsi %squeeze3A_1375, %jit3A_1376 : i32
      %sign3A_1378 = arith.constant 0 : i32
      %sign3A_1379 = arith.cmpi sgt, %squeeze3A_1375, %sign3A_1378 : i32
      %sign3A_1380 = arith.extui %sign3A_1379 : i1 to i32
      %sign3A_1381 = arith.constant 0 : i32
      %sign3A_1382 = arith.cmpi slt, %squeeze3A_1375, %sign3A_1381 : i32
      %sign3A_1383 = arith.extui %sign3A_1382 : i1 to i32
      %sign3A_1384 = arith.subi %sign3A_1380, %sign3A_1383 : i32
      %sign3A_1385 = arith.constant 0 : i32
      %sign3A_1386 = arith.cmpi sgt, %jit3A_1376, %sign3A_1385 : i32
      %sign3A_1387 = arith.extui %sign3A_1386 : i1 to i32
      %sign3A_1388 = arith.constant 0 : i32
      %sign3A_1389 = arith.cmpi slt, %jit3A_1376, %sign3A_1388 : i32
      %sign3A_1390 = arith.extui %sign3A_1389 : i1 to i32
      %sign3A_1391 = arith.subi %sign3A_1387, %sign3A_1390 : i32
      %ne3A_1392 = arith.cmpi ne, %sign3A_1384, %sign3A_1391 : i32
      %rem3A_1393 = arith.remsi %squeeze3A_1375, %jit3A_1376 : i32
      %ne3A_1394 = arith.constant 0 : i32
      %ne3A_1395 = arith.cmpi ne, %rem3A_1393, %ne3A_1394 : i32
      %and3A_1396 = arith.andi %ne3A_1392, %ne3A_1395 : i1
      %sub3A_1397 = arith.constant 1 : i32
      %sub3A_1398 = arith.subi %div3A_1377, %sub3A_1397 : i32
      %select_n3A_1399 = arith.select %and3A_1396, %sub3A_1398, %div3A_1377 : i32
      %dma_start3A_1400 = arith.constant 0 : i32
      %dma_start3A_1401 = arith.constant 0 : i32
      %dma_start3A_1402 = tpu.memref_slice %arg3[%select_n3A_1399, %dma_start3A_1400, %dma_start3A_1401] : memref<125000x8x32xf32, #tpu.memory_space<hbm>> -> memref<1x8x32xf32, #tpu.memory_space<hbm>>
      %dma_start3A_1403 = tpu.memref_squeeze %dma_start3A_1402 : memref<1x8x32xf32, #tpu.memory_space<hbm>> -> memref<8x32xf32, #tpu.memory_space<hbm>>
      %dma_start3A_1404 = arith.constant 0 : i32
      %dma_start3A_1405 = arith.constant 0 : i32
      %dma_start3A_1406 = tpu.memref_slice %arg3[%select_n3A_1399, %dma_start3A_1404, %dma_start3A_1405] : memref<125000x8x32xf32, #tpu.memory_space<hbm>> -> memref<1x8x32xf32, #tpu.memory_space<hbm>>
      %dma_start3A_1407 = tpu.memref_squeeze %dma_start3A_1406 : memref<1x8x32xf32, #tpu.memory_space<hbm>> -> memref<8x32xf32, #tpu.memory_space<hbm>>
      tpu.enqueue_dma source(%dma_start3A_1407 : memref<8x32xf32, #tpu.memory_space<hbm>>) target(%arg9 : memref<8x32xf32, #tpu.memory_space<vmem>>) target_semaphore(%arg25 : memref<!tpu.dma_semaphore, #tpu.memory_space<semaphore_mem>>)
      %slice3A_1408 = vector.extract_strided_slice %scan3A_1088 {offsets = [3], sizes = [1], strides = [1]} : vector<16xi32> to vector<1xi32>
      %squeeze3A_1409 = vector.extract %slice3A_1408[0] : i32 from vector<1xi32>
      %jit3A_1410 = arith.constant 8 : i32
      %div3A_1411 = arith.divsi %squeeze3A_1409, %jit3A_1410 : i32
      %sign3A_1412 = arith.constant 0 : i32
      %sign3A_1413 = arith.cmpi sgt, %squeeze3A_1409, %sign3A_1412 : i32
      %sign3A_1414 = arith.extui %sign3A_1413 : i1 to i32
      %sign3A_1415 = arith.constant 0 : i32
      %sign3A_1416 = arith.cmpi slt, %squeeze3A_1409, %sign3A_1415 : i32
      %sign3A_1417 = arith.extui %sign3A_1416 : i1 to i32
      %sign3A_1418 = arith.subi %sign3A_1414, %sign3A_1417 : i32
      %sign3A_1419 = arith.constant 0 : i32
      %sign3A_1420 = arith.cmpi sgt, %jit3A_1410, %sign3A_1419 : i32
      %sign3A_1421 = arith.extui %sign3A_1420 : i1 to i32
      %sign3A_1422 = arith.constant 0 : i32
      %sign3A_1423 = arith.cmpi slt, %jit3A_1410, %sign3A_1422 : i32
      %sign3A_1424 = arith.extui %sign3A_1423 : i1 to i32
      %sign3A_1425 = arith.subi %sign3A_1421, %sign3A_1424 : i32
      %ne3A_1426 = arith.cmpi ne, %sign3A_1418, %sign3A_1425 : i32
      %rem3A_1427 = arith.remsi %squeeze3A_1409, %jit3A_1410 : i32
      %ne3A_1428 = arith.constant 0 : i32
      %ne3A_1429 = arith.cmpi ne, %rem3A_1427, %ne3A_1428 : i32
      %and3A_1430 = arith.andi %ne3A_1426, %ne3A_1429 : i1
      %sub3A_1431 = arith.constant 1 : i32
      %sub3A_1432 = arith.subi %div3A_1411, %sub3A_1431 : i32
      %select_n3A_1433 = arith.select %and3A_1430, %sub3A_1432, %div3A_1411 : i32
      %dma_wait3A_1434 = arith.constant 0 : i32
      %dma_wait3A_1435 = arith.constant 0 : i32
      %dma_wait3A_1436 = tpu.memref_slice %arg3[%select_n3A_1433, %dma_wait3A_1434, %dma_wait3A_1435] : memref<125000x8x32xf32, #tpu.memory_space<hbm>> -> memref<1x8x32xf32, #tpu.memory_space<hbm>>
      %dma_wait3A_1437 = tpu.memref_squeeze %dma_wait3A_1436 : memref<1x8x32xf32, #tpu.memory_space<hbm>> -> memref<8x32xf32, #tpu.memory_space<hbm>>
      %dma_wait3A_1438 = arith.constant 0 : i32
      %dma_wait3A_1439 = arith.constant 0 : i32
      %dma_wait3A_1440 = tpu.memref_slice %arg3[%select_n3A_1433, %dma_wait3A_1438, %dma_wait3A_1439] : memref<125000x8x32xf32, #tpu.memory_space<hbm>> -> memref<1x8x32xf32, #tpu.memory_space<hbm>>
      %dma_wait3A_1441 = tpu.memref_squeeze %dma_wait3A_1440 : memref<1x8x32xf32, #tpu.memory_space<hbm>> -> memref<8x32xf32, #tpu.memory_space<hbm>>
      tpu.wait_dma2 semaphore(%arg26 : memref<!tpu.dma_semaphore, #tpu.memory_space<semaphore_mem>>) src(%dma_wait3A_1441 : memref<8x32xf32, #tpu.memory_space<hbm>>) dst(%arg10 : memref<8x32xf32, #tpu.memory_space<vmem>>)
      %jit3A_1442 = arith.constant 8 : i32
      %eq3A_1443 = arith.constant 0 : i32
      %eq3A_1444 = arith.cmpi eq, %jit3A_1442, %eq3A_1443 : i32
      %jit3A_1445 = arith.constant 1 : i32
      %select_n3A_1446 = arith.select %eq3A_1444, %jit3A_1445, %jit3A_1442 : i32
      %rem3A_1447 = arith.remsi %squeeze3A_1409, %select_n3A_1446 : i32
      %ne3A_1448 = arith.constant 0 : i32
      %ne3A_1449 = arith.cmpi ne, %rem3A_1447, %ne3A_1448 : i32
      %lt3A_1450 = arith.constant 0 : i32
      %lt3A_1451 = arith.cmpi slt, %rem3A_1447, %lt3A_1450 : i32
      %lt3A_1452 = arith.constant 0 : i32
      %lt3A_1453 = arith.cmpi slt, %select_n3A_1446, %lt3A_1452 : i32
      %ne3A_1454 = arith.xori %lt3A_1451, %lt3A_1453 : i1
      %and3A_1455 = arith.andi %ne3A_1454, %ne3A_1449 : i1
      %add3A_1456 = arith.addi %rem3A_1447, %select_n3A_1446 : i32
      %select_n3A_1457 = arith.select %and3A_1455, %add3A_1456, %rem3A_1447 : i32
      %get3A_1458 = arith.index_cast %select_n3A_1457 : i32 to index
      %get3A_1459 = arith.constant 0 : index
      %get3A_1460 = tpu.vector_load %arg10[%get3A_1458, %get3A_1459] {strides = array<i32>} : memref<8x32xf32, #tpu.memory_space<vmem>>, vector<16xf32>,
      %get3A_1461 = arith.index_cast %select_n3A_1457 : i32 to index
      %get3A_1462 = arith.constant 16 : index
      %get3A_1463 = tpu.vector_load %arg10[%get3A_1461, %get3A_1462] {strides = array<i32>} : memref<8x32xf32, #tpu.memory_space<vmem>>, vector<16xf32>,
      %mul3A_1464 = arith.constant 4 : i32
      %mul3A_1465 = arith.muli %scan3A_1087, %mul3A_1464 : i32
      %add3A_1466 = arith.constant 0 : i32
      %add3A_1467 = arith.addi %mul3A_1465, %add3A_1466 : i32
      %swap3A_1468 = arith.index_cast %add3A_1467 : i32 to index
      %swap3A_1469 = arith.constant 96 : index
      %swap3A_1470 = tpu.vector_load %arg6[%swap3A_1468, %swap3A_1469] {strides = array<i32>} : memref<128x128xf32, #tpu.memory_space<vmem>>, vector<16xf32>,
      tpu.vector_store %arg6[%swap3A_1468, %swap3A_1469], %get3A_1460 {strides = array<i32>} : memref<128x128xf32, #tpu.memory_space<vmem>>, vector<16xf32>,
      %swap3A_1471 = arith.index_cast %add3A_1467 : i32 to index
      %swap3A_1472 = arith.constant 112 : index
      %swap3A_1473 = tpu.vector_load %arg6[%swap3A_1471, %swap3A_1472] {strides = array<i32>} : memref<128x128xf32, #tpu.memory_space<vmem>>, vector<16xf32>,
      tpu.vector_store %arg6[%swap3A_1471, %swap3A_1472], %get3A_1463 {strides = array<i32>} : memref<128x128xf32, #tpu.memory_space<vmem>>, vector<16xf32>,
      %slice3A_1474 = vector.extract_strided_slice %get3A_1108 {offsets = [3], sizes = [1], strides = [1]} : vector<16xi32> to vector<1xi32>
      %squeeze3A_1475 = vector.extract %slice3A_1474[0] : i32 from vector<1xi32>
      %jit3A_1476 = arith.constant 8 : i32
      %div3A_1477 = arith.divsi %squeeze3A_1475, %jit3A_1476 : i32
      %sign3A_1478 = arith.constant 0 : i32
      %sign3A_1479 = arith.cmpi sgt, %squeeze3A_1475, %sign3A_1478 : i32
      %sign3A_1480 = arith.extui %sign3A_1479 : i1 to i32
      %sign3A_1481 = arith.constant 0 : i32
      %sign3A_1482 = arith.cmpi slt, %squeeze3A_1475, %sign3A_1481 : i32
      %sign3A_1483 = arith.extui %sign3A_1482 : i1 to i32
      %sign3A_1484 = arith.subi %sign3A_1480, %sign3A_1483 : i32
      %sign3A_1485 = arith.constant 0 : i32
      %sign3A_1486 = arith.cmpi sgt, %jit3A_1476, %sign3A_1485 : i32
      %sign3A_1487 = arith.extui %sign3A_1486 : i1 to i32
      %sign3A_1488 = arith.constant 0 : i32
      %sign3A_1489 = arith.cmpi slt, %jit3A_1476, %sign3A_1488 : i32
      %sign3A_1490 = arith.extui %sign3A_1489 : i1 to i32
      %sign3A_1491 = arith.subi %sign3A_1487, %sign3A_1490 : i32
      %ne3A_1492 = arith.cmpi ne, %sign3A_1484, %sign3A_1491 : i32
      %rem3A_1493 = arith.remsi %squeeze3A_1475, %jit3A_1476 : i32
      %ne3A_1494 = arith.constant 0 : i32
      %ne3A_1495 = arith.cmpi ne, %rem3A_1493, %ne3A_1494 : i32
      %and3A_1496 = arith.andi %ne3A_1492, %ne3A_1495 : i1
      %sub3A_1497 = arith.constant 1 : i32
      %sub3A_1498 = arith.subi %div3A_1477, %sub3A_1497 : i32
      %select_n3A_1499 = arith.select %and3A_1496, %sub3A_1498, %div3A_1477 : i32
      %dma_start3A_1500 = arith.constant 0 : i32
      %dma_start3A_1501 = arith.constant 0 : i32
      %dma_start3A_1502 = tpu.memref_slice %arg3[%select_n3A_1499, %dma_start3A_1500, %dma_start3A_1501] : memref<125000x8x32xf32, #tpu.memory_space<hbm>> -> memref<1x8x32xf32, #tpu.memory_space<hbm>>
      %dma_start3A_1503 = tpu.memref_squeeze %dma_start3A_1502 : memref<1x8x32xf32, #tpu.memory_space<hbm>> -> memref<8x32xf32, #tpu.memory_space<hbm>>
      %dma_start3A_1504 = arith.constant 0 : i32
      %dma_start3A_1505 = arith.constant 0 : i32
      %dma_start3A_1506 = tpu.memref_slice %arg3[%select_n3A_1499, %dma_start3A_1504, %dma_start3A_1505] : memref<125000x8x32xf32, #tpu.memory_space<hbm>> -> memref<1x8x32xf32, #tpu.memory_space<hbm>>
      %dma_start3A_1507 = tpu.memref_squeeze %dma_start3A_1506 : memref<1x8x32xf32, #tpu.memory_space<hbm>> -> memref<8x32xf32, #tpu.memory_space<hbm>>
      tpu.enqueue_dma source(%dma_start3A_1507 : memref<8x32xf32, #tpu.memory_space<hbm>>) target(%arg10 : memref<8x32xf32, #tpu.memory_space<vmem>>) target_semaphore(%arg26 : memref<!tpu.dma_semaphore, #tpu.memory_space<semaphore_mem>>)
      %slice3A_1508 = vector.extract_strided_slice %scan3A_1088 {offsets = [4], sizes = [1], strides = [1]} : vector<16xi32> to vector<1xi32>
      %squeeze3A_1509 = vector.extract %slice3A_1508[0] : i32 from vector<1xi32>
      %jit3A_1510 = arith.constant 8 : i32
      %div3A_1511 = arith.divsi %squeeze3A_1509, %jit3A_1510 : i32
      %sign3A_1512 = arith.constant 0 : i32
      %sign3A_1513 = arith.cmpi sgt, %squeeze3A_1509, %sign3A_1512 : i32
      %sign3A_1514 = arith.extui %sign3A_1513 : i1 to i32
      %sign3A_1515 = arith.constant 0 : i32
      %sign3A_1516 = arith.cmpi slt, %squeeze3A_1509, %sign3A_1515 : i32
      %sign3A_1517 = arith.extui %sign3A_1516 : i1 to i32
      %sign3A_1518 = arith.subi %sign3A_1514, %sign3A_1517 : i32
      %sign3A_1519 = arith.constant 0 : i32
      %sign3A_1520 = arith.cmpi sgt, %jit3A_1510, %sign3A_1519 : i32
      %sign3A_1521 = arith.extui %sign3A_1520 : i1 to i32
      %sign3A_1522 = arith.constant 0 : i32
      %sign3A_1523 = arith.cmpi slt, %jit3A_1510, %sign3A_1522 : i32
      %sign3A_1524 = arith.extui %sign3A_1523 : i1 to i32
      %sign3A_1525 = arith.subi %sign3A_1521, %sign3A_1524 : i32
      %ne3A_1526 = arith.cmpi ne, %sign3A_1518, %sign3A_1525 : i32
      %rem3A_1527 = arith.remsi %squeeze3A_1509, %jit3A_1510 : i32
      %ne3A_1528 = arith.constant 0 : i32
      %ne3A_1529 = arith.cmpi ne, %rem3A_1527, %ne3A_1528 : i32
      %and3A_1530 = arith.andi %ne3A_1526, %ne3A_1529 : i1
      %sub3A_1531 = arith.constant 1 : i32
      %sub3A_1532 = arith.subi %div3A_1511, %sub3A_1531 : i32
      %select_n3A_1533 = arith.select %and3A_1530, %sub3A_1532, %div3A_1511 : i32
      %dma_wait3A_1534 = arith.constant 0 : i32
      %dma_wait3A_1535 = arith.constant 0 : i32
      %dma_wait3A_1536 = tpu.memref_slice %arg3[%select_n3A_1533, %dma_wait3A_1534, %dma_wait3A_1535] : memref<125000x8x32xf32, #tpu.memory_space<hbm>> -> memref<1x8x32xf32, #tpu.memory_space<hbm>>
      %dma_wait3A_1537 = tpu.memref_squeeze %dma_wait3A_1536 : memref<1x8x32xf32, #tpu.memory_space<hbm>> -> memref<8x32xf32, #tpu.memory_space<hbm>>
      %dma_wait3A_1538 = arith.constant 0 : i32
      %dma_wait3A_1539 = arith.constant 0 : i32
      %dma_wait3A_1540 = tpu.memref_slice %arg3[%select_n3A_1533, %dma_wait3A_1538, %dma_wait3A_1539] : memref<125000x8x32xf32, #tpu.memory_space<hbm>> -> memref<1x8x32xf32, #tpu.memory_space<hbm>>
      %dma_wait3A_1541 = tpu.memref_squeeze %dma_wait3A_1540 : memref<1x8x32xf32, #tpu.memory_space<hbm>> -> memref<8x32xf32, #tpu.memory_space<hbm>>
      tpu.wait_dma2 semaphore(%arg27 : memref<!tpu.dma_semaphore, #tpu.memory_space<semaphore_mem>>) src(%dma_wait3A_1541 : memref<8x32xf32, #tpu.memory_space<hbm>>) dst(%arg11 : memref<8x32xf32, #tpu.memory_space<vmem>>)
      %jit3A_1542 = arith.constant 8 : i32
      %eq3A_1543 = arith.constant 0 : i32
      %eq3A_1544 = arith.cmpi eq, %jit3A_1542, %eq3A_1543 : i32
      %jit3A_1545 = arith.constant 1 : i32
      %select_n3A_1546 = arith.select %eq3A_1544, %jit3A_1545, %jit3A_1542 : i32
      %rem3A_1547 = arith.remsi %squeeze3A_1509, %select_n3A_1546 : i32
      %ne3A_1548 = arith.constant 0 : i32
      %ne3A_1549 = arith.cmpi ne, %rem3A_1547, %ne3A_1548 : i32
      %lt3A_1550 = arith.constant 0 : i32
      %lt3A_1551 = arith.cmpi slt, %rem3A_1547, %lt3A_1550 : i32
      %lt3A_1552 = arith.constant 0 : i32
      %lt3A_1553 = arith.cmpi slt, %select_n3A_1546, %lt3A_1552 : i32
      %ne3A_1554 = arith.xori %lt3A_1551, %lt3A_1553 : i1
      %and3A_1555 = arith.andi %ne3A_1554, %ne3A_1549 : i1
      %add3A_1556 = arith.addi %rem3A_1547, %select_n3A_1546 : i32
      %select_n3A_1557 = arith.select %and3A_1555, %add3A_1556, %rem3A_1547 : i32
      %get3A_1558 = arith.index_cast %select_n3A_1557 : i32 to index
      %get3A_1559 = arith.constant 0 : index
      %get3A_1560 = tpu.vector_load %arg11[%get3A_1558, %get3A_1559] {strides = array<i32>} : memref<8x32xf32, #tpu.memory_space<vmem>>, vector<16xf32>,
      %get3A_1561 = arith.index_cast %select_n3A_1557 : i32 to index
      %get3A_1562 = arith.constant 16 : index
      %get3A_1563 = tpu.vector_load %arg11[%get3A_1561, %get3A_1562] {strides = array<i32>} : memref<8x32xf32, #tpu.memory_space<vmem>>, vector<16xf32>,
      %mul3A_1564 = arith.constant 4 : i32
      %mul3A_1565 = arith.muli %scan3A_1087, %mul3A_1564 : i32
      %add3A_1566 = arith.constant 1 : i32
      %add3A_1567 = arith.addi %mul3A_1565, %add3A_1566 : i32
      %swap3A_1568 = arith.index_cast %add3A_1567 : i32 to index
      %swap3A_1569 = arith.constant 0 : index
      %swap3A_1570 = tpu.vector_load %arg6[%swap3A_1568, %swap3A_1569] {strides = array<i32>} : memref<128x128xf32, #tpu.memory_space<vmem>>, vector<16xf32>,
      tpu.vector_store %arg6[%swap3A_1568, %swap3A_1569], %get3A_1560 {strides = array<i32>} : memref<128x128xf32, #tpu.memory_space<vmem>>, vector<16xf32>,
      %swap3A_1571 = arith.index_cast %add3A_1567 : i32 to index
      %swap3A_1572 = arith.constant 16 : index
      %swap3A_1573 = tpu.vector_load %arg6[%swap3A_1571, %swap3A_1572] {strides = array<i32>} : memref<128x128xf32, #tpu.memory_space<vmem>>, vector<16xf32>,
      tpu.vector_store %arg6[%swap3A_1571, %swap3A_1572], %get3A_1563 {strides = array<i32>} : memref<128x128xf32, #tpu.memory_space<vmem>>, vector<16xf32>,
      %slice3A_1574 = vector.extract_strided_slice %get3A_1108 {offsets = [4], sizes = [1], strides = [1]} : vector<16xi32> to vector<1xi32>
      %squeeze3A_1575 = vector.extract %slice3A_1574[0] : i32 from vector<1xi32>
      %jit3A_1576 = arith.constant 8 : i32
      %div3A_1577 = arith.divsi %squeeze3A_1575, %jit3A_1576 : i32
      %sign3A_1578 = arith.constant 0 : i32
      %sign3A_1579 = arith.cmpi sgt, %squeeze3A_1575, %sign3A_1578 : i32
      %sign3A_1580 = arith.extui %sign3A_1579 : i1 to i32
      %sign3A_1581 = arith.constant 0 : i32
      %sign3A_1582 = arith.cmpi slt, %squeeze3A_1575, %sign3A_1581 : i32
      %sign3A_1583 = arith.extui %sign3A_1582 : i1 to i32
      %sign3A_1584 = arith.subi %sign3A_1580, %sign3A_1583 : i32
      %sign3A_1585 = arith.constant 0 : i32
      %sign3A_1586 = arith.cmpi sgt, %jit3A_1576, %sign3A_1585 : i32
      %sign3A_1587 = arith.extui %sign3A_1586 : i1 to i32
      %sign3A_1588 = arith.constant 0 : i32
      %sign3A_1589 = arith.cmpi slt, %jit3A_1576, %sign3A_1588 : i32
      %sign3A_1590 = arith.extui %sign3A_1589 : i1 to i32
      %sign3A_1591 = arith.subi %sign3A_1587, %sign3A_1590 : i32
      %ne3A_1592 = arith.cmpi ne, %sign3A_1584, %sign3A_1591 : i32
      %rem3A_1593 = arith.remsi %squeeze3A_1575, %jit3A_1576 : i32
      %ne3A_1594 = arith.constant 0 : i32
      %ne3A_1595 = arith.cmpi ne, %rem3A_1593, %ne3A_1594 : i32
      %and3A_1596 = arith.andi %ne3A_1592, %ne3A_1595 : i1
      %sub3A_1597 = arith.constant 1 : i32
      %sub3A_1598 = arith.subi %div3A_1577, %sub3A_1597 : i32
      %select_n3A_1599 = arith.select %and3A_1596, %sub3A_1598, %div3A_1577 : i32
      %dma_start3A_1600 = arith.constant 0 : i32
      %dma_start3A_1601 = arith.constant 0 : i32
      %dma_start3A_1602 = tpu.memref_slice %arg3[%select_n3A_1599, %dma_start3A_1600, %dma_start3A_1601] : memref<125000x8x32xf32, #tpu.memory_space<hbm>> -> memref<1x8x32xf32, #tpu.memory_space<hbm>>
      %dma_start3A_1603 = tpu.memref_squeeze %dma_start3A_1602 : memref<1x8x32xf32, #tpu.memory_space<hbm>> -> memref<8x32xf32, #tpu.memory_space<hbm>>
      %dma_start3A_1604 = arith.constant 0 : i32
      %dma_start3A_1605 = arith.constant 0 : i32
      %dma_start3A_1606 = tpu.memref_slice %arg3[%select_n3A_1599, %dma_start3A_1604, %dma_start3A_1605] : memref<125000x8x32xf32, #tpu.memory_space<hbm>> -> memref<1x8x32xf32, #tpu.memory_space<hbm>>
      %dma_start3A_1607 = tpu.memref_squeeze %dma_start3A_1606 : memref<1x8x32xf32, #tpu.memory_space<hbm>> -> memref<8x32xf32, #tpu.memory_space<hbm>>
      tpu.enqueue_dma source(%dma_start3A_1607 : memref<8x32xf32, #tpu.memory_space<hbm>>) target(%arg11 : memref<8x32xf32, #tpu.memory_space<vmem>>) target_semaphore(%arg27 : memref<!tpu.dma_semaphore, #tpu.memory_space<semaphore_mem>>)
      %slice3A_1608 = vector.extract_strided_slice %scan3A_1088 {offsets = [5], sizes = [1], strides = [1]} : vector<16xi32> to vector<1xi32>
      %squeeze3A_1609 = vector.extract %slice3A_1608[0] : i32 from vector<1xi32>
      %jit3A_1610 = arith.constant 8 : i32
      %div3A_1611 = arith.divsi %squeeze3A_1609, %jit3A_1610 : i32
      %sign3A_1612 = arith.constant 0 : i32
      %sign3A_1613 = arith.cmpi sgt, %squeeze3A_1609, %sign3A_1612 : i32
      %sign3A_1614 = arith.extui %sign3A_1613 : i1 to i32
      %sign3A_1615 = arith.constant 0 : i32
      %sign3A_1616 = arith.cmpi slt, %squeeze3A_1609, %sign3A_1615 : i32
      %sign3A_1617 = arith.extui %sign3A_1616 : i1 to i32
      %sign3A_1618 = arith.subi %sign3A_1614, %sign3A_1617 : i32
      %sign3A_1619 = arith.constant 0 : i32
      %sign3A_1620 = arith.cmpi sgt, %jit3A_1610, %sign3A_1619 : i32
      %sign3A_1621 = arith.extui %sign3A_1620 : i1 to i32
      %sign3A_1622 = arith.constant 0 : i32
      %sign3A_1623 = arith.cmpi slt, %jit3A_1610, %sign3A_1622 : i32
      %sign3A_1624 = arith.extui %sign3A_1623 : i1 to i32
      %sign3A_1625 = arith.subi %sign3A_1621, %sign3A_1624 : i32
      %ne3A_1626 = arith.cmpi ne, %sign3A_1618, %sign3A_1625 : i32
      %rem3A_1627 = arith.remsi %squeeze3A_1609, %jit3A_1610 : i32
      %ne3A_1628 = arith.constant 0 : i32
      %ne3A_1629 = arith.cmpi ne, %rem3A_1627, %ne3A_1628 : i32
      %and3A_1630 = arith.andi %ne3A_1626, %ne3A_1629 : i1
      %sub3A_1631 = arith.constant 1 : i32
      %sub3A_1632 = arith.subi %div3A_1611, %sub3A_1631 : i32
      %select_n3A_1633 = arith.select %and3A_1630, %sub3A_1632, %div3A_1611 : i32
      %dma_wait3A_1634 = arith.constant 0 : i32
      %dma_wait3A_1635 = arith.constant 0 : i32
      %dma_wait3A_1636 = tpu.memref_slice %arg3[%select_n3A_1633, %dma_wait3A_1634, %dma_wait3A_1635] : memref<125000x8x32xf32, #tpu.memory_space<hbm>> -> memref<1x8x32xf32, #tpu.memory_space<hbm>>
      %dma_wait3A_1637 = tpu.memref_squeeze %dma_wait3A_1636 : memref<1x8x32xf32, #tpu.memory_space<hbm>> -> memref<8x32xf32, #tpu.memory_space<hbm>>
      %dma_wait3A_1638 = arith.constant 0 : i32
      %dma_wait3A_1639 = arith.constant 0 : i32
      %dma_wait3A_1640 = tpu.memref_slice %arg3[%select_n3A_1633, %dma_wait3A_1638, %dma_wait3A_1639] : memref<125000x8x32xf32, #tpu.memory_space<hbm>> -> memref<1x8x32xf32, #tpu.memory_space<hbm>>
      %dma_wait3A_1641 = tpu.memref_squeeze %dma_wait3A_1640 : memref<1x8x32xf32, #tpu.memory_space<hbm>> -> memref<8x32xf32, #tpu.memory_space<hbm>>
      tpu.wait_dma2 semaphore(%arg28 : memref<!tpu.dma_semaphore, #tpu.memory_space<semaphore_mem>>) src(%dma_wait3A_1641 : memref<8x32xf32, #tpu.memory_space<hbm>>) dst(%arg12 : memref<8x32xf32, #tpu.memory_space<vmem>>)
      %jit3A_1642 = arith.constant 8 : i32
      %eq3A_1643 = arith.constant 0 : i32
      %eq3A_1644 = arith.cmpi eq, %jit3A_1642, %eq3A_1643 : i32
      %jit3A_1645 = arith.constant 1 : i32
      %select_n3A_1646 = arith.select %eq3A_1644, %jit3A_1645, %jit3A_1642 : i32
      %rem3A_1647 = arith.remsi %squeeze3A_1609, %select_n3A_1646 : i32
      %ne3A_1648 = arith.constant 0 : i32
      %ne3A_1649 = arith.cmpi ne, %rem3A_1647, %ne3A_1648 : i32
      %lt3A_1650 = arith.constant 0 : i32
      %lt3A_1651 = arith.cmpi slt, %rem3A_1647, %lt3A_1650 : i32
      %lt3A_1652 = arith.constant 0 : i32
      %lt3A_1653 = arith.cmpi slt, %select_n3A_1646, %lt3A_1652 : i32
      %ne3A_1654 = arith.xori %lt3A_1651, %lt3A_1653 : i1
      %and3A_1655 = arith.andi %ne3A_1654, %ne3A_1649 : i1
      %add3A_1656 = arith.addi %rem3A_1647, %select_n3A_1646 : i32
      %select_n3A_1657 = arith.select %and3A_1655, %add3A_1656, %rem3A_1647 : i32
      %get3A_1658 = arith.index_cast %select_n3A_1657 : i32 to index
      %get3A_1659 = arith.constant 0 : index
      %get3A_1660 = tpu.vector_load %arg12[%get3A_1658, %get3A_1659] {strides = array<i32>} : memref<8x32xf32, #tpu.memory_space<vmem>>, vector<16xf32>,
      %get3A_1661 = arith.index_cast %select_n3A_1657 : i32 to index
      %get3A_1662 = arith.constant 16 : index
      %get3A_1663 = tpu.vector_load %arg12[%get3A_1661, %get3A_1662] {strides = array<i32>} : memref<8x32xf32, #tpu.memory_space<vmem>>, vector<16xf32>,
      %mul3A_1664 = arith.constant 4 : i32
      %mul3A_1665 = arith.muli %scan3A_1087, %mul3A_1664 : i32
      %add3A_1666 = arith.constant 1 : i32
      %add3A_1667 = arith.addi %mul3A_1665, %add3A_1666 : i32
      %swap3A_1668 = arith.index_cast %add3A_1667 : i32 to index
      %swap3A_1669 = arith.constant 32 : index
      %swap3A_1670 = tpu.vector_load %arg6[%swap3A_1668, %swap3A_1669] {strides = array<i32>} : memref<128x128xf32, #tpu.memory_space<vmem>>, vector<16xf32>,
      tpu.vector_store %arg6[%swap3A_1668, %swap3A_1669], %get3A_1660 {strides = array<i32>} : memref<128x128xf32, #tpu.memory_space<vmem>>, vector<16xf32>,
      %swap3A_1671 = arith.index_cast %add3A_1667 : i32 to index
      %swap3A_1672 = arith.constant 48 : index
      %swap3A_1673 = tpu.vector_load %arg6[%swap3A_1671, %swap3A_1672] {strides = array<i32>} : memref<128x128xf32, #tpu.memory_space<vmem>>, vector<16xf32>,
      tpu.vector_store %arg6[%swap3A_1671, %swap3A_1672], %get3A_1663 {strides = array<i32>} : memref<128x128xf32, #tpu.memory_space<vmem>>, vector<16xf32>,
      %slice3A_1674 = vector.extract_strided_slice %get3A_1108 {offsets = [5], sizes = [1], strides = [1]} : vector<16xi32> to vector<1xi32>
      %squeeze3A_1675 = vector.extract %slice3A_1674[0] : i32 from vector<1xi32>
      %jit3A_1676 = arith.constant 8 : i32
      %div3A_1677 = arith.divsi %squeeze3A_1675, %jit3A_1676 : i32
      %sign3A_1678 = arith.constant 0 : i32
      %sign3A_1679 = arith.cmpi sgt, %squeeze3A_1675, %sign3A_1678 : i32
      %sign3A_1680 = arith.extui %sign3A_1679 : i1 to i32
      %sign3A_1681 = arith.constant 0 : i32
      %sign3A_1682 = arith.cmpi slt, %squeeze3A_1675, %sign3A_1681 : i32
      %sign3A_1683 = arith.extui %sign3A_1682 : i1 to i32
      %sign3A_1684 = arith.subi %sign3A_1680, %sign3A_1683 : i32
      %sign3A_1685 = arith.constant 0 : i32
      %sign3A_1686 = arith.cmpi sgt, %jit3A_1676, %sign3A_1685 : i32
      %sign3A_1687 = arith.extui %sign3A_1686 : i1 to i32
      %sign3A_1688 = arith.constant 0 : i32
      %sign3A_1689 = arith.cmpi slt, %jit3A_1676, %sign3A_1688 : i32
      %sign3A_1690 = arith.extui %sign3A_1689 : i1 to i32
      %sign3A_1691 = arith.subi %sign3A_1687, %sign3A_1690 : i32
      %ne3A_1692 = arith.cmpi ne, %sign3A_1684, %sign3A_1691 : i32
      %rem3A_1693 = arith.remsi %squeeze3A_1675, %jit3A_1676 : i32
      %ne3A_1694 = arith.constant 0 : i32
      %ne3A_1695 = arith.cmpi ne, %rem3A_1693, %ne3A_1694 : i32
      %and3A_1696 = arith.andi %ne3A_1692, %ne3A_1695 : i1
      %sub3A_1697 = arith.constant 1 : i32
      %sub3A_1698 = arith.subi %div3A_1677, %sub3A_1697 : i32
      %select_n3A_1699 = arith.select %and3A_1696, %sub3A_1698, %div3A_1677 : i32
      %dma_start3A_1700 = arith.constant 0 : i32
      %dma_start3A_1701 = arith.constant 0 : i32
      %dma_start3A_1702 = tpu.memref_slice %arg3[%select_n3A_1699, %dma_start3A_1700, %dma_start3A_1701] : memref<125000x8x32xf32, #tpu.memory_space<hbm>> -> memref<1x8x32xf32, #tpu.memory_space<hbm>>
      %dma_start3A_1703 = tpu.memref_squeeze %dma_start3A_1702 : memref<1x8x32xf32, #tpu.memory_space<hbm>> -> memref<8x32xf32, #tpu.memory_space<hbm>>
      %dma_start3A_1704 = arith.constant 0 : i32
      %dma_start3A_1705 = arith.constant 0 : i32
      %dma_start3A_1706 = tpu.memref_slice %arg3[%select_n3A_1699, %dma_start3A_1704, %dma_start3A_1705] : memref<125000x8x32xf32, #tpu.memory_space<hbm>> -> memref<1x8x32xf32, #tpu.memory_space<hbm>>
      %dma_start3A_1707 = tpu.memref_squeeze %dma_start3A_1706 : memref<1x8x32xf32, #tpu.memory_space<hbm>> -> memref<8x32xf32, #tpu.memory_space<hbm>>
      tpu.enqueue_dma source(%dma_start3A_1707 : memref<8x32xf32, #tpu.memory_space<hbm>>) target(%arg12 : memref<8x32xf32, #tpu.memory_space<vmem>>) target_semaphore(%arg28 : memref<!tpu.dma_semaphore, #tpu.memory_space<semaphore_mem>>)
      %slice3A_1708 = vector.extract_strided_slice %scan3A_1088 {offsets = [6], sizes = [1], strides = [1]} : vector<16xi32> to vector<1xi32>
      %squeeze3A_1709 = vector.extract %slice3A_1708[0] : i32 from vector<1xi32>
      %jit3A_1710 = arith.constant 8 : i32
      %div3A_1711 = arith.divsi %squeeze3A_1709, %jit3A_1710 : i32
      %sign3A_1712 = arith.constant 0 : i32
      %sign3A_1713 = arith.cmpi sgt, %squeeze3A_1709, %sign3A_1712 : i32
      %sign3A_1714 = arith.extui %sign3A_1713 : i1 to i32
      %sign3A_1715 = arith.constant 0 : i32
      %sign3A_1716 = arith.cmpi slt, %squeeze3A_1709, %sign3A_1715 : i32
      %sign3A_1717 = arith.extui %sign3A_1716 : i1 to i32
      %sign3A_1718 = arith.subi %sign3A_1714, %sign3A_1717 : i32
      %sign3A_1719 = arith.constant 0 : i32
      %sign3A_1720 = arith.cmpi sgt, %jit3A_1710, %sign3A_1719 : i32
      %sign3A_1721 = arith.extui %sign3A_1720 : i1 to i32
      %sign3A_1722 = arith.constant 0 : i32
      %sign3A_1723 = arith.cmpi slt, %jit3A_1710, %sign3A_1722 : i32
      %sign3A_1724 = arith.extui %sign3A_1723 : i1 to i32
      %sign3A_1725 = arith.subi %sign3A_1721, %sign3A_1724 : i32
      %ne3A_1726 = arith.cmpi ne, %sign3A_1718, %sign3A_1725 : i32
      %rem3A_1727 = arith.remsi %squeeze3A_1709, %jit3A_1710 : i32
      %ne3A_1728 = arith.constant 0 : i32
      %ne3A_1729 = arith.cmpi ne, %rem3A_1727, %ne3A_1728 : i32
      %and3A_1730 = arith.andi %ne3A_1726, %ne3A_1729 : i1
      %sub3A_1731 = arith.constant 1 : i32
      %sub3A_1732 = arith.subi %div3A_1711, %sub3A_1731 : i32
      %select_n3A_1733 = arith.select %and3A_1730, %sub3A_1732, %div3A_1711 : i32
      %dma_wait3A_1734 = arith.constant 0 : i32
      %dma_wait3A_1735 = arith.constant 0 : i32
      %dma_wait3A_1736 = tpu.memref_slice %arg3[%select_n3A_1733, %dma_wait3A_1734, %dma_wait3A_1735] : memref<125000x8x32xf32, #tpu.memory_space<hbm>> -> memref<1x8x32xf32, #tpu.memory_space<hbm>>
      %dma_wait3A_1737 = tpu.memref_squeeze %dma_wait3A_1736 : memref<1x8x32xf32, #tpu.memory_space<hbm>> -> memref<8x32xf32, #tpu.memory_space<hbm>>
      %dma_wait3A_1738 = arith.constant 0 : i32
      %dma_wait3A_1739 = arith.constant 0 : i32
      %dma_wait3A_1740 = tpu.memref_slice %arg3[%select_n3A_1733, %dma_wait3A_1738, %dma_wait3A_1739] : memref<125000x8x32xf32, #tpu.memory_space<hbm>> -> memref<1x8x32xf32, #tpu.memory_space<hbm>>
      %dma_wait3A_1741 = tpu.memref_squeeze %dma_wait3A_1740 : memref<1x8x32xf32, #tpu.memory_space<hbm>> -> memref<8x32xf32, #tpu.memory_space<hbm>>
      tpu.wait_dma2 semaphore(%arg29 : memref<!tpu.dma_semaphore, #tpu.memory_space<semaphore_mem>>) src(%dma_wait3A_1741 : memref<8x32xf32, #tpu.memory_space<hbm>>) dst(%arg13 : memref<8x32xf32, #tpu.memory_space<vmem>>)
      %jit3A_1742 = arith.constant 8 : i32
      %eq3A_1743 = arith.constant 0 : i32
      %eq3A_1744 = arith.cmpi eq, %jit3A_1742, %eq3A_1743 : i32
      %jit3A_1745 = arith.constant 1 : i32
      %select_n3A_1746 = arith.select %eq3A_1744, %jit3A_1745, %jit3A_1742 : i32
      %rem3A_1747 = arith.remsi %squeeze3A_1709, %select_n3A_1746 : i32
      %ne3A_1748 = arith.constant 0 : i32
      %ne3A_1749 = arith.cmpi ne, %rem3A_1747, %ne3A_1748 : i32
      %lt3A_1750 = arith.constant 0 : i32
      %lt3A_1751 = arith.cmpi slt, %rem3A_1747, %lt3A_1750 : i32
      %lt3A_1752 = arith.constant 0 : i32
      %lt3A_1753 = arith.cmpi slt, %select_n3A_1746, %lt3A_1752 : i32
      %ne3A_1754 = arith.xori %lt3A_1751, %lt3A_1753 : i1
      %and3A_1755 = arith.andi %ne3A_1754, %ne3A_1749 : i1
      %add3A_1756 = arith.addi %rem3A_1747, %select_n3A_1746 : i32
      %select_n3A_1757 = arith.select %and3A_1755, %add3A_1756, %rem3A_1747 : i32
      %get3A_1758 = arith.index_cast %select_n3A_1757 : i32 to index
      %get3A_1759 = arith.constant 0 : index
      %get3A_1760 = tpu.vector_load %arg13[%get3A_1758, %get3A_1759] {strides = array<i32>} : memref<8x32xf32, #tpu.memory_space<vmem>>, vector<16xf32>,
      %get3A_1761 = arith.index_cast %select_n3A_1757 : i32 to index
      %get3A_1762 = arith.constant 16 : index
      %get3A_1763 = tpu.vector_load %arg13[%get3A_1761, %get3A_1762] {strides = array<i32>} : memref<8x32xf32, #tpu.memory_space<vmem>>, vector<16xf32>,
      %mul3A_1764 = arith.constant 4 : i32
      %mul3A_1765 = arith.muli %scan3A_1087, %mul3A_1764 : i32
      %add3A_1766 = arith.constant 1 : i32
      %add3A_1767 = arith.addi %mul3A_1765, %add3A_1766 : i32
      %swap3A_1768 = arith.index_cast %add3A_1767 : i32 to index
      %swap3A_1769 = arith.constant 64 : index
      %swap3A_1770 = tpu.vector_load %arg6[%swap3A_1768, %swap3A_1769] {strides = array<i32>} : memref<128x128xf32, #tpu.memory_space<vmem>>, vector<16xf32>,
      tpu.vector_store %arg6[%swap3A_1768, %swap3A_1769], %get3A_1760 {strides = array<i32>} : memref<128x128xf32, #tpu.memory_space<vmem>>, vector<16xf32>,
      %swap3A_1771 = arith.index_cast %add3A_1767 : i32 to index
      %swap3A_1772 = arith.constant 80 : index
      %swap3A_1773 = tpu.vector_load %arg6[%swap3A_1771, %swap3A_1772] {strides = array<i32>} : memref<128x128xf32, #tpu.memory_space<vmem>>, vector<16xf32>,
      tpu.vector_store %arg6[%swap3A_1771, %swap3A_1772], %get3A_1763 {strides = array<i32>} : memref<128x128xf32, #tpu.memory_space<vmem>>, vector<16xf32>,
      %slice3A_1774 = vector.extract_strided_slice %get3A_1108 {offsets = [6], sizes = [1], strides = [1]} : vector<16xi32> to vector<1xi32>
      %squeeze3A_1775 = vector.extract %slice3A_1774[0] : i32 from vector<1xi32>
      %jit3A_1776 = arith.constant 8 : i32
      %div3A_1777 = arith.divsi %squeeze3A_1775, %jit3A_1776 : i32
      %sign3A_1778 = arith.constant 0 : i32
      %sign3A_1779 = arith.cmpi sgt, %squeeze3A_1775, %sign3A_1778 : i32
      %sign3A_1780 = arith.extui %sign3A_1779 : i1 to i32
      %sign3A_1781 = arith.constant 0 : i32
      %sign3A_1782 = arith.cmpi slt, %squeeze3A_1775, %sign3A_1781 : i32
      %sign3A_1783 = arith.extui %sign3A_1782 : i1 to i32
      %sign3A_1784 = arith.subi %sign3A_1780, %sign3A_1783 : i32
      %sign3A_1785 = arith.constant 0 : i32
      %sign3A_1786 = arith.cmpi sgt, %jit3A_1776, %sign3A_1785 : i32
      %sign3A_1787 = arith.extui %sign3A_1786 : i1 to i32
      %sign3A_1788 = arith.constant 0 : i32
      %sign3A_1789 = arith.cmpi slt, %jit3A_1776, %sign3A_1788 : i32
      %sign3A_1790 = arith.extui %sign3A_1789 : i1 to i32
      %sign3A_1791 = arith.subi %sign3A_1787, %sign3A_1790 : i32
      %ne3A_1792 = arith.cmpi ne, %sign3A_1784, %sign3A_1791 : i32
      %rem3A_1793 = arith.remsi %squeeze3A_1775, %jit3A_1776 : i32
      %ne3A_1794 = arith.constant 0 : i32
      %ne3A_1795 = arith.cmpi ne, %rem3A_1793, %ne3A_1794 : i32
      %and3A_1796 = arith.andi %ne3A_1792, %ne3A_1795 : i1
      %sub3A_1797 = arith.constant 1 : i32
      %sub3A_1798 = arith.subi %div3A_1777, %sub3A_1797 : i32
      %select_n3A_1799 = arith.select %and3A_1796, %sub3A_1798, %div3A_1777 : i32
      %dma_start3A_1800 = arith.constant 0 : i32
      %dma_start3A_1801 = arith.constant 0 : i32
      %dma_start3A_1802 = tpu.memref_slice %arg3[%select_n3A_1799, %dma_start3A_1800, %dma_start3A_1801] : memref<125000x8x32xf32, #tpu.memory_space<hbm>> -> memref<1x8x32xf32, #tpu.memory_space<hbm>>
      %dma_start3A_1803 = tpu.memref_squeeze %dma_start3A_1802 : memref<1x8x32xf32, #tpu.memory_space<hbm>> -> memref<8x32xf32, #tpu.memory_space<hbm>>
      %dma_start3A_1804 = arith.constant 0 : i32
      %dma_start3A_1805 = arith.constant 0 : i32
      %dma_start3A_1806 = tpu.memref_slice %arg3[%select_n3A_1799, %dma_start3A_1804, %dma_start3A_1805] : memref<125000x8x32xf32, #tpu.memory_space<hbm>> -> memref<1x8x32xf32, #tpu.memory_space<hbm>>
      %dma_start3A_1807 = tpu.memref_squeeze %dma_start3A_1806 : memref<1x8x32xf32, #tpu.memory_space<hbm>> -> memref<8x32xf32, #tpu.memory_space<hbm>>
      tpu.enqueue_dma source(%dma_start3A_1807 : memref<8x32xf32, #tpu.memory_space<hbm>>) target(%arg13 : memref<8x32xf32, #tpu.memory_space<vmem>>) target_semaphore(%arg29 : memref<!tpu.dma_semaphore, #tpu.memory_space<semaphore_mem>>)
      %slice3A_1808 = vector.extract_strided_slice %scan3A_1088 {offsets = [7], sizes = [1], strides = [1]} : vector<16xi32> to vector<1xi32>
      %squeeze3A_1809 = vector.extract %slice3A_1808[0] : i32 from vector<1xi32>
      %jit3A_1810 = arith.constant 8 : i32
      %div3A_1811 = arith.divsi %squeeze3A_1809, %jit3A_1810 : i32
      %sign3A_1812 = arith.constant 0 : i32
      %sign3A_1813 = arith.cmpi sgt, %squeeze3A_1809, %sign3A_1812 : i32
      %sign3A_1814 = arith.extui %sign3A_1813 : i1 to i32
      %sign3A_1815 = arith.constant 0 : i32
      %sign3A_1816 = arith.cmpi slt, %squeeze3A_1809, %sign3A_1815 : i32
      %sign3A_1817 = arith.extui %sign3A_1816 : i1 to i32
      %sign3A_1818 = arith.subi %sign3A_1814, %sign3A_1817 : i32
      %sign3A_1819 = arith.constant 0 : i32
      %sign3A_1820 = arith.cmpi sgt, %jit3A_1810, %sign3A_1819 : i32
      %sign3A_1821 = arith.extui %sign3A_1820 : i1 to i32
      %sign3A_1822 = arith.constant 0 : i32
      %sign3A_1823 = arith.cmpi slt, %jit3A_1810, %sign3A_1822 : i32
      %sign3A_1824 = arith.extui %sign3A_1823 : i1 to i32
      %sign3A_1825 = arith.subi %sign3A_1821, %sign3A_1824 : i32
      %ne3A_1826 = arith.cmpi ne, %sign3A_1818, %sign3A_1825 : i32
      %rem3A_1827 = arith.remsi %squeeze3A_1809, %jit3A_1810 : i32
      %ne3A_1828 = arith.constant 0 : i32
      %ne3A_1829 = arith.cmpi ne, %rem3A_1827, %ne3A_1828 : i32
      %and3A_1830 = arith.andi %ne3A_1826, %ne3A_1829 : i1
      %sub3A_1831 = arith.constant 1 : i32
      %sub3A_1832 = arith.subi %div3A_1811, %sub3A_1831 : i32
      %select_n3A_1833 = arith.select %and3A_1830, %sub3A_1832, %div3A_1811 : i32
      %dma_wait3A_1834 = arith.constant 0 : i32
      %dma_wait3A_1835 = arith.constant 0 : i32
      %dma_wait3A_1836 = tpu.memref_slice %arg3[%select_n3A_1833, %dma_wait3A_1834, %dma_wait3A_1835] : memref<125000x8x32xf32, #tpu.memory_space<hbm>> -> memref<1x8x32xf32, #tpu.memory_space<hbm>>
      %dma_wait3A_1837 = tpu.memref_squeeze %dma_wait3A_1836 : memref<1x8x32xf32, #tpu.memory_space<hbm>> -> memref<8x32xf32, #tpu.memory_space<hbm>>
      %dma_wait3A_1838 = arith.constant 0 : i32
      %dma_wait3A_1839 = arith.constant 0 : i32
      %dma_wait3A_1840 = tpu.memref_slice %arg3[%select_n3A_1833, %dma_wait3A_1838, %dma_wait3A_1839] : memref<125000x8x32xf32, #tpu.memory_space<hbm>> -> memref<1x8x32xf32, #tpu.memory_space<hbm>>
      %dma_wait3A_1841 = tpu.memref_squeeze %dma_wait3A_1840 : memref<1x8x32xf32, #tpu.memory_space<hbm>> -> memref<8x32xf32, #tpu.memory_space<hbm>>
      tpu.wait_dma2 semaphore(%arg30 : memref<!tpu.dma_semaphore, #tpu.memory_space<semaphore_mem>>) src(%dma_wait3A_1841 : memref<8x32xf32, #tpu.memory_space<hbm>>) dst(%arg14 : memref<8x32xf32, #tpu.memory_space<vmem>>)
      %jit3A_1842 = arith.constant 8 : i32
      %eq3A_1843 = arith.constant 0 : i32
      %eq3A_1844 = arith.cmpi eq, %jit3A_1842, %eq3A_1843 : i32
      %jit3A_1845 = arith.constant 1 : i32
      %select_n3A_1846 = arith.select %eq3A_1844, %jit3A_1845, %jit3A_1842 : i32
      %rem3A_1847 = arith.remsi %squeeze3A_1809, %select_n3A_1846 : i32
      %ne3A_1848 = arith.constant 0 : i32
      %ne3A_1849 = arith.cmpi ne, %rem3A_1847, %ne3A_1848 : i32
      %lt3A_1850 = arith.constant 0 : i32
      %lt3A_1851 = arith.cmpi slt, %rem3A_1847, %lt3A_1850 : i32
      %lt3A_1852 = arith.constant 0 : i32
      %lt3A_1853 = arith.cmpi slt, %select_n3A_1846, %lt3A_1852 : i32
      %ne3A_1854 = arith.xori %lt3A_1851, %lt3A_1853 : i1
      %and3A_1855 = arith.andi %ne3A_1854, %ne3A_1849 : i1
      %add3A_1856 = arith.addi %rem3A_1847, %select_n3A_1846 : i32
      %select_n3A_1857 = arith.select %and3A_1855, %add3A_1856, %rem3A_1847 : i32
      %get3A_1858 = arith.index_cast %select_n3A_1857 : i32 to index
      %get3A_1859 = arith.constant 0 : index
      %get3A_1860 = tpu.vector_load %arg14[%get3A_1858, %get3A_1859] {strides = array<i32>} : memref<8x32xf32, #tpu.memory_space<vmem>>, vector<16xf32>,
      %get3A_1861 = arith.index_cast %select_n3A_1857 : i32 to index
      %get3A_1862 = arith.constant 16 : index
      %get3A_1863 = tpu.vector_load %arg14[%get3A_1861, %get3A_1862] {strides = array<i32>} : memref<8x32xf32, #tpu.memory_space<vmem>>, vector<16xf32>,
      %mul3A_1864 = arith.constant 4 : i32
      %mul3A_1865 = arith.muli %scan3A_1087, %mul3A_1864 : i32
      %add3A_1866 = arith.constant 1 : i32
      %add3A_1867 = arith.addi %mul3A_1865, %add3A_1866 : i32
      %swap3A_1868 = arith.index_cast %add3A_1867 : i32 to index
      %swap3A_1869 = arith.constant 96 : index
      %swap3A_1870 = tpu.vector_load %arg6[%swap3A_1868, %swap3A_1869] {strides = array<i32>} : memref<128x128xf32, #tpu.memory_space<vmem>>, vector<16xf32>,
      tpu.vector_store %arg6[%swap3A_1868, %swap3A_1869], %get3A_1860 {strides = array<i32>} : memref<128x128xf32, #tpu.memory_space<vmem>>, vector<16xf32>,
      %swap3A_1871 = arith.index_cast %add3A_1867 : i32 to index
      %swap3A_1872 = arith.constant 112 : index
      %swap3A_1873 = tpu.vector_load %arg6[%swap3A_1871, %swap3A_1872] {strides = array<i32>} : memref<128x128xf32, #tpu.memory_space<vmem>>, vector<16xf32>,
      tpu.vector_store %arg6[%swap3A_1871, %swap3A_1872], %get3A_1863 {strides = array<i32>} : memref<128x128xf32, #tpu.memory_space<vmem>>, vector<16xf32>,
      %slice3A_1874 = vector.extract_strided_slice %get3A_1108 {offsets = [7], sizes = [1], strides = [1]} : vector<16xi32> to vector<1xi32>
      %squeeze3A_1875 = vector.extract %slice3A_1874[0] : i32 from vector<1xi32>
      %jit3A_1876 = arith.constant 8 : i32
      %div3A_1877 = arith.divsi %squeeze3A_1875, %jit3A_1876 : i32
      %sign3A_1878 = arith.constant 0 : i32
      %sign3A_1879 = arith.cmpi sgt, %squeeze3A_1875, %sign3A_1878 : i32
      %sign3A_1880 = arith.extui %sign3A_1879 : i1 to i32
      %sign3A_1881 = arith.constant 0 : i32
      %sign3A_1882 = arith.cmpi slt, %squeeze3A_1875, %sign3A_1881 : i32
      %sign3A_1883 = arith.extui %sign3A_1882 : i1 to i32
      %sign3A_1884 = arith.subi %sign3A_1880, %sign3A_1883 : i32
      %sign3A_1885 = arith.constant 0 : i32
      %sign3A_1886 = arith.cmpi sgt, %jit3A_1876, %sign3A_1885 : i32
      %sign3A_1887 = arith.extui %sign3A_1886 : i1 to i32
      %sign3A_1888 = arith.constant 0 : i32
      %sign3A_1889 = arith.cmpi slt, %jit3A_1876, %sign3A_1888 : i32
      %sign3A_1890 = arith.extui %sign3A_1889 : i1 to i32
      %sign3A_1891 = arith.subi %sign3A_1887, %sign3A_1890 : i32
      %ne3A_1892 = arith.cmpi ne, %sign3A_1884, %sign3A_1891 : i32
      %rem3A_1893 = arith.remsi %squeeze3A_1875, %jit3A_1876 : i32
      %ne3A_1894 = arith.constant 0 : i32
      %ne3A_1895 = arith.cmpi ne, %rem3A_1893, %ne3A_1894 : i32
      %and3A_1896 = arith.andi %ne3A_1892, %ne3A_1895 : i1
      %sub3A_1897 = arith.constant 1 : i32
      %sub3A_1898 = arith.subi %div3A_1877, %sub3A_1897 : i32
      %select_n3A_1899 = arith.select %and3A_1896, %sub3A_1898, %div3A_1877 : i32
      %dma_start3A_1900 = arith.constant 0 : i32
      %dma_start3A_1901 = arith.constant 0 : i32
      %dma_start3A_1902 = tpu.memref_slice %arg3[%select_n3A_1899, %dma_start3A_1900, %dma_start3A_1901] : memref<125000x8x32xf32, #tpu.memory_space<hbm>> -> memref<1x8x32xf32, #tpu.memory_space<hbm>>
      %dma_start3A_1903 = tpu.memref_squeeze %dma_start3A_1902 : memref<1x8x32xf32, #tpu.memory_space<hbm>> -> memref<8x32xf32, #tpu.memory_space<hbm>>
      %dma_start3A_1904 = arith.constant 0 : i32
      %dma_start3A_1905 = arith.constant 0 : i32
      %dma_start3A_1906 = tpu.memref_slice %arg3[%select_n3A_1899, %dma_start3A_1904, %dma_start3A_1905] : memref<125000x8x32xf32, #tpu.memory_space<hbm>> -> memref<1x8x32xf32, #tpu.memory_space<hbm>>
      %dma_start3A_1907 = tpu.memref_squeeze %dma_start3A_1906 : memref<1x8x32xf32, #tpu.memory_space<hbm>> -> memref<8x32xf32, #tpu.memory_space<hbm>>
      tpu.enqueue_dma source(%dma_start3A_1907 : memref<8x32xf32, #tpu.memory_space<hbm>>) target(%arg14 : memref<8x32xf32, #tpu.memory_space<vmem>>) target_semaphore(%arg30 : memref<!tpu.dma_semaphore, #tpu.memory_space<semaphore_mem>>)
      %slice3A_1908 = vector.extract_strided_slice %scan3A_1088 {offsets = [8], sizes = [1], strides = [1]} : vector<16xi32> to vector<1xi32>
      %squeeze3A_1909 = vector.extract %slice3A_1908[0] : i32 from vector<1xi32>
      %jit3A_1910 = arith.constant 8 : i32
      %div3A_1911 = arith.divsi %squeeze3A_1909, %jit3A_1910 : i32
      %sign3A_1912 = arith.constant 0 : i32
      %sign3A_1913 = arith.cmpi sgt, %squeeze3A_1909, %sign3A_1912 : i32
      %sign3A_1914 = arith.extui %sign3A_1913 : i1 to i32
      %sign3A_1915 = arith.constant 0 : i32
      %sign3A_1916 = arith.cmpi slt, %squeeze3A_1909, %sign3A_1915 : i32
      %sign3A_1917 = arith.extui %sign3A_1916 : i1 to i32
      %sign3A_1918 = arith.subi %sign3A_1914, %sign3A_1917 : i32
      %sign3A_1919 = arith.constant 0 : i32
      %sign3A_1920 = arith.cmpi sgt, %jit3A_1910, %sign3A_1919 : i32
      %sign3A_1921 = arith.extui %sign3A_1920 : i1 to i32
      %sign3A_1922 = arith.constant 0 : i32
      %sign3A_1923 = arith.cmpi slt, %jit3A_1910, %sign3A_1922 : i32
      %sign3A_1924 = arith.extui %sign3A_1923 : i1 to i32
      %sign3A_1925 = arith.subi %sign3A_1921, %sign3A_1924 : i32
      %ne3A_1926 = arith.cmpi ne, %sign3A_1918, %sign3A_1925 : i32
      %rem3A_1927 = arith.remsi %squeeze3A_1909, %jit3A_1910 : i32
      %ne3A_1928 = arith.constant 0 : i32
      %ne3A_1929 = arith.cmpi ne, %rem3A_1927, %ne3A_1928 : i32
      %and3A_1930 = arith.andi %ne3A_1926, %ne3A_1929 : i1
      %sub3A_1931 = arith.constant 1 : i32
      %sub3A_1932 = arith.subi %div3A_1911, %sub3A_1931 : i32
      %select_n3A_1933 = arith.select %and3A_1930, %sub3A_1932, %div3A_1911 : i32
      %dma_wait3A_1934 = arith.constant 0 : i32
      %dma_wait3A_1935 = arith.constant 0 : i32
      %dma_wait3A_1936 = tpu.memref_slice %arg3[%select_n3A_1933, %dma_wait3A_1934, %dma_wait3A_1935] : memref<125000x8x32xf32, #tpu.memory_space<hbm>> -> memref<1x8x32xf32, #tpu.memory_space<hbm>>
      %dma_wait3A_1937 = tpu.memref_squeeze %dma_wait3A_1936 : memref<1x8x32xf32, #tpu.memory_space<hbm>> -> memref<8x32xf32, #tpu.memory_space<hbm>>
      %dma_wait3A_1938 = arith.constant 0 : i32
      %dma_wait3A_1939 = arith.constant 0 : i32
      %dma_wait3A_1940 = tpu.memref_slice %arg3[%select_n3A_1933, %dma_wait3A_1938, %dma_wait3A_1939] : memref<125000x8x32xf32, #tpu.memory_space<hbm>> -> memref<1x8x32xf32, #tpu.memory_space<hbm>>
      %dma_wait3A_1941 = tpu.memref_squeeze %dma_wait3A_1940 : memref<1x8x32xf32, #tpu.memory_space<hbm>> -> memref<8x32xf32, #tpu.memory_space<hbm>>
      tpu.wait_dma2 semaphore(%arg31 : memref<!tpu.dma_semaphore, #tpu.memory_space<semaphore_mem>>) src(%dma_wait3A_1941 : memref<8x32xf32, #tpu.memory_space<hbm>>) dst(%arg15 : memref<8x32xf32, #tpu.memory_space<vmem>>)
      %jit3A_1942 = arith.constant 8 : i32
      %eq3A_1943 = arith.constant 0 : i32
      %eq3A_1944 = arith.cmpi eq, %jit3A_1942, %eq3A_1943 : i32
      %jit3A_1945 = arith.constant 1 : i32
      %select_n3A_1946 = arith.select %eq3A_1944, %jit3A_1945, %jit3A_1942 : i32
      %rem3A_1947 = arith.remsi %squeeze3A_1909, %select_n3A_1946 : i32
      %ne3A_1948 = arith.constant 0 : i32
      %ne3A_1949 = arith.cmpi ne, %rem3A_1947, %ne3A_1948 : i32
      %lt3A_1950 = arith.constant 0 : i32
      %lt3A_1951 = arith.cmpi slt, %rem3A_1947, %lt3A_1950 : i32
      %lt3A_1952 = arith.constant 0 : i32
      %lt3A_1953 = arith.cmpi slt, %select_n3A_1946, %lt3A_1952 : i32
      %ne3A_1954 = arith.xori %lt3A_1951, %lt3A_1953 : i1
      %and3A_1955 = arith.andi %ne3A_1954, %ne3A_1949 : i1
      %add3A_1956 = arith.addi %rem3A_1947, %select_n3A_1946 : i32
      %select_n3A_1957 = arith.select %and3A_1955, %add3A_1956, %rem3A_1947 : i32
      %get3A_1958 = arith.index_cast %select_n3A_1957 : i32 to index
      %get3A_1959 = arith.constant 0 : index
      %get3A_1960 = tpu.vector_load %arg15[%get3A_1958, %get3A_1959] {strides = array<i32>} : memref<8x32xf32, #tpu.memory_space<vmem>>, vector<16xf32>,
      %get3A_1961 = arith.index_cast %select_n3A_1957 : i32 to index
      %get3A_1962 = arith.constant 16 : index
      %get3A_1963 = tpu.vector_load %arg15[%get3A_1961, %get3A_1962] {strides = array<i32>} : memref<8x32xf32, #tpu.memory_space<vmem>>, vector<16xf32>,
      %mul3A_1964 = arith.constant 4 : i32
      %mul3A_1965 = arith.muli %scan3A_1087, %mul3A_1964 : i32
      %add3A_1966 = arith.constant 2 : i32
      %add3A_1967 = arith.addi %mul3A_1965, %add3A_1966 : i32
      %swap3A_1968 = arith.index_cast %add3A_1967 : i32 to index
      %swap3A_1969 = arith.constant 0 : index
      %swap3A_1970 = tpu.vector_load %arg6[%swap3A_1968, %swap3A_1969] {strides = array<i32>} : memref<128x128xf32, #tpu.memory_space<vmem>>, vector<16xf32>,
      tpu.vector_store %arg6[%swap3A_1968, %swap3A_1969], %get3A_1960 {strides = array<i32>} : memref<128x128xf32, #tpu.memory_space<vmem>>, vector<16xf32>,
      %swap3A_1971 = arith.index_cast %add3A_1967 : i32 to index
      %swap3A_1972 = arith.constant 16 : index
      %swap3A_1973 = tpu.vector_load %arg6[%swap3A_1971, %swap3A_1972] {strides = array<i32>} : memref<128x128xf32, #tpu.memory_space<vmem>>, vector<16xf32>,
      tpu.vector_store %arg6[%swap3A_1971, %swap3A_1972], %get3A_1963 {strides = array<i32>} : memref<128x128xf32, #tpu.memory_space<vmem>>, vector<16xf32>,
      %slice3A_1974 = vector.extract_strided_slice %get3A_1108 {offsets = [8], sizes = [1], strides = [1]} : vector<16xi32> to vector<1xi32>
      %squeeze3A_1975 = vector.extract %slice3A_1974[0] : i32 from vector<1xi32>
      %jit3A_1976 = arith.constant 8 : i32
      %div3A_1977 = arith.divsi %squeeze3A_1975, %jit3A_1976 : i32
      %sign3A_1978 = arith.constant 0 : i32
      %sign3A_1979 = arith.cmpi sgt, %squeeze3A_1975, %sign3A_1978 : i32
      %sign3A_1980 = arith.extui %sign3A_1979 : i1 to i32
      %sign3A_1981 = arith.constant 0 : i32
      %sign3A_1982 = arith.cmpi slt, %squeeze3A_1975, %sign3A_1981 : i32
      %sign3A_1983 = arith.extui %sign3A_1982 : i1 to i32
      %sign3A_1984 = arith.subi %sign3A_1980, %sign3A_1983 : i32
      %sign3A_1985 = arith.constant 0 : i32
      %sign3A_1986 = arith.cmpi sgt, %jit3A_1976, %sign3A_1985 : i32
      %sign3A_1987 = arith.extui %sign3A_1986 : i1 to i32
      %sign3A_1988 = arith.constant 0 : i32
      %sign3A_1989 = arith.cmpi slt, %jit3A_1976, %sign3A_1988 : i32
      %sign3A_1990 = arith.extui %sign3A_1989 : i1 to i32
      %sign3A_1991 = arith.subi %sign3A_1987, %sign3A_1990 : i32
      %ne3A_1992 = arith.cmpi ne, %sign3A_1984, %sign3A_1991 : i32
      %rem3A_1993 = arith.remsi %squeeze3A_1975, %jit3A_1976 : i32
      %ne3A_1994 = arith.constant 0 : i32
      %ne3A_1995 = arith.cmpi ne, %rem3A_1993, %ne3A_1994 : i32
      %and3A_1996 = arith.andi %ne3A_1992, %ne3A_1995 : i1
      %sub3A_1997 = arith.constant 1 : i32
      %sub3A_1998 = arith.subi %div3A_1977, %sub3A_1997 : i32
      %select_n3A_1999 = arith.select %and3A_1996, %sub3A_1998, %div3A_1977 : i32
      %dma_start3A_2000 = arith.constant 0 : i32
      %dma_start3A_2001 = arith.constant 0 : i32
      %dma_start3A_2002 = tpu.memref_slice %arg3[%select_n3A_1999, %dma_start3A_2000, %dma_start3A_2001] : memref<125000x8x32xf32, #tpu.memory_space<hbm>> -> memref<1x8x32xf32, #tpu.memory_space<hbm>>
      %dma_start3A_2003 = tpu.memref_squeeze %dma_start3A_2002 : memref<1x8x32xf32, #tpu.memory_space<hbm>> -> memref<8x32xf32, #tpu.memory_space<hbm>>
      %dma_start3A_2004 = arith.constant 0 : i32
      %dma_start3A_2005 = arith.constant 0 : i32
      %dma_start3A_2006 = tpu.memref_slice %arg3[%select_n3A_1999, %dma_start3A_2004, %dma_start3A_2005] : memref<125000x8x32xf32, #tpu.memory_space<hbm>> -> memref<1x8x32xf32, #tpu.memory_space<hbm>>
      %dma_start3A_2007 = tpu.memref_squeeze %dma_start3A_2006 : memref<1x8x32xf32, #tpu.memory_space<hbm>> -> memref<8x32xf32, #tpu.memory_space<hbm>>
      tpu.enqueue_dma source(%dma_start3A_2007 : memref<8x32xf32, #tpu.memory_space<hbm>>) target(%arg15 : memref<8x32xf32, #tpu.memory_space<vmem>>) target_semaphore(%arg31 : memref<!tpu.dma_semaphore, #tpu.memory_space<semaphore_mem>>)
      %slice3A_2008 = vector.extract_strided_slice %scan3A_1088 {offsets = [9], sizes = [1], strides = [1]} : vector<16xi32> to vector<1xi32>
      %squeeze3A_2009 = vector.extract %slice3A_2008[0] : i32 from vector<1xi32>
      %jit3A_2010 = arith.constant 8 : i32
      %div3A_2011 = arith.divsi %squeeze3A_2009, %jit3A_2010 : i32
      %sign3A_2012 = arith.constant 0 : i32
      %sign3A_2013 = arith.cmpi sgt, %squeeze3A_2009, %sign3A_2012 : i32
      %sign3A_2014 = arith.extui %sign3A_2013 : i1 to i32
      %sign3A_2015 = arith.constant 0 : i32
      %sign3A_2016 = arith.cmpi slt, %squeeze3A_2009, %sign3A_2015 : i32
      %sign3A_2017 = arith.extui %sign3A_2016 : i1 to i32
      %sign3A_2018 = arith.subi %sign3A_2014, %sign3A_2017 : i32
      %sign3A_2019 = arith.constant 0 : i32
      %sign3A_2020 = arith.cmpi sgt, %jit3A_2010, %sign3A_2019 : i32
      %sign3A_2021 = arith.extui %sign3A_2020 : i1 to i32
      %sign3A_2022 = arith.constant 0 : i32
      %sign3A_2023 = arith.cmpi slt, %jit3A_2010, %sign3A_2022 : i32
      %sign3A_2024 = arith.extui %sign3A_2023 : i1 to i32
      %sign3A_2025 = arith.subi %sign3A_2021, %sign3A_2024 : i32
      %ne3A_2026 = arith.cmpi ne, %sign3A_2018, %sign3A_2025 : i32
      %rem3A_2027 = arith.remsi %squeeze3A_2009, %jit3A_2010 : i32
      %ne3A_2028 = arith.constant 0 : i32
      %ne3A_2029 = arith.cmpi ne, %rem3A_2027, %ne3A_2028 : i32
      %and3A_2030 = arith.andi %ne3A_2026, %ne3A_2029 : i1
      %sub3A_2031 = arith.constant 1 : i32
      %sub3A_2032 = arith.subi %div3A_2011, %sub3A_2031 : i32
      %select_n3A_2033 = arith.select %and3A_2030, %sub3A_2032, %div3A_2011 : i32
      %dma_wait3A_2034 = arith.constant 0 : i32
      %dma_wait3A_2035 = arith.constant 0 : i32
      %dma_wait3A_2036 = tpu.memref_slice %arg3[%select_n3A_2033, %dma_wait3A_2034, %dma_wait3A_2035] : memref<125000x8x32xf32, #tpu.memory_space<hbm>> -> memref<1x8x32xf32, #tpu.memory_space<hbm>>
      %dma_wait3A_2037 = tpu.memref_squeeze %dma_wait3A_2036 : memref<1x8x32xf32, #tpu.memory_space<hbm>> -> memref<8x32xf32, #tpu.memory_space<hbm>>
      %dma_wait3A_2038 = arith.constant 0 : i32
      %dma_wait3A_2039 = arith.constant 0 : i32
      %dma_wait3A_2040 = tpu.memref_slice %arg3[%select_n3A_2033, %dma_wait3A_2038, %dma_wait3A_2039] : memref<125000x8x32xf32, #tpu.memory_space<hbm>> -> memref<1x8x32xf32, #tpu.memory_space<hbm>>
      %dma_wait3A_2041 = tpu.memref_squeeze %dma_wait3A_2040 : memref<1x8x32xf32, #tpu.memory_space<hbm>> -> memref<8x32xf32, #tpu.memory_space<hbm>>
      tpu.wait_dma2 semaphore(%arg32 : memref<!tpu.dma_semaphore, #tpu.memory_space<semaphore_mem>>) src(%dma_wait3A_2041 : memref<8x32xf32, #tpu.memory_space<hbm>>) dst(%arg16 : memref<8x32xf32, #tpu.memory_space<vmem>>)
      %jit3A_2042 = arith.constant 8 : i32
      %eq3A_2043 = arith.constant 0 : i32
      %eq3A_2044 = arith.cmpi eq, %jit3A_2042, %eq3A_2043 : i32
      %jit3A_2045 = arith.constant 1 : i32
      %select_n3A_2046 = arith.select %eq3A_2044, %jit3A_2045, %jit3A_2042 : i32
      %rem3A_2047 = arith.remsi %squeeze3A_2009, %select_n3A_2046 : i32
      %ne3A_2048 = arith.constant 0 : i32
      %ne3A_2049 = arith.cmpi ne, %rem3A_2047, %ne3A_2048 : i32
      %lt3A_2050 = arith.constant 0 : i32
      %lt3A_2051 = arith.cmpi slt, %rem3A_2047, %lt3A_2050 : i32
      %lt3A_2052 = arith.constant 0 : i32
      %lt3A_2053 = arith.cmpi slt, %select_n3A_2046, %lt3A_2052 : i32
      %ne3A_2054 = arith.xori %lt3A_2051, %lt3A_2053 : i1
      %and3A_2055 = arith.andi %ne3A_2054, %ne3A_2049 : i1
      %add3A_2056 = arith.addi %rem3A_2047, %select_n3A_2046 : i32
      %select_n3A_2057 = arith.select %and3A_2055, %add3A_2056, %rem3A_2047 : i32
      %get3A_2058 = arith.index_cast %select_n3A_2057 : i32 to index
      %get3A_2059 = arith.constant 0 : index
      %get3A_2060 = tpu.vector_load %arg16[%get3A_2058, %get3A_2059] {strides = array<i32>} : memref<8x32xf32, #tpu.memory_space<vmem>>, vector<16xf32>,
      %get3A_2061 = arith.index_cast %select_n3A_2057 : i32 to index
      %get3A_2062 = arith.constant 16 : index
      %get3A_2063 = tpu.vector_load %arg16[%get3A_2061, %get3A_2062] {strides = array<i32>} : memref<8x32xf32, #tpu.memory_space<vmem>>, vector<16xf32>,
      %mul3A_2064 = arith.constant 4 : i32
      %mul3A_2065 = arith.muli %scan3A_1087, %mul3A_2064 : i32
      %add3A_2066 = arith.constant 2 : i32
      %add3A_2067 = arith.addi %mul3A_2065, %add3A_2066 : i32
      %swap3A_2068 = arith.index_cast %add3A_2067 : i32 to index
      %swap3A_2069 = arith.constant 32 : index
      %swap3A_2070 = tpu.vector_load %arg6[%swap3A_2068, %swap3A_2069] {strides = array<i32>} : memref<128x128xf32, #tpu.memory_space<vmem>>, vector<16xf32>,
      tpu.vector_store %arg6[%swap3A_2068, %swap3A_2069], %get3A_2060 {strides = array<i32>} : memref<128x128xf32, #tpu.memory_space<vmem>>, vector<16xf32>,
      %swap3A_2071 = arith.index_cast %add3A_2067 : i32 to index
      %swap3A_2072 = arith.constant 48 : index
      %swap3A_2073 = tpu.vector_load %arg6[%swap3A_2071, %swap3A_2072] {strides = array<i32>} : memref<128x128xf32, #tpu.memory_space<vmem>>, vector<16xf32>,
      tpu.vector_store %arg6[%swap3A_2071, %swap3A_2072], %get3A_2063 {strides = array<i32>} : memref<128x128xf32, #tpu.memory_space<vmem>>, vector<16xf32>,
      %slice3A_2074 = vector.extract_strided_slice %get3A_1108 {offsets = [9], sizes = [1], strides = [1]} : vector<16xi32> to vector<1xi32>
      %squeeze3A_2075 = vector.extract %slice3A_2074[0] : i32 from vector<1xi32>
      %jit3A_2076 = arith.constant 8 : i32
      %div3A_2077 = arith.divsi %squeeze3A_2075, %jit3A_2076 : i32
      %sign3A_2078 = arith.constant 0 : i32
      %sign3A_2079 = arith.cmpi sgt, %squeeze3A_2075, %sign3A_2078 : i32
      %sign3A_2080 = arith.extui %sign3A_2079 : i1 to i32
      %sign3A_2081 = arith.constant 0 : i32
      %sign3A_2082 = arith.cmpi slt, %squeeze3A_2075, %sign3A_2081 : i32
      %sign3A_2083 = arith.extui %sign3A_2082 : i1 to i32
      %sign3A_2084 = arith.subi %sign3A_2080, %sign3A_2083 : i32
      %sign3A_2085 = arith.constant 0 : i32
      %sign3A_2086 = arith.cmpi sgt, %jit3A_2076, %sign3A_2085 : i32
      %sign3A_2087 = arith.extui %sign3A_2086 : i1 to i32
      %sign3A_2088 = arith.constant 0 : i32
      %sign3A_2089 = arith.cmpi slt, %jit3A_2076, %sign3A_2088 : i32
      %sign3A_2090 = arith.extui %sign3A_2089 : i1 to i32
      %sign3A_2091 = arith.subi %sign3A_2087, %sign3A_2090 : i32
      %ne3A_2092 = arith.cmpi ne, %sign3A_2084, %sign3A_2091 : i32
      %rem3A_2093 = arith.remsi %squeeze3A_2075, %jit3A_2076 : i32
      %ne3A_2094 = arith.constant 0 : i32
      %ne3A_2095 = arith.cmpi ne, %rem3A_2093, %ne3A_2094 : i32
      %and3A_2096 = arith.andi %ne3A_2092, %ne3A_2095 : i1
      %sub3A_2097 = arith.constant 1 : i32
      %sub3A_2098 = arith.subi %div3A_2077, %sub3A_2097 : i32
      %select_n3A_2099 = arith.select %and3A_2096, %sub3A_2098, %div3A_2077 : i32
      %dma_start3A_2100 = arith.constant 0 : i32
      %dma_start3A_2101 = arith.constant 0 : i32
      %dma_start3A_2102 = tpu.memref_slice %arg3[%select_n3A_2099, %dma_start3A_2100, %dma_start3A_2101] : memref<125000x8x32xf32, #tpu.memory_space<hbm>> -> memref<1x8x32xf32, #tpu.memory_space<hbm>>
      %dma_start3A_2103 = tpu.memref_squeeze %dma_start3A_2102 : memref<1x8x32xf32, #tpu.memory_space<hbm>> -> memref<8x32xf32, #tpu.memory_space<hbm>>
      %dma_start3A_2104 = arith.constant 0 : i32
      %dma_start3A_2105 = arith.constant 0 : i32
      %dma_start3A_2106 = tpu.memref_slice %arg3[%select_n3A_2099, %dma_start3A_2104, %dma_start3A_2105] : memref<125000x8x32xf32, #tpu.memory_space<hbm>> -> memref<1x8x32xf32, #tpu.memory_space<hbm>>
      %dma_start3A_2107 = tpu.memref_squeeze %dma_start3A_2106 : memref<1x8x32xf32, #tpu.memory_space<hbm>> -> memref<8x32xf32, #tpu.memory_space<hbm>>
      tpu.enqueue_dma source(%dma_start3A_2107 : memref<8x32xf32, #tpu.memory_space<hbm>>) target(%arg16 : memref<8x32xf32, #tpu.memory_space<vmem>>) target_semaphore(%arg32 : memref<!tpu.dma_semaphore, #tpu.memory_space<semaphore_mem>>)
      %slice3A_2108 = vector.extract_strided_slice %scan3A_1088 {offsets = [10], sizes = [1], strides = [1]} : vector<16xi32> to vector<1xi32>
      %squeeze3A_2109 = vector.extract %slice3A_2108[0] : i32 from vector<1xi32>
      %jit3A_2110 = arith.constant 8 : i32
      %div3A_2111 = arith.divsi %squeeze3A_2109, %jit3A_2110 : i32
      %sign3A_2112 = arith.constant 0 : i32
      %sign3A_2113 = arith.cmpi sgt, %squeeze3A_2109, %sign3A_2112 : i32
      %sign3A_2114 = arith.extui %sign3A_2113 : i1 to i32
      %sign3A_2115 = arith.constant 0 : i32
      %sign3A_2116 = arith.cmpi slt, %squeeze3A_2109, %sign3A_2115 : i32
      %sign3A_2117 = arith.extui %sign3A_2116 : i1 to i32
      %sign3A_2118 = arith.subi %sign3A_2114, %sign3A_2117 : i32
      %sign3A_2119 = arith.constant 0 : i32
      %sign3A_2120 = arith.cmpi sgt, %jit3A_2110, %sign3A_2119 : i32
      %sign3A_2121 = arith.extui %sign3A_2120 : i1 to i32
      %sign3A_2122 = arith.constant 0 : i32
      %sign3A_2123 = arith.cmpi slt, %jit3A_2110, %sign3A_2122 : i32
      %sign3A_2124 = arith.extui %sign3A_2123 : i1 to i32
      %sign3A_2125 = arith.subi %sign3A_2121, %sign3A_2124 : i32
      %ne3A_2126 = arith.cmpi ne, %sign3A_2118, %sign3A_2125 : i32
      %rem3A_2127 = arith.remsi %squeeze3A_2109, %jit3A_2110 : i32
      %ne3A_2128 = arith.constant 0 : i32
      %ne3A_2129 = arith.cmpi ne, %rem3A_2127, %ne3A_2128 : i32
      %and3A_2130 = arith.andi %ne3A_2126, %ne3A_2129 : i1
      %sub3A_2131 = arith.constant 1 : i32
      %sub3A_2132 = arith.subi %div3A_2111, %sub3A_2131 : i32
      %select_n3A_2133 = arith.select %and3A_2130, %sub3A_2132, %div3A_2111 : i32
      %dma_wait3A_2134 = arith.constant 0 : i32
      %dma_wait3A_2135 = arith.constant 0 : i32
      %dma_wait3A_2136 = tpu.memref_slice %arg3[%select_n3A_2133, %dma_wait3A_2134, %dma_wait3A_2135] : memref<125000x8x32xf32, #tpu.memory_space<hbm>> -> memref<1x8x32xf32, #tpu.memory_space<hbm>>
      %dma_wait3A_2137 = tpu.memref_squeeze %dma_wait3A_2136 : memref<1x8x32xf32, #tpu.memory_space<hbm>> -> memref<8x32xf32, #tpu.memory_space<hbm>>
      %dma_wait3A_2138 = arith.constant 0 : i32
      %dma_wait3A_2139 = arith.constant 0 : i32
      %dma_wait3A_2140 = tpu.memref_slice %arg3[%select_n3A_2133, %dma_wait3A_2138, %dma_wait3A_2139] : memref<125000x8x32xf32, #tpu.memory_space<hbm>> -> memref<1x8x32xf32, #tpu.memory_space<hbm>>
      %dma_wait3A_2141 = tpu.memref_squeeze %dma_wait3A_2140 : memref<1x8x32xf32, #tpu.memory_space<hbm>> -> memref<8x32xf32, #tpu.memory_space<hbm>>
      tpu.wait_dma2 semaphore(%arg33 : memref<!tpu.dma_semaphore, #tpu.memory_space<semaphore_mem>>) src(%dma_wait3A_2141 : memref<8x32xf32, #tpu.memory_space<hbm>>) dst(%arg17 : memref<8x32xf32, #tpu.memory_space<vmem>>)
      %jit3A_2142 = arith.constant 8 : i32
      %eq3A_2143 = arith.constant 0 : i32
      %eq3A_2144 = arith.cmpi eq, %jit3A_2142, %eq3A_2143 : i32
      %jit3A_2145 = arith.constant 1 : i32
      %select_n3A_2146 = arith.select %eq3A_2144, %jit3A_2145, %jit3A_2142 : i32
      %rem3A_2147 = arith.remsi %squeeze3A_2109, %select_n3A_2146 : i32
      %ne3A_2148 = arith.constant 0 : i32
      %ne3A_2149 = arith.cmpi ne, %rem3A_2147, %ne3A_2148 : i32
      %lt3A_2150 = arith.constant 0 : i32
      %lt3A_2151 = arith.cmpi slt, %rem3A_2147, %lt3A_2150 : i32
      %lt3A_2152 = arith.constant 0 : i32
      %lt3A_2153 = arith.cmpi slt, %select_n3A_2146, %lt3A_2152 : i32
      %ne3A_2154 = arith.xori %lt3A_2151, %lt3A_2153 : i1
      %and3A_2155 = arith.andi %ne3A_2154, %ne3A_2149 : i1
      %add3A_2156 = arith.addi %rem3A_2147, %select_n3A_2146 : i32
      %select_n3A_2157 = arith.select %and3A_2155, %add3A_2156, %rem3A_2147 : i32
      %get3A_2158 = arith.index_cast %select_n3A_2157 : i32 to index
      %get3A_2159 = arith.constant 0 : index
      %get3A_2160 = tpu.vector_load %arg17[%get3A_2158, %get3A_2159] {strides = array<i32>} : memref<8x32xf32, #tpu.memory_space<vmem>>, vector<16xf32>,
      %get3A_2161 = arith.index_cast %select_n3A_2157 : i32 to index
      %get3A_2162 = arith.constant 16 : index
      %get3A_2163 = tpu.vector_load %arg17[%get3A_2161, %get3A_2162] {strides = array<i32>} : memref<8x32xf32, #tpu.memory_space<vmem>>, vector<16xf32>,
      %mul3A_2164 = arith.constant 4 : i32
      %mul3A_2165 = arith.muli %scan3A_1087, %mul3A_2164 : i32
      %add3A_2166 = arith.constant 2 : i32
      %add3A_2167 = arith.addi %mul3A_2165, %add3A_2166 : i32
      %swap3A_2168 = arith.index_cast %add3A_2167 : i32 to index
      %swap3A_2169 = arith.constant 64 : index
      %swap3A_2170 = tpu.vector_load %arg6[%swap3A_2168, %swap3A_2169] {strides = array<i32>} : memref<128x128xf32, #tpu.memory_space<vmem>>, vector<16xf32>,
      tpu.vector_store %arg6[%swap3A_2168, %swap3A_2169], %get3A_2160 {strides = array<i32>} : memref<128x128xf32, #tpu.memory_space<vmem>>, vector<16xf32>,
      %swap3A_2171 = arith.index_cast %add3A_2167 : i32 to index
      %swap3A_2172 = arith.constant 80 : index
      %swap3A_2173 = tpu.vector_load %arg6[%swap3A_2171, %swap3A_2172] {strides = array<i32>} : memref<128x128xf32, #tpu.memory_space<vmem>>, vector<16xf32>,
      tpu.vector_store %arg6[%swap3A_2171, %swap3A_2172], %get3A_2163 {strides = array<i32>} : memref<128x128xf32, #tpu.memory_space<vmem>>, vector<16xf32>,
      %slice3A_2174 = vector.extract_strided_slice %get3A_1108 {offsets = [10], sizes = [1], strides = [1]} : vector<16xi32> to vector<1xi32>
      %squeeze3A_2175 = vector.extract %slice3A_2174[0] : i32 from vector<1xi32>
      %jit3A_2176 = arith.constant 8 : i32
      %div3A_2177 = arith.divsi %squeeze3A_2175, %jit3A_2176 : i32
      %sign3A_2178 = arith.constant 0 : i32
      %sign3A_2179 = arith.cmpi sgt, %squeeze3A_2175, %sign3A_2178 : i32
      %sign3A_2180 = arith.extui %sign3A_2179 : i1 to i32
      %sign3A_2181 = arith.constant 0 : i32
      %sign3A_2182 = arith.cmpi slt, %squeeze3A_2175, %sign3A_2181 : i32
      %sign3A_2183 = arith.extui %sign3A_2182 : i1 to i32
      %sign3A_2184 = arith.subi %sign3A_2180, %sign3A_2183 : i32
      %sign3A_2185 = arith.constant 0 : i32
      %sign3A_2186 = arith.cmpi sgt, %jit3A_2176, %sign3A_2185 : i32
      %sign3A_2187 = arith.extui %sign3A_2186 : i1 to i32
      %sign3A_2188 = arith.constant 0 : i32
      %sign3A_2189 = arith.cmpi slt, %jit3A_2176, %sign3A_2188 : i32
      %sign3A_2190 = arith.extui %sign3A_2189 : i1 to i32
      %sign3A_2191 = arith.subi %sign3A_2187, %sign3A_2190 : i32
      %ne3A_2192 = arith.cmpi ne, %sign3A_2184, %sign3A_2191 : i32
      %rem3A_2193 = arith.remsi %squeeze3A_2175, %jit3A_2176 : i32
      %ne3A_2194 = arith.constant 0 : i32
      %ne3A_2195 = arith.cmpi ne, %rem3A_2193, %ne3A_2194 : i32
      %and3A_2196 = arith.andi %ne3A_2192, %ne3A_2195 : i1
      %sub3A_2197 = arith.constant 1 : i32
      %sub3A_2198 = arith.subi %div3A_2177, %sub3A_2197 : i32
      %select_n3A_2199 = arith.select %and3A_2196, %sub3A_2198, %div3A_2177 : i32
      %dma_start3A_2200 = arith.constant 0 : i32
      %dma_start3A_2201 = arith.constant 0 : i32
      %dma_start3A_2202 = tpu.memref_slice %arg3[%select_n3A_2199, %dma_start3A_2200, %dma_start3A_2201] : memref<125000x8x32xf32, #tpu.memory_space<hbm>> -> memref<1x8x32xf32, #tpu.memory_space<hbm>>
      %dma_start3A_2203 = tpu.memref_squeeze %dma_start3A_2202 : memref<1x8x32xf32, #tpu.memory_space<hbm>> -> memref<8x32xf32, #tpu.memory_space<hbm>>
      %dma_start3A_2204 = arith.constant 0 : i32
      %dma_start3A_2205 = arith.constant 0 : i32
      %dma_start3A_2206 = tpu.memref_slice %arg3[%select_n3A_2199, %dma_start3A_2204, %dma_start3A_2205] : memref<125000x8x32xf32, #tpu.memory_space<hbm>> -> memref<1x8x32xf32, #tpu.memory_space<hbm>>
      %dma_start3A_2207 = tpu.memref_squeeze %dma_start3A_2206 : memref<1x8x32xf32, #tpu.memory_space<hbm>> -> memref<8x32xf32, #tpu.memory_space<hbm>>
      tpu.enqueue_dma source(%dma_start3A_2207 : memref<8x32xf32, #tpu.memory_space<hbm>>) target(%arg17 : memref<8x32xf32, #tpu.memory_space<vmem>>) target_semaphore(%arg33 : memref<!tpu.dma_semaphore, #tpu.memory_space<semaphore_mem>>)
      %slice3A_2208 = vector.extract_strided_slice %scan3A_1088 {offsets = [11], sizes = [1], strides = [1]} : vector<16xi32> to vector<1xi32>
      %squeeze3A_2209 = vector.extract %slice3A_2208[0] : i32 from vector<1xi32>
      %jit3A_2210 = arith.constant 8 : i32
      %div3A_2211 = arith.divsi %squeeze3A_2209, %jit3A_2210 : i32
      %sign3A_2212 = arith.constant 0 : i32
      %sign3A_2213 = arith.cmpi sgt, %squeeze3A_2209, %sign3A_2212 : i32
      %sign3A_2214 = arith.extui %sign3A_2213 : i1 to i32
      %sign3A_2215 = arith.constant 0 : i32
      %sign3A_2216 = arith.cmpi slt, %squeeze3A_2209, %sign3A_2215 : i32
      %sign3A_2217 = arith.extui %sign3A_2216 : i1 to i32
      %sign3A_2218 = arith.subi %sign3A_2214, %sign3A_2217 : i32
      %sign3A_2219 = arith.constant 0 : i32
      %sign3A_2220 = arith.cmpi sgt, %jit3A_2210, %sign3A_2219 : i32
      %sign3A_2221 = arith.extui %sign3A_2220 : i1 to i32
      %sign3A_2222 = arith.constant 0 : i32
      %sign3A_2223 = arith.cmpi slt, %jit3A_2210, %sign3A_2222 : i32
      %sign3A_2224 = arith.extui %sign3A_2223 : i1 to i32
      %sign3A_2225 = arith.subi %sign3A_2221, %sign3A_2224 : i32
      %ne3A_2226 = arith.cmpi ne, %sign3A_2218, %sign3A_2225 : i32
      %rem3A_2227 = arith.remsi %squeeze3A_2209, %jit3A_2210 : i32
      %ne3A_2228 = arith.constant 0 : i32
      %ne3A_2229 = arith.cmpi ne, %rem3A_2227, %ne3A_2228 : i32
      %and3A_2230 = arith.andi %ne3A_2226, %ne3A_2229 : i1
      %sub3A_2231 = arith.constant 1 : i32
      %sub3A_2232 = arith.subi %div3A_2211, %sub3A_2231 : i32
      %select_n3A_2233 = arith.select %and3A_2230, %sub3A_2232, %div3A_2211 : i32
      %dma_wait3A_2234 = arith.constant 0 : i32
      %dma_wait3A_2235 = arith.constant 0 : i32
      %dma_wait3A_2236 = tpu.memref_slice %arg3[%select_n3A_2233, %dma_wait3A_2234, %dma_wait3A_2235] : memref<125000x8x32xf32, #tpu.memory_space<hbm>> -> memref<1x8x32xf32, #tpu.memory_space<hbm>>
      %dma_wait3A_2237 = tpu.memref_squeeze %dma_wait3A_2236 : memref<1x8x32xf32, #tpu.memory_space<hbm>> -> memref<8x32xf32, #tpu.memory_space<hbm>>
      %dma_wait3A_2238 = arith.constant 0 : i32
      %dma_wait3A_2239 = arith.constant 0 : i32
      %dma_wait3A_2240 = tpu.memref_slice %arg3[%select_n3A_2233, %dma_wait3A_2238, %dma_wait3A_2239] : memref<125000x8x32xf32, #tpu.memory_space<hbm>> -> memref<1x8x32xf32, #tpu.memory_space<hbm>>
      %dma_wait3A_2241 = tpu.memref_squeeze %dma_wait3A_2240 : memref<1x8x32xf32, #tpu.memory_space<hbm>> -> memref<8x32xf32, #tpu.memory_space<hbm>>
      tpu.wait_dma2 semaphore(%arg34 : memref<!tpu.dma_semaphore, #tpu.memory_space<semaphore_mem>>) src(%dma_wait3A_2241 : memref<8x32xf32, #tpu.memory_space<hbm>>) dst(%arg18 : memref<8x32xf32, #tpu.memory_space<vmem>>)
      %jit3A_2242 = arith.constant 8 : i32
      %eq3A_2243 = arith.constant 0 : i32
      %eq3A_2244 = arith.cmpi eq, %jit3A_2242, %eq3A_2243 : i32
      %jit3A_2245 = arith.constant 1 : i32
      %select_n3A_2246 = arith.select %eq3A_2244, %jit3A_2245, %jit3A_2242 : i32
      %rem3A_2247 = arith.remsi %squeeze3A_2209, %select_n3A_2246 : i32
      %ne3A_2248 = arith.constant 0 : i32
      %ne3A_2249 = arith.cmpi ne, %rem3A_2247, %ne3A_2248 : i32
      %lt3A_2250 = arith.constant 0 : i32
      %lt3A_2251 = arith.cmpi slt, %rem3A_2247, %lt3A_2250 : i32
      %lt3A_2252 = arith.constant 0 : i32
      %lt3A_2253 = arith.cmpi slt, %select_n3A_2246, %lt3A_2252 : i32
      %ne3A_2254 = arith.xori %lt3A_2251, %lt3A_2253 : i1
      %and3A_2255 = arith.andi %ne3A_2254, %ne3A_2249 : i1
      %add3A_2256 = arith.addi %rem3A_2247, %select_n3A_2246 : i32
      %select_n3A_2257 = arith.select %and3A_2255, %add3A_2256, %rem3A_2247 : i32
      %get3A_2258 = arith.index_cast %select_n3A_2257 : i32 to index
      %get3A_2259 = arith.constant 0 : index
      %get3A_2260 = tpu.vector_load %arg18[%get3A_2258, %get3A_2259] {strides = array<i32>} : memref<8x32xf32, #tpu.memory_space<vmem>>, vector<16xf32>,
      %get3A_2261 = arith.index_cast %select_n3A_2257 : i32 to index
      %get3A_2262 = arith.constant 16 : index
      %get3A_2263 = tpu.vector_load %arg18[%get3A_2261, %get3A_2262] {strides = array<i32>} : memref<8x32xf32, #tpu.memory_space<vmem>>, vector<16xf32>,
      %mul3A_2264 = arith.constant 4 : i32
      %mul3A_2265 = arith.muli %scan3A_1087, %mul3A_2264 : i32
      %add3A_2266 = arith.constant 2 : i32
      %add3A_2267 = arith.addi %mul3A_2265, %add3A_2266 : i32
      %swap3A_2268 = arith.index_cast %add3A_2267 : i32 to index
      %swap3A_2269 = arith.constant 96 : index
      %swap3A_2270 = tpu.vector_load %arg6[%swap3A_2268, %swap3A_2269] {strides = array<i32>} : memref<128x128xf32, #tpu.memory_space<vmem>>, vector<16xf32>,
      tpu.vector_store %arg6[%swap3A_2268, %swap3A_2269], %get3A_2260 {strides = array<i32>} : memref<128x128xf32, #tpu.memory_space<vmem>>, vector<16xf32>,
      %swap3A_2271 = arith.index_cast %add3A_2267 : i32 to index
      %swap3A_2272 = arith.constant 112 : index
      %swap3A_2273 = tpu.vector_load %arg6[%swap3A_2271, %swap3A_2272] {strides = array<i32>} : memref<128x128xf32, #tpu.memory_space<vmem>>, vector<16xf32>,
      tpu.vector_store %arg6[%swap3A_2271, %swap3A_2272], %get3A_2263 {strides = array<i32>} : memref<128x128xf32, #tpu.memory_space<vmem>>, vector<16xf32>,
      %slice3A_2274 = vector.extract_strided_slice %get3A_1108 {offsets = [11], sizes = [1], strides = [1]} : vector<16xi32> to vector<1xi32>
      %squeeze3A_2275 = vector.extract %slice3A_2274[0] : i32 from vector<1xi32>
      %jit3A_2276 = arith.constant 8 : i32
      %div3A_2277 = arith.divsi %squeeze3A_2275, %jit3A_2276 : i32
      %sign3A_2278 = arith.constant 0 : i32
      %sign3A_2279 = arith.cmpi sgt, %squeeze3A_2275, %sign3A_2278 : i32
      %sign3A_2280 = arith.extui %sign3A_2279 : i1 to i32
      %sign3A_2281 = arith.constant 0 : i32
      %sign3A_2282 = arith.cmpi slt, %squeeze3A_2275, %sign3A_2281 : i32
      %sign3A_2283 = arith.extui %sign3A_2282 : i1 to i32
      %sign3A_2284 = arith.subi %sign3A_2280, %sign3A_2283 : i32
      %sign3A_2285 = arith.constant 0 : i32
      %sign3A_2286 = arith.cmpi sgt, %jit3A_2276, %sign3A_2285 : i32
      %sign3A_2287 = arith.extui %sign3A_2286 : i1 to i32
      %sign3A_2288 = arith.constant 0 : i32
      %sign3A_2289 = arith.cmpi slt, %jit3A_2276, %sign3A_2288 : i32
      %sign3A_2290 = arith.extui %sign3A_2289 : i1 to i32
      %sign3A_2291 = arith.subi %sign3A_2287, %sign3A_2290 : i32
      %ne3A_2292 = arith.cmpi ne, %sign3A_2284, %sign3A_2291 : i32
      %rem3A_2293 = arith.remsi %squeeze3A_2275, %jit3A_2276 : i32
      %ne3A_2294 = arith.constant 0 : i32
      %ne3A_2295 = arith.cmpi ne, %rem3A_2293, %ne3A_2294 : i32
      %and3A_2296 = arith.andi %ne3A_2292, %ne3A_2295 : i1
      %sub3A_2297 = arith.constant 1 : i32
      %sub3A_2298 = arith.subi %div3A_2277, %sub3A_2297 : i32
      %select_n3A_2299 = arith.select %and3A_2296, %sub3A_2298, %div3A_2277 : i32
      %dma_start3A_2300 = arith.constant 0 : i32
      %dma_start3A_2301 = arith.constant 0 : i32
      %dma_start3A_2302 = tpu.memref_slice %arg3[%select_n3A_2299, %dma_start3A_2300, %dma_start3A_2301] : memref<125000x8x32xf32, #tpu.memory_space<hbm>> -> memref<1x8x32xf32, #tpu.memory_space<hbm>>
      %dma_start3A_2303 = tpu.memref_squeeze %dma_start3A_2302 : memref<1x8x32xf32, #tpu.memory_space<hbm>> -> memref<8x32xf32, #tpu.memory_space<hbm>>
      %dma_start3A_2304 = arith.constant 0 : i32
      %dma_start3A_2305 = arith.constant 0 : i32
      %dma_start3A_2306 = tpu.memref_slice %arg3[%select_n3A_2299, %dma_start3A_2304, %dma_start3A_2305] : memref<125000x8x32xf32, #tpu.memory_space<hbm>> -> memref<1x8x32xf32, #tpu.memory_space<hbm>>
      %dma_start3A_2307 = tpu.memref_squeeze %dma_start3A_2306 : memref<1x8x32xf32, #tpu.memory_space<hbm>> -> memref<8x32xf32, #tpu.memory_space<hbm>>
      tpu.enqueue_dma source(%dma_start3A_2307 : memref<8x32xf32, #tpu.memory_space<hbm>>) target(%arg18 : memref<8x32xf32, #tpu.memory_space<vmem>>) target_semaphore(%arg34 : memref<!tpu.dma_semaphore, #tpu.memory_space<semaphore_mem>>)
      %slice3A_2308 = vector.extract_strided_slice %scan3A_1088 {offsets = [12], sizes = [1], strides = [1]} : vector<16xi32> to vector<1xi32>
      %squeeze3A_2309 = vector.extract %slice3A_2308[0] : i32 from vector<1xi32>
      %jit3A_2310 = arith.constant 8 : i32
      %div3A_2311 = arith.divsi %squeeze3A_2309, %jit3A_2310 : i32
      %sign3A_2312 = arith.constant 0 : i32
      %sign3A_2313 = arith.cmpi sgt, %squeeze3A_2309, %sign3A_2312 : i32
      %sign3A_2314 = arith.extui %sign3A_2313 : i1 to i32
      %sign3A_2315 = arith.constant 0 : i32
      %sign3A_2316 = arith.cmpi slt, %squeeze3A_2309, %sign3A_2315 : i32
      %sign3A_2317 = arith.extui %sign3A_2316 : i1 to i32
      %sign3A_2318 = arith.subi %sign3A_2314, %sign3A_2317 : i32
      %sign3A_2319 = arith.constant 0 : i32
      %sign3A_2320 = arith.cmpi sgt, %jit3A_2310, %sign3A_2319 : i32
      %sign3A_2321 = arith.extui %sign3A_2320 : i1 to i32
      %sign3A_2322 = arith.constant 0 : i32
      %sign3A_2323 = arith.cmpi slt, %jit3A_2310, %sign3A_2322 : i32
      %sign3A_2324 = arith.extui %sign3A_2323 : i1 to i32
      %sign3A_2325 = arith.subi %sign3A_2321, %sign3A_2324 : i32
      %ne3A_2326 = arith.cmpi ne, %sign3A_2318, %sign3A_2325 : i32
      %rem3A_2327 = arith.remsi %squeeze3A_2309, %jit3A_2310 : i32
      %ne3A_2328 = arith.constant 0 : i32
      %ne3A_2329 = arith.cmpi ne, %rem3A_2327, %ne3A_2328 : i32
      %and3A_2330 = arith.andi %ne3A_2326, %ne3A_2329 : i1
      %sub3A_2331 = arith.constant 1 : i32
      %sub3A_2332 = arith.subi %div3A_2311, %sub3A_2331 : i32
      %select_n3A_2333 = arith.select %and3A_2330, %sub3A_2332, %div3A_2311 : i32
      %dma_wait3A_2334 = arith.constant 0 : i32
      %dma_wait3A_2335 = arith.constant 0 : i32
      %dma_wait3A_2336 = tpu.memref_slice %arg3[%select_n3A_2333, %dma_wait3A_2334, %dma_wait3A_2335] : memref<125000x8x32xf32, #tpu.memory_space<hbm>> -> memref<1x8x32xf32, #tpu.memory_space<hbm>>
      %dma_wait3A_2337 = tpu.memref_squeeze %dma_wait3A_2336 : memref<1x8x32xf32, #tpu.memory_space<hbm>> -> memref<8x32xf32, #tpu.memory_space<hbm>>
      %dma_wait3A_2338 = arith.constant 0 : i32
      %dma_wait3A_2339 = arith.constant 0 : i32
      %dma_wait3A_2340 = tpu.memref_slice %arg3[%select_n3A_2333, %dma_wait3A_2338, %dma_wait3A_2339] : memref<125000x8x32xf32, #tpu.memory_space<hbm>> -> memref<1x8x32xf32, #tpu.memory_space<hbm>>
      %dma_wait3A_2341 = tpu.memref_squeeze %dma_wait3A_2340 : memref<1x8x32xf32, #tpu.memory_space<hbm>> -> memref<8x32xf32, #tpu.memory_space<hbm>>
      tpu.wait_dma2 semaphore(%arg35 : memref<!tpu.dma_semaphore, #tpu.memory_space<semaphore_mem>>) src(%dma_wait3A_2341 : memref<8x32xf32, #tpu.memory_space<hbm>>) dst(%arg19 : memref<8x32xf32, #tpu.memory_space<vmem>>)
      %jit3A_2342 = arith.constant 8 : i32
      %eq3A_2343 = arith.constant 0 : i32
      %eq3A_2344 = arith.cmpi eq, %jit3A_2342, %eq3A_2343 : i32
      %jit3A_2345 = arith.constant 1 : i32
      %select_n3A_2346 = arith.select %eq3A_2344, %jit3A_2345, %jit3A_2342 : i32
      %rem3A_2347 = arith.remsi %squeeze3A_2309, %select_n3A_2346 : i32
      %ne3A_2348 = arith.constant 0 : i32
      %ne3A_2349 = arith.cmpi ne, %rem3A_2347, %ne3A_2348 : i32
      %lt3A_2350 = arith.constant 0 : i32
      %lt3A_2351 = arith.cmpi slt, %rem3A_2347, %lt3A_2350 : i32
      %lt3A_2352 = arith.constant 0 : i32
      %lt3A_2353 = arith.cmpi slt, %select_n3A_2346, %lt3A_2352 : i32
      %ne3A_2354 = arith.xori %lt3A_2351, %lt3A_2353 : i1
      %and3A_2355 = arith.andi %ne3A_2354, %ne3A_2349 : i1
      %add3A_2356 = arith.addi %rem3A_2347, %select_n3A_2346 : i32
      %select_n3A_2357 = arith.select %and3A_2355, %add3A_2356, %rem3A_2347 : i32
      %get3A_2358 = arith.index_cast %select_n3A_2357 : i32 to index
      %get3A_2359 = arith.constant 0 : index
      %get3A_2360 = tpu.vector_load %arg19[%get3A_2358, %get3A_2359] {strides = array<i32>} : memref<8x32xf32, #tpu.memory_space<vmem>>, vector<16xf32>,
      %get3A_2361 = arith.index_cast %select_n3A_2357 : i32 to index
      %get3A_2362 = arith.constant 16 : index
      %get3A_2363 = tpu.vector_load %arg19[%get3A_2361, %get3A_2362] {strides = array<i32>} : memref<8x32xf32, #tpu.memory_space<vmem>>, vector<16xf32>,
      %mul3A_2364 = arith.constant 4 : i32
      %mul3A_2365 = arith.muli %scan3A_1087, %mul3A_2364 : i32
      %add3A_2366 = arith.constant 3 : i32
      %add3A_2367 = arith.addi %mul3A_2365, %add3A_2366 : i32
      %swap3A_2368 = arith.index_cast %add3A_2367 : i32 to index
      %swap3A_2369 = arith.constant 0 : index
      %swap3A_2370 = tpu.vector_load %arg6[%swap3A_2368, %swap3A_2369] {strides = array<i32>} : memref<128x128xf32, #tpu.memory_space<vmem>>, vector<16xf32>,
      tpu.vector_store %arg6[%swap3A_2368, %swap3A_2369], %get3A_2360 {strides = array<i32>} : memref<128x128xf32, #tpu.memory_space<vmem>>, vector<16xf32>,
      %swap3A_2371 = arith.index_cast %add3A_2367 : i32 to index
      %swap3A_2372 = arith.constant 16 : index
      %swap3A_2373 = tpu.vector_load %arg6[%swap3A_2371, %swap3A_2372] {strides = array<i32>} : memref<128x128xf32, #tpu.memory_space<vmem>>, vector<16xf32>,
      tpu.vector_store %arg6[%swap3A_2371, %swap3A_2372], %get3A_2363 {strides = array<i32>} : memref<128x128xf32, #tpu.memory_space<vmem>>, vector<16xf32>,
      %slice3A_2374 = vector.extract_strided_slice %get3A_1108 {offsets = [12], sizes = [1], strides = [1]} : vector<16xi32> to vector<1xi32>
      %squeeze3A_2375 = vector.extract %slice3A_2374[0] : i32 from vector<1xi32>
      %jit3A_2376 = arith.constant 8 : i32
      %div3A_2377 = arith.divsi %squeeze3A_2375, %jit3A_2376 : i32
      %sign3A_2378 = arith.constant 0 : i32
      %sign3A_2379 = arith.cmpi sgt, %squeeze3A_2375, %sign3A_2378 : i32
      %sign3A_2380 = arith.extui %sign3A_2379 : i1 to i32
      %sign3A_2381 = arith.constant 0 : i32
      %sign3A_2382 = arith.cmpi slt, %squeeze3A_2375, %sign3A_2381 : i32
      %sign3A_2383 = arith.extui %sign3A_2382 : i1 to i32
      %sign3A_2384 = arith.subi %sign3A_2380, %sign3A_2383 : i32
      %sign3A_2385 = arith.constant 0 : i32
      %sign3A_2386 = arith.cmpi sgt, %jit3A_2376, %sign3A_2385 : i32
      %sign3A_2387 = arith.extui %sign3A_2386 : i1 to i32
      %sign3A_2388 = arith.constant 0 : i32
      %sign3A_2389 = arith.cmpi slt, %jit3A_2376, %sign3A_2388 : i32
      %sign3A_2390 = arith.extui %sign3A_2389 : i1 to i32
      %sign3A_2391 = arith.subi %sign3A_2387, %sign3A_2390 : i32
      %ne3A_2392 = arith.cmpi ne, %sign3A_2384, %sign3A_2391 : i32
      %rem3A_2393 = arith.remsi %squeeze3A_2375, %jit3A_2376 : i32
      %ne3A_2394 = arith.constant 0 : i32
      %ne3A_2395 = arith.cmpi ne, %rem3A_2393, %ne3A_2394 : i32
      %and3A_2396 = arith.andi %ne3A_2392, %ne3A_2395 : i1
      %sub3A_2397 = arith.constant 1 : i32
      %sub3A_2398 = arith.subi %div3A_2377, %sub3A_2397 : i32
      %select_n3A_2399 = arith.select %and3A_2396, %sub3A_2398, %div3A_2377 : i32
      %dma_start3A_2400 = arith.constant 0 : i32
      %dma_start3A_2401 = arith.constant 0 : i32
      %dma_start3A_2402 = tpu.memref_slice %arg3[%select_n3A_2399, %dma_start3A_2400, %dma_start3A_2401] : memref<125000x8x32xf32, #tpu.memory_space<hbm>> -> memref<1x8x32xf32, #tpu.memory_space<hbm>>
      %dma_start3A_2403 = tpu.memref_squeeze %dma_start3A_2402 : memref<1x8x32xf32, #tpu.memory_space<hbm>> -> memref<8x32xf32, #tpu.memory_space<hbm>>
      %dma_start3A_2404 = arith.constant 0 : i32
      %dma_start3A_2405 = arith.constant 0 : i32
      %dma_start3A_2406 = tpu.memref_slice %arg3[%select_n3A_2399, %dma_start3A_2404, %dma_start3A_2405] : memref<125000x8x32xf32, #tpu.memory_space<hbm>> -> memref<1x8x32xf32, #tpu.memory_space<hbm>>
      %dma_start3A_2407 = tpu.memref_squeeze %dma_start3A_2406 : memref<1x8x32xf32, #tpu.memory_space<hbm>> -> memref<8x32xf32, #tpu.memory_space<hbm>>
      tpu.enqueue_dma source(%dma_start3A_2407 : memref<8x32xf32, #tpu.memory_space<hbm>>) target(%arg19 : memref<8x32xf32, #tpu.memory_space<vmem>>) target_semaphore(%arg35 : memref<!tpu.dma_semaphore, #tpu.memory_space<semaphore_mem>>)
      %slice3A_2408 = vector.extract_strided_slice %scan3A_1088 {offsets = [13], sizes = [1], strides = [1]} : vector<16xi32> to vector<1xi32>
      %squeeze3A_2409 = vector.extract %slice3A_2408[0] : i32 from vector<1xi32>
      %jit3A_2410 = arith.constant 8 : i32
      %div3A_2411 = arith.divsi %squeeze3A_2409, %jit3A_2410 : i32
      %sign3A_2412 = arith.constant 0 : i32
      %sign3A_2413 = arith.cmpi sgt, %squeeze3A_2409, %sign3A_2412 : i32
      %sign3A_2414 = arith.extui %sign3A_2413 : i1 to i32
      %sign3A_2415 = arith.constant 0 : i32
      %sign3A_2416 = arith.cmpi slt, %squeeze3A_2409, %sign3A_2415 : i32
      %sign3A_2417 = arith.extui %sign3A_2416 : i1 to i32
      %sign3A_2418 = arith.subi %sign3A_2414, %sign3A_2417 : i32
      %sign3A_2419 = arith.constant 0 : i32
      %sign3A_2420 = arith.cmpi sgt, %jit3A_2410, %sign3A_2419 : i32
      %sign3A_2421 = arith.extui %sign3A_2420 : i1 to i32
      %sign3A_2422 = arith.constant 0 : i32
      %sign3A_2423 = arith.cmpi slt, %jit3A_2410, %sign3A_2422 : i32
      %sign3A_2424 = arith.extui %sign3A_2423 : i1 to i32
      %sign3A_2425 = arith.subi %sign3A_2421, %sign3A_2424 : i32
      %ne3A_2426 = arith.cmpi ne, %sign3A_2418, %sign3A_2425 : i32
      %rem3A_2427 = arith.remsi %squeeze3A_2409, %jit3A_2410 : i32
      %ne3A_2428 = arith.constant 0 : i32
      %ne3A_2429 = arith.cmpi ne, %rem3A_2427, %ne3A_2428 : i32
      %and3A_2430 = arith.andi %ne3A_2426, %ne3A_2429 : i1
      %sub3A_2431 = arith.constant 1 : i32
      %sub3A_2432 = arith.subi %div3A_2411, %sub3A_2431 : i32
      %select_n3A_2433 = arith.select %and3A_2430, %sub3A_2432, %div3A_2411 : i32
      %dma_wait3A_2434 = arith.constant 0 : i32
      %dma_wait3A_2435 = arith.constant 0 : i32
      %dma_wait3A_2436 = tpu.memref_slice %arg3[%select_n3A_2433, %dma_wait3A_2434, %dma_wait3A_2435] : memref<125000x8x32xf32, #tpu.memory_space<hbm>> -> memref<1x8x32xf32, #tpu.memory_space<hbm>>
      %dma_wait3A_2437 = tpu.memref_squeeze %dma_wait3A_2436 : memref<1x8x32xf32, #tpu.memory_space<hbm>> -> memref<8x32xf32, #tpu.memory_space<hbm>>
      %dma_wait3A_2438 = arith.constant 0 : i32
      %dma_wait3A_2439 = arith.constant 0 : i32
      %dma_wait3A_2440 = tpu.memref_slice %arg3[%select_n3A_2433, %dma_wait3A_2438, %dma_wait3A_2439] : memref<125000x8x32xf32, #tpu.memory_space<hbm>> -> memref<1x8x32xf32, #tpu.memory_space<hbm>>
      %dma_wait3A_2441 = tpu.memref_squeeze %dma_wait3A_2440 : memref<1x8x32xf32, #tpu.memory_space<hbm>> -> memref<8x32xf32, #tpu.memory_space<hbm>>
      tpu.wait_dma2 semaphore(%arg36 : memref<!tpu.dma_semaphore, #tpu.memory_space<semaphore_mem>>) src(%dma_wait3A_2441 : memref<8x32xf32, #tpu.memory_space<hbm>>) dst(%arg20 : memref<8x32xf32, #tpu.memory_space<vmem>>)
      %jit3A_2442 = arith.constant 8 : i32
      %eq3A_2443 = arith.constant 0 : i32
      %eq3A_2444 = arith.cmpi eq, %jit3A_2442, %eq3A_2443 : i32
      %jit3A_2445 = arith.constant 1 : i32
      %select_n3A_2446 = arith.select %eq3A_2444, %jit3A_2445, %jit3A_2442 : i32
      %rem3A_2447 = arith.remsi %squeeze3A_2409, %select_n3A_2446 : i32
      %ne3A_2448 = arith.constant 0 : i32
      %ne3A_2449 = arith.cmpi ne, %rem3A_2447, %ne3A_2448 : i32
      %lt3A_2450 = arith.constant 0 : i32
      %lt3A_2451 = arith.cmpi slt, %rem3A_2447, %lt3A_2450 : i32
      %lt3A_2452 = arith.constant 0 : i32
      %lt3A_2453 = arith.cmpi slt, %select_n3A_2446, %lt3A_2452 : i32
      %ne3A_2454 = arith.xori %lt3A_2451, %lt3A_2453 : i1
      %and3A_2455 = arith.andi %ne3A_2454, %ne3A_2449 : i1
      %add3A_2456 = arith.addi %rem3A_2447, %select_n3A_2446 : i32
      %select_n3A_2457 = arith.select %and3A_2455, %add3A_2456, %rem3A_2447 : i32
      %get3A_2458 = arith.index_cast %select_n3A_2457 : i32 to index
      %get3A_2459 = arith.constant 0 : index
      %get3A_2460 = tpu.vector_load %arg20[%get3A_2458, %get3A_2459] {strides = array<i32>} : memref<8x32xf32, #tpu.memory_space<vmem>>, vector<16xf32>,
      %get3A_2461 = arith.index_cast %select_n3A_2457 : i32 to index
      %get3A_2462 = arith.constant 16 : index
      %get3A_2463 = tpu.vector_load %arg20[%get3A_2461, %get3A_2462] {strides = array<i32>} : memref<8x32xf32, #tpu.memory_space<vmem>>, vector<16xf32>,
      %mul3A_2464 = arith.constant 4 : i32
      %mul3A_2465 = arith.muli %scan3A_1087, %mul3A_2464 : i32
      %add3A_2466 = arith.constant 3 : i32
      %add3A_2467 = arith.addi %mul3A_2465, %add3A_2466 : i32
      %swap3A_2468 = arith.index_cast %add3A_2467 : i32 to index
      %swap3A_2469 = arith.constant 32 : index
      %swap3A_2470 = tpu.vector_load %arg6[%swap3A_2468, %swap3A_2469] {strides = array<i32>} : memref<128x128xf32, #tpu.memory_space<vmem>>, vector<16xf32>,
      tpu.vector_store %arg6[%swap3A_2468, %swap3A_2469], %get3A_2460 {strides = array<i32>} : memref<128x128xf32, #tpu.memory_space<vmem>>, vector<16xf32>,
      %swap3A_2471 = arith.index_cast %add3A_2467 : i32 to index
      %swap3A_2472 = arith.constant 48 : index
      %swap3A_2473 = tpu.vector_load %arg6[%swap3A_2471, %swap3A_2472] {strides = array<i32>} : memref<128x128xf32, #tpu.memory_space<vmem>>, vector<16xf32>,
      tpu.vector_store %arg6[%swap3A_2471, %swap3A_2472], %get3A_2463 {strides = array<i32>} : memref<128x128xf32, #tpu.memory_space<vmem>>, vector<16xf32>,
      %slice3A_2474 = vector.extract_strided_slice %get3A_1108 {offsets = [13], sizes = [1], strides = [1]} : vector<16xi32> to vector<1xi32>
      %squeeze3A_2475 = vector.extract %slice3A_2474[0] : i32 from vector<1xi32>
      %jit3A_2476 = arith.constant 8 : i32
      %div3A_2477 = arith.divsi %squeeze3A_2475, %jit3A_2476 : i32
      %sign3A_2478 = arith.constant 0 : i32
      %sign3A_2479 = arith.cmpi sgt, %squeeze3A_2475, %sign3A_2478 : i32
      %sign3A_2480 = arith.extui %sign3A_2479 : i1 to i32
      %sign3A_2481 = arith.constant 0 : i32
      %sign3A_2482 = arith.cmpi slt, %squeeze3A_2475, %sign3A_2481 : i32
      %sign3A_2483 = arith.extui %sign3A_2482 : i1 to i32
      %sign3A_2484 = arith.subi %sign3A_2480, %sign3A_2483 : i32
      %sign3A_2485 = arith.constant 0 : i32
      %sign3A_2486 = arith.cmpi sgt, %jit3A_2476, %sign3A_2485 : i32
      %sign3A_2487 = arith.extui %sign3A_2486 : i1 to i32
      %sign3A_2488 = arith.constant 0 : i32
      %sign3A_2489 = arith.cmpi slt, %jit3A_2476, %sign3A_2488 : i32
      %sign3A_2490 = arith.extui %sign3A_2489 : i1 to i32
      %sign3A_2491 = arith.subi %sign3A_2487, %sign3A_2490 : i32
      %ne3A_2492 = arith.cmpi ne, %sign3A_2484, %sign3A_2491 : i32
      %rem3A_2493 = arith.remsi %squeeze3A_2475, %jit3A_2476 : i32
      %ne3A_2494 = arith.constant 0 : i32
      %ne3A_2495 = arith.cmpi ne, %rem3A_2493, %ne3A_2494 : i32
      %and3A_2496 = arith.andi %ne3A_2492, %ne3A_2495 : i1
      %sub3A_2497 = arith.constant 1 : i32
      %sub3A_2498 = arith.subi %div3A_2477, %sub3A_2497 : i32
      %select_n3A_2499 = arith.select %and3A_2496, %sub3A_2498, %div3A_2477 : i32
      %dma_start3A_2500 = arith.constant 0 : i32
      %dma_start3A_2501 = arith.constant 0 : i32
      %dma_start3A_2502 = tpu.memref_slice %arg3[%select_n3A_2499, %dma_start3A_2500, %dma_start3A_2501] : memref<125000x8x32xf32, #tpu.memory_space<hbm>> -> memref<1x8x32xf32, #tpu.memory_space<hbm>>
      %dma_start3A_2503 = tpu.memref_squeeze %dma_start3A_2502 : memref<1x8x32xf32, #tpu.memory_space<hbm>> -> memref<8x32xf32, #tpu.memory_space<hbm>>
      %dma_start3A_2504 = arith.constant 0 : i32
      %dma_start3A_2505 = arith.constant 0 : i32
      %dma_start3A_2506 = tpu.memref_slice %arg3[%select_n3A_2499, %dma_start3A_2504, %dma_start3A_2505] : memref<125000x8x32xf32, #tpu.memory_space<hbm>> -> memref<1x8x32xf32, #tpu.memory_space<hbm>>
      %dma_start3A_2507 = tpu.memref_squeeze %dma_start3A_2506 : memref<1x8x32xf32, #tpu.memory_space<hbm>> -> memref<8x32xf32, #tpu.memory_space<hbm>>
      tpu.enqueue_dma source(%dma_start3A_2507 : memref<8x32xf32, #tpu.memory_space<hbm>>) target(%arg20 : memref<8x32xf32, #tpu.memory_space<vmem>>) target_semaphore(%arg36 : memref<!tpu.dma_semaphore, #tpu.memory_space<semaphore_mem>>)
      %slice3A_2508 = vector.extract_strided_slice %scan3A_1088 {offsets = [14], sizes = [1], strides = [1]} : vector<16xi32> to vector<1xi32>
      %squeeze3A_2509 = vector.extract %slice3A_2508[0] : i32 from vector<1xi32>
      %jit3A_2510 = arith.constant 8 : i32
      %div3A_2511 = arith.divsi %squeeze3A_2509, %jit3A_2510 : i32
      %sign3A_2512 = arith.constant 0 : i32
      %sign3A_2513 = arith.cmpi sgt, %squeeze3A_2509, %sign3A_2512 : i32
      %sign3A_2514 = arith.extui %sign3A_2513 : i1 to i32
      %sign3A_2515 = arith.constant 0 : i32
      %sign3A_2516 = arith.cmpi slt, %squeeze3A_2509, %sign3A_2515 : i32
      %sign3A_2517 = arith.extui %sign3A_2516 : i1 to i32
      %sign3A_2518 = arith.subi %sign3A_2514, %sign3A_2517 : i32
      %sign3A_2519 = arith.constant 0 : i32
      %sign3A_2520 = arith.cmpi sgt, %jit3A_2510, %sign3A_2519 : i32
      %sign3A_2521 = arith.extui %sign3A_2520 : i1 to i32
      %sign3A_2522 = arith.constant 0 : i32
      %sign3A_2523 = arith.cmpi slt, %jit3A_2510, %sign3A_2522 : i32
      %sign3A_2524 = arith.extui %sign3A_2523 : i1 to i32
      %sign3A_2525 = arith.subi %sign3A_2521, %sign3A_2524 : i32
      %ne3A_2526 = arith.cmpi ne, %sign3A_2518, %sign3A_2525 : i32
      %rem3A_2527 = arith.remsi %squeeze3A_2509, %jit3A_2510 : i32
      %ne3A_2528 = arith.constant 0 : i32
      %ne3A_2529 = arith.cmpi ne, %rem3A_2527, %ne3A_2528 : i32
      %and3A_2530 = arith.andi %ne3A_2526, %ne3A_2529 : i1
      %sub3A_2531 = arith.constant 1 : i32
      %sub3A_2532 = arith.subi %div3A_2511, %sub3A_2531 : i32
      %select_n3A_2533 = arith.select %and3A_2530, %sub3A_2532, %div3A_2511 : i32
      %dma_wait3A_2534 = arith.constant 0 : i32
      %dma_wait3A_2535 = arith.constant 0 : i32
      %dma_wait3A_2536 = tpu.memref_slice %arg3[%select_n3A_2533, %dma_wait3A_2534, %dma_wait3A_2535] : memref<125000x8x32xf32, #tpu.memory_space<hbm>> -> memref<1x8x32xf32, #tpu.memory_space<hbm>>
      %dma_wait3A_2537 = tpu.memref_squeeze %dma_wait3A_2536 : memref<1x8x32xf32, #tpu.memory_space<hbm>> -> memref<8x32xf32, #tpu.memory_space<hbm>>
      %dma_wait3A_2538 = arith.constant 0 : i32
      %dma_wait3A_2539 = arith.constant 0 : i32
      %dma_wait3A_2540 = tpu.memref_slice %arg3[%select_n3A_2533, %dma_wait3A_2538, %dma_wait3A_2539] : memref<125000x8x32xf32, #tpu.memory_space<hbm>> -> memref<1x8x32xf32, #tpu.memory_space<hbm>>
      %dma_wait3A_2541 = tpu.memref_squeeze %dma_wait3A_2540 : memref<1x8x32xf32, #tpu.memory_space<hbm>> -> memref<8x32xf32, #tpu.memory_space<hbm>>
      tpu.wait_dma2 semaphore(%arg37 : memref<!tpu.dma_semaphore, #tpu.memory_space<semaphore_mem>>) src(%dma_wait3A_2541 : memref<8x32xf32, #tpu.memory_space<hbm>>) dst(%arg21 : memref<8x32xf32, #tpu.memory_space<vmem>>)
      %jit3A_2542 = arith.constant 8 : i32
      %eq3A_2543 = arith.constant 0 : i32
      %eq3A_2544 = arith.cmpi eq, %jit3A_2542, %eq3A_2543 : i32
      %jit3A_2545 = arith.constant 1 : i32
      %select_n3A_2546 = arith.select %eq3A_2544, %jit3A_2545, %jit3A_2542 : i32
      %rem3A_2547 = arith.remsi %squeeze3A_2509, %select_n3A_2546 : i32
      %ne3A_2548 = arith.constant 0 : i32
      %ne3A_2549 = arith.cmpi ne, %rem3A_2547, %ne3A_2548 : i32
      %lt3A_2550 = arith.constant 0 : i32
      %lt3A_2551 = arith.cmpi slt, %rem3A_2547, %lt3A_2550 : i32
      %lt3A_2552 = arith.constant 0 : i32
      %lt3A_2553 = arith.cmpi slt, %select_n3A_2546, %lt3A_2552 : i32
      %ne3A_2554 = arith.xori %lt3A_2551, %lt3A_2553 : i1
      %and3A_2555 = arith.andi %ne3A_2554, %ne3A_2549 : i1
      %add3A_2556 = arith.addi %rem3A_2547, %select_n3A_2546 : i32
      %select_n3A_2557 = arith.select %and3A_2555, %add3A_2556, %rem3A_2547 : i32
      %get3A_2558 = arith.index_cast %select_n3A_2557 : i32 to index
      %get3A_2559 = arith.constant 0 : index
      %get3A_2560 = tpu.vector_load %arg21[%get3A_2558, %get3A_2559] {strides = array<i32>} : memref<8x32xf32, #tpu.memory_space<vmem>>, vector<16xf32>,
      %get3A_2561 = arith.index_cast %select_n3A_2557 : i32 to index
      %get3A_2562 = arith.constant 16 : index
      %get3A_2563 = tpu.vector_load %arg21[%get3A_2561, %get3A_2562] {strides = array<i32>} : memref<8x32xf32, #tpu.memory_space<vmem>>, vector<16xf32>,
      %mul3A_2564 = arith.constant 4 : i32
      %mul3A_2565 = arith.muli %scan3A_1087, %mul3A_2564 : i32
      %add3A_2566 = arith.constant 3 : i32
      %add3A_2567 = arith.addi %mul3A_2565, %add3A_2566 : i32
      %swap3A_2568 = arith.index_cast %add3A_2567 : i32 to index
      %swap3A_2569 = arith.constant 64 : index
      %swap3A_2570 = tpu.vector_load %arg6[%swap3A_2568, %swap3A_2569] {strides = array<i32>} : memref<128x128xf32, #tpu.memory_space<vmem>>, vector<16xf32>,
      tpu.vector_store %arg6[%swap3A_2568, %swap3A_2569], %get3A_2560 {strides = array<i32>} : memref<128x128xf32, #tpu.memory_space<vmem>>, vector<16xf32>,
      %swap3A_2571 = arith.index_cast %add3A_2567 : i32 to index
      %swap3A_2572 = arith.constant 80 : index
      %swap3A_2573 = tpu.vector_load %arg6[%swap3A_2571, %swap3A_2572] {strides = array<i32>} : memref<128x128xf32, #tpu.memory_space<vmem>>, vector<16xf32>,
      tpu.vector_store %arg6[%swap3A_2571, %swap3A_2572], %get3A_2563 {strides = array<i32>} : memref<128x128xf32, #tpu.memory_space<vmem>>, vector<16xf32>,
      %slice3A_2574 = vector.extract_strided_slice %get3A_1108 {offsets = [14], sizes = [1], strides = [1]} : vector<16xi32> to vector<1xi32>
      %squeeze3A_2575 = vector.extract %slice3A_2574[0] : i32 from vector<1xi32>
      %jit3A_2576 = arith.constant 8 : i32
      %div3A_2577 = arith.divsi %squeeze3A_2575, %jit3A_2576 : i32
      %sign3A_2578 = arith.constant 0 : i32
      %sign3A_2579 = arith.cmpi sgt, %squeeze3A_2575, %sign3A_2578 : i32
      %sign3A_2580 = arith.extui %sign3A_2579 : i1 to i32
      %sign3A_2581 = arith.constant 0 : i32
      %sign3A_2582 = arith.cmpi slt, %squeeze3A_2575, %sign3A_2581 : i32
      %sign3A_2583 = arith.extui %sign3A_2582 : i1 to i32
      %sign3A_2584 = arith.subi %sign3A_2580, %sign3A_2583 : i32
      %sign3A_2585 = arith.constant 0 : i32
      %sign3A_2586 = arith.cmpi sgt, %jit3A_2576, %sign3A_2585 : i32
      %sign3A_2587 = arith.extui %sign3A_2586 : i1 to i32
      %sign3A_2588 = arith.constant 0 : i32
      %sign3A_2589 = arith.cmpi slt, %jit3A_2576, %sign3A_2588 : i32
      %sign3A_2590 = arith.extui %sign3A_2589 : i1 to i32
      %sign3A_2591 = arith.subi %sign3A_2587, %sign3A_2590 : i32
      %ne3A_2592 = arith.cmpi ne, %sign3A_2584, %sign3A_2591 : i32
      %rem3A_2593 = arith.remsi %squeeze3A_2575, %jit3A_2576 : i32
      %ne3A_2594 = arith.constant 0 : i32
      %ne3A_2595 = arith.cmpi ne, %rem3A_2593, %ne3A_2594 : i32
      %and3A_2596 = arith.andi %ne3A_2592, %ne3A_2595 : i1
      %sub3A_2597 = arith.constant 1 : i32
      %sub3A_2598 = arith.subi %div3A_2577, %sub3A_2597 : i32
      %select_n3A_2599 = arith.select %and3A_2596, %sub3A_2598, %div3A_2577 : i32
      %dma_start3A_2600 = arith.constant 0 : i32
      %dma_start3A_2601 = arith.constant 0 : i32
      %dma_start3A_2602 = tpu.memref_slice %arg3[%select_n3A_2599, %dma_start3A_2600, %dma_start3A_2601] : memref<125000x8x32xf32, #tpu.memory_space<hbm>> -> memref<1x8x32xf32, #tpu.memory_space<hbm>>
      %dma_start3A_2603 = tpu.memref_squeeze %dma_start3A_2602 : memref<1x8x32xf32, #tpu.memory_space<hbm>> -> memref<8x32xf32, #tpu.memory_space<hbm>>
      %dma_start3A_2604 = arith.constant 0 : i32
      %dma_start3A_2605 = arith.constant 0 : i32
      %dma_start3A_2606 = tpu.memref_slice %arg3[%select_n3A_2599, %dma_start3A_2604, %dma_start3A_2605] : memref<125000x8x32xf32, #tpu.memory_space<hbm>> -> memref<1x8x32xf32, #tpu.memory_space<hbm>>
      %dma_start3A_2607 = tpu.memref_squeeze %dma_start3A_2606 : memref<1x8x32xf32, #tpu.memory_space<hbm>> -> memref<8x32xf32, #tpu.memory_space<hbm>>
      tpu.enqueue_dma source(%dma_start3A_2607 : memref<8x32xf32, #tpu.memory_space<hbm>>) target(%arg21 : memref<8x32xf32, #tpu.memory_space<vmem>>) target_semaphore(%arg37 : memref<!tpu.dma_semaphore, #tpu.memory_space<semaphore_mem>>)
      %slice3A_2608 = vector.extract_strided_slice %scan3A_1088 {offsets = [15], sizes = [1], strides = [1]} : vector<16xi32> to vector<1xi32>
      %squeeze3A_2609 = vector.extract %slice3A_2608[0] : i32 from vector<1xi32>
      %jit3A_2610 = arith.constant 8 : i32
      %div3A_2611 = arith.divsi %squeeze3A_2609, %jit3A_2610 : i32
      %sign3A_2612 = arith.constant 0 : i32
      %sign3A_2613 = arith.cmpi sgt, %squeeze3A_2609, %sign3A_2612 : i32
      %sign3A_2614 = arith.extui %sign3A_2613 : i1 to i32
      %sign3A_2615 = arith.constant 0 : i32
      %sign3A_2616 = arith.cmpi slt, %squeeze3A_2609, %sign3A_2615 : i32
      %sign3A_2617 = arith.extui %sign3A_2616 : i1 to i32
      %sign3A_2618 = arith.subi %sign3A_2614, %sign3A_2617 : i32
      %sign3A_2619 = arith.constant 0 : i32
      %sign3A_2620 = arith.cmpi sgt, %jit3A_2610, %sign3A_2619 : i32
      %sign3A_2621 = arith.extui %sign3A_2620 : i1 to i32
      %sign3A_2622 = arith.constant 0 : i32
      %sign3A_2623 = arith.cmpi slt, %jit3A_2610, %sign3A_2622 : i32
      %sign3A_2624 = arith.extui %sign3A_2623 : i1 to i32
      %sign3A_2625 = arith.subi %sign3A_2621, %sign3A_2624 : i32
      %ne3A_2626 = arith.cmpi ne, %sign3A_2618, %sign3A_2625 : i32
      %rem3A_2627 = arith.remsi %squeeze3A_2609, %jit3A_2610 : i32
      %ne3A_2628 = arith.constant 0 : i32
      %ne3A_2629 = arith.cmpi ne, %rem3A_2627, %ne3A_2628 : i32
      %and3A_2630 = arith.andi %ne3A_2626, %ne3A_2629 : i1
      %sub3A_2631 = arith.constant 1 : i32
      %sub3A_2632 = arith.subi %div3A_2611, %sub3A_2631 : i32
      %select_n3A_2633 = arith.select %and3A_2630, %sub3A_2632, %div3A_2611 : i32
      %dma_wait3A_2634 = arith.constant 0 : i32
      %dma_wait3A_2635 = arith.constant 0 : i32
      %dma_wait3A_2636 = tpu.memref_slice %arg3[%select_n3A_2633, %dma_wait3A_2634, %dma_wait3A_2635] : memref<125000x8x32xf32, #tpu.memory_space<hbm>> -> memref<1x8x32xf32, #tpu.memory_space<hbm>>
      %dma_wait3A_2637 = tpu.memref_squeeze %dma_wait3A_2636 : memref<1x8x32xf32, #tpu.memory_space<hbm>> -> memref<8x32xf32, #tpu.memory_space<hbm>>
      %dma_wait3A_2638 = arith.constant 0 : i32
      %dma_wait3A_2639 = arith.constant 0 : i32
      %dma_wait3A_2640 = tpu.memref_slice %arg3[%select_n3A_2633, %dma_wait3A_2638, %dma_wait3A_2639] : memref<125000x8x32xf32, #tpu.memory_space<hbm>> -> memref<1x8x32xf32, #tpu.memory_space<hbm>>
      %dma_wait3A_2641 = tpu.memref_squeeze %dma_wait3A_2640 : memref<1x8x32xf32, #tpu.memory_space<hbm>> -> memref<8x32xf32, #tpu.memory_space<hbm>>
      tpu.wait_dma2 semaphore(%arg38 : memref<!tpu.dma_semaphore, #tpu.memory_space<semaphore_mem>>) src(%dma_wait3A_2641 : memref<8x32xf32, #tpu.memory_space<hbm>>) dst(%arg22 : memref<8x32xf32, #tpu.memory_space<vmem>>)
      %jit3A_2642 = arith.constant 8 : i32
      %eq3A_2643 = arith.constant 0 : i32
      %eq3A_2644 = arith.cmpi eq, %jit3A_2642, %eq3A_2643 : i32
      %jit3A_2645 = arith.constant 1 : i32
      %select_n3A_2646 = arith.select %eq3A_2644, %jit3A_2645, %jit3A_2642 : i32
      %rem3A_2647 = arith.remsi %squeeze3A_2609, %select_n3A_2646 : i32
      %ne3A_2648 = arith.constant 0 : i32
      %ne3A_2649 = arith.cmpi ne, %rem3A_2647, %ne3A_2648 : i32
      %lt3A_2650 = arith.constant 0 : i32
      %lt3A_2651 = arith.cmpi slt, %rem3A_2647, %lt3A_2650 : i32
      %lt3A_2652 = arith.constant 0 : i32
      %lt3A_2653 = arith.cmpi slt, %select_n3A_2646, %lt3A_2652 : i32
      %ne3A_2654 = arith.xori %lt3A_2651, %lt3A_2653 : i1
      %and3A_2655 = arith.andi %ne3A_2654, %ne3A_2649 : i1
      %add3A_2656 = arith.addi %rem3A_2647, %select_n3A_2646 : i32
      %select_n3A_2657 = arith.select %and3A_2655, %add3A_2656, %rem3A_2647 : i32
      %get3A_2658 = arith.index_cast %select_n3A_2657 : i32 to index
      %get3A_2659 = arith.constant 0 : index
      %get3A_2660 = tpu.vector_load %arg22[%get3A_2658, %get3A_2659] {strides = array<i32>} : memref<8x32xf32, #tpu.memory_space<vmem>>, vector<16xf32>,
      %get3A_2661 = arith.index_cast %select_n3A_2657 : i32 to index
      %get3A_2662 = arith.constant 16 : index
      %get3A_2663 = tpu.vector_load %arg22[%get3A_2661, %get3A_2662] {strides = array<i32>} : memref<8x32xf32, #tpu.memory_space<vmem>>, vector<16xf32>,
      %mul3A_2664 = arith.constant 4 : i32
      %mul3A_2665 = arith.muli %scan3A_1087, %mul3A_2664 : i32
      %add3A_2666 = arith.constant 3 : i32
      %add3A_2667 = arith.addi %mul3A_2665, %add3A_2666 : i32
      %swap3A_2668 = arith.index_cast %add3A_2667 : i32 to index
      %swap3A_2669 = arith.constant 96 : index
      %swap3A_2670 = tpu.vector_load %arg6[%swap3A_2668, %swap3A_2669] {strides = array<i32>} : memref<128x128xf32, #tpu.memory_space<vmem>>, vector<16xf32>,
      tpu.vector_store %arg6[%swap3A_2668, %swap3A_2669], %get3A_2660 {strides = array<i32>} : memref<128x128xf32, #tpu.memory_space<vmem>>, vector<16xf32>,
      %swap3A_2671 = arith.index_cast %add3A_2667 : i32 to index
      %swap3A_2672 = arith.constant 112 : index
      %swap3A_2673 = tpu.vector_load %arg6[%swap3A_2671, %swap3A_2672] {strides = array<i32>} : memref<128x128xf32, #tpu.memory_space<vmem>>, vector<16xf32>,
      tpu.vector_store %arg6[%swap3A_2671, %swap3A_2672], %get3A_2663 {strides = array<i32>} : memref<128x128xf32, #tpu.memory_space<vmem>>, vector<16xf32>,
      %slice3A_2674 = vector.extract_strided_slice %get3A_1108 {offsets = [15], sizes = [1], strides = [1]} : vector<16xi32> to vector<1xi32>
      %squeeze3A_2675 = vector.extract %slice3A_2674[0] : i32 from vector<1xi32>
      %jit3A_2676 = arith.constant 8 : i32
      %div3A_2677 = arith.divsi %squeeze3A_2675, %jit3A_2676 : i32
      %sign3A_2678 = arith.constant 0 : i32
      %sign3A_2679 = arith.cmpi sgt, %squeeze3A_2675, %sign3A_2678 : i32
      %sign3A_2680 = arith.extui %sign3A_2679 : i1 to i32
      %sign3A_2681 = arith.constant 0 : i32
      %sign3A_2682 = arith.cmpi slt, %squeeze3A_2675, %sign3A_2681 : i32
      %sign3A_2683 = arith.extui %sign3A_2682 : i1 to i32
      %sign3A_2684 = arith.subi %sign3A_2680, %sign3A_2683 : i32
      %sign3A_2685 = arith.constant 0 : i32
      %sign3A_2686 = arith.cmpi sgt, %jit3A_2676, %sign3A_2685 : i32
      %sign3A_2687 = arith.extui %sign3A_2686 : i1 to i32
      %sign3A_2688 = arith.constant 0 : i32
      %sign3A_2689 = arith.cmpi slt, %jit3A_2676, %sign3A_2688 : i32
      %sign3A_2690 = arith.extui %sign3A_2689 : i1 to i32
      %sign3A_2691 = arith.subi %sign3A_2687, %sign3A_2690 : i32
      %ne3A_2692 = arith.cmpi ne, %sign3A_2684, %sign3A_2691 : i32
      %rem3A_2693 = arith.remsi %squeeze3A_2675, %jit3A_2676 : i32
      %ne3A_2694 = arith.constant 0 : i32
      %ne3A_2695 = arith.cmpi ne, %rem3A_2693, %ne3A_2694 : i32
      %and3A_2696 = arith.andi %ne3A_2692, %ne3A_2695 : i1
      %sub3A_2697 = arith.constant 1 : i32
      %sub3A_2698 = arith.subi %div3A_2677, %sub3A_2697 : i32
      %select_n3A_2699 = arith.select %and3A_2696, %sub3A_2698, %div3A_2677 : i32
      %dma_start3A_2700 = arith.constant 0 : i32
      %dma_start3A_2701 = arith.constant 0 : i32
      %dma_start3A_2702 = tpu.memref_slice %arg3[%select_n3A_2699, %dma_start3A_2700, %dma_start3A_2701] : memref<125000x8x32xf32, #tpu.memory_space<hbm>> -> memref<1x8x32xf32, #tpu.memory_space<hbm>>
      %dma_start3A_2703 = tpu.memref_squeeze %dma_start3A_2702 : memref<1x8x32xf32, #tpu.memory_space<hbm>> -> memref<8x32xf32, #tpu.memory_space<hbm>>
      %dma_start3A_2704 = arith.constant 0 : i32
      %dma_start3A_2705 = arith.constant 0 : i32
      %dma_start3A_2706 = tpu.memref_slice %arg3[%select_n3A_2699, %dma_start3A_2704, %dma_start3A_2705] : memref<125000x8x32xf32, #tpu.memory_space<hbm>> -> memref<1x8x32xf32, #tpu.memory_space<hbm>>
      %dma_start3A_2707 = tpu.memref_squeeze %dma_start3A_2706 : memref<1x8x32xf32, #tpu.memory_space<hbm>> -> memref<8x32xf32, #tpu.memory_space<hbm>>
      tpu.enqueue_dma source(%dma_start3A_2707 : memref<8x32xf32, #tpu.memory_space<hbm>>) target(%arg22 : memref<8x32xf32, #tpu.memory_space<vmem>>) target_semaphore(%arg38 : memref<!tpu.dma_semaphore, #tpu.memory_space<semaphore_mem>>)
      scf.yield %get3A_1108 : vector<16xi32>
    }
    %scan3A_541 = arith.constant 32 : i32
    %slice3A_542 = vector.extract_strided_slice %scan3A_540 {offsets = [0], sizes = [1], strides = [1]} : vector<16xi32> to vector<1xi32>
    %squeeze3A_543 = vector.extract %slice3A_542[0] : i32 from vector<1xi32>
    %jit3A_544 = arith.constant 8 : i32
    %div3A_545 = arith.divsi %squeeze3A_543, %jit3A_544 : i32
    %sign3A_546 = arith.constant 0 : i32
    %sign3A_547 = arith.cmpi sgt, %squeeze3A_543, %sign3A_546 : i32
    %sign3A_548 = arith.extui %sign3A_547 : i1 to i32
    %sign3A_549 = arith.constant 0 : i32
    %sign3A_550 = arith.cmpi slt, %squeeze3A_543, %sign3A_549 : i32
    %sign3A_551 = arith.extui %sign3A_550 : i1 to i32
    %sign3A_552 = arith.subi %sign3A_548, %sign3A_551 : i32
    %sign3A_553 = arith.constant 0 : i32
    %sign3A_554 = arith.cmpi sgt, %jit3A_544, %sign3A_553 : i32
    %sign3A_555 = arith.extui %sign3A_554 : i1 to i32
    %sign3A_556 = arith.constant 0 : i32
    %sign3A_557 = arith.cmpi slt, %jit3A_544, %sign3A_556 : i32
    %sign3A_558 = arith.extui %sign3A_557 : i1 to i32
    %sign3A_559 = arith.subi %sign3A_555, %sign3A_558 : i32
    %ne3A_560 = arith.cmpi ne, %sign3A_552, %sign3A_559 : i32
    %rem3A_561 = arith.remsi %squeeze3A_543, %jit3A_544 : i32
    %ne3A_562 = arith.constant 0 : i32
    %ne3A_563 = arith.cmpi ne, %rem3A_561, %ne3A_562 : i32
    %and3A_564 = arith.andi %ne3A_560, %ne3A_563 : i1
    %sub3A_565 = arith.constant 1 : i32
    %sub3A_566 = arith.subi %div3A_545, %sub3A_565 : i32
    %select_n3A_567 = arith.select %and3A_564, %sub3A_566, %div3A_545 : i32
    %dma_wait3A = arith.constant 0 : i32
    %dma_wait3A_568 = arith.constant 0 : i32
    %dma_wait3A_569 = tpu.memref_slice %arg3[%select_n3A_567, %dma_wait3A, %dma_wait3A_568] : memref<125000x8x32xf32, #tpu.memory_space<hbm>> -> memref<1x8x32xf32, #tpu.memory_space<hbm>>
    %dma_wait3A_570 = tpu.memref_squeeze %dma_wait3A_569 : memref<1x8x32xf32, #tpu.memory_space<hbm>> -> memref<8x32xf32, #tpu.memory_space<hbm>>
    %dma_wait3A_571 = arith.constant 0 : i32
    %dma_wait3A_572 = arith.constant 0 : i32
    %dma_wait3A_573 = tpu.memref_slice %arg3[%select_n3A_567, %dma_wait3A_571, %dma_wait3A_572] : memref<125000x8x32xf32, #tpu.memory_space<hbm>> -> memref<1x8x32xf32, #tpu.memory_space<hbm>>
    %dma_wait3A_574 = tpu.memref_squeeze %dma_wait3A_573 : memref<1x8x32xf32, #tpu.memory_space<hbm>> -> memref<8x32xf32, #tpu.memory_space<hbm>>
    tpu.wait_dma2 semaphore(%arg23 : memref<!tpu.dma_semaphore, #tpu.memory_space<semaphore_mem>>) src(%dma_wait3A_574 : memref<8x32xf32, #tpu.memory_space<hbm>>) dst(%arg7 : memref<8x32xf32, #tpu.memory_space<vmem>>)
    %slice3A_575 = vector.extract_strided_slice %scan3A_540 {offsets = [1], sizes = [1], strides = [1]} : vector<16xi32> to vector<1xi32>
    %squeeze3A_576 = vector.extract %slice3A_575[0] : i32 from vector<1xi32>
    %jit3A_577 = arith.constant 8 : i32
    %div3A_578 = arith.divsi %squeeze3A_576, %jit3A_577 : i32
    %sign3A_579 = arith.constant 0 : i32
    %sign3A_580 = arith.cmpi sgt, %squeeze3A_576, %sign3A_579 : i32
    %sign3A_581 = arith.extui %sign3A_580 : i1 to i32
    %sign3A_582 = arith.constant 0 : i32
    %sign3A_583 = arith.cmpi slt, %squeeze3A_576, %sign3A_582 : i32
    %sign3A_584 = arith.extui %sign3A_583 : i1 to i32
    %sign3A_585 = arith.subi %sign3A_581, %sign3A_584 : i32
    %sign3A_586 = arith.constant 0 : i32
    %sign3A_587 = arith.cmpi sgt, %jit3A_577, %sign3A_586 : i32
    %sign3A_588 = arith.extui %sign3A_587 : i1 to i32
    %sign3A_589 = arith.constant 0 : i32
    %sign3A_590 = arith.cmpi slt, %jit3A_577, %sign3A_589 : i32
    %sign3A_591 = arith.extui %sign3A_590 : i1 to i32
    %sign3A_592 = arith.subi %sign3A_588, %sign3A_591 : i32
    %ne3A_593 = arith.cmpi ne, %sign3A_585, %sign3A_592 : i32
    %rem3A_594 = arith.remsi %squeeze3A_576, %jit3A_577 : i32
    %ne3A_595 = arith.constant 0 : i32
    %ne3A_596 = arith.cmpi ne, %rem3A_594, %ne3A_595 : i32
    %and3A_597 = arith.andi %ne3A_593, %ne3A_596 : i1
    %sub3A_598 = arith.constant 1 : i32
    %sub3A_599 = arith.subi %div3A_578, %sub3A_598 : i32
    %select_n3A_600 = arith.select %and3A_597, %sub3A_599, %div3A_578 : i32
    %dma_wait3A_601 = arith.constant 0 : i32
    %dma_wait3A_602 = arith.constant 0 : i32
    %dma_wait3A_603 = tpu.memref_slice %arg3[%select_n3A_600, %dma_wait3A_601, %dma_wait3A_602] : memref<125000x8x32xf32, #tpu.memory_space<hbm>> -> memref<1x8x32xf32, #tpu.memory_space<hbm>>
    %dma_wait3A_604 = tpu.memref_squeeze %dma_wait3A_603 : memref<1x8x32xf32, #tpu.memory_space<hbm>> -> memref<8x32xf32, #tpu.memory_space<hbm>>
    %dma_wait3A_605 = arith.constant 0 : i32
    %dma_wait3A_606 = arith.constant 0 : i32
    %dma_wait3A_607 = tpu.memref_slice %arg3[%select_n3A_600, %dma_wait3A_605, %dma_wait3A_606] : memref<125000x8x32xf32, #tpu.memory_space<hbm>> -> memref<1x8x32xf32, #tpu.memory_space<hbm>>
    %dma_wait3A_608 = tpu.memref_squeeze %dma_wait3A_607 : memref<1x8x32xf32, #tpu.memory_space<hbm>> -> memref<8x32xf32, #tpu.memory_space<hbm>>
    tpu.wait_dma2 semaphore(%arg24 : memref<!tpu.dma_semaphore, #tpu.memory_space<semaphore_mem>>) src(%dma_wait3A_608 : memref<8x32xf32, #tpu.memory_space<hbm>>) dst(%arg8 : memref<8x32xf32, #tpu.memory_space<vmem>>)
    %slice3A_609 = vector.extract_strided_slice %scan3A_540 {offsets = [2], sizes = [1], strides = [1]} : vector<16xi32> to vector<1xi32>
    %squeeze3A_610 = vector.extract %slice3A_609[0] : i32 from vector<1xi32>
    %jit3A_611 = arith.constant 8 : i32
    %div3A_612 = arith.divsi %squeeze3A_610, %jit3A_611 : i32
    %sign3A_613 = arith.constant 0 : i32
    %sign3A_614 = arith.cmpi sgt, %squeeze3A_610, %sign3A_613 : i32
    %sign3A_615 = arith.extui %sign3A_614 : i1 to i32
    %sign3A_616 = arith.constant 0 : i32
    %sign3A_617 = arith.cmpi slt, %squeeze3A_610, %sign3A_616 : i32
    %sign3A_618 = arith.extui %sign3A_617 : i1 to i32
    %sign3A_619 = arith.subi %sign3A_615, %sign3A_618 : i32
    %sign3A_620 = arith.constant 0 : i32
    %sign3A_621 = arith.cmpi sgt, %jit3A_611, %sign3A_620 : i32
    %sign3A_622 = arith.extui %sign3A_621 : i1 to i32
    %sign3A_623 = arith.constant 0 : i32
    %sign3A_624 = arith.cmpi slt, %jit3A_611, %sign3A_623 : i32
    %sign3A_625 = arith.extui %sign3A_624 : i1 to i32
    %sign3A_626 = arith.subi %sign3A_622, %sign3A_625 : i32
    %ne3A_627 = arith.cmpi ne, %sign3A_619, %sign3A_626 : i32
    %rem3A_628 = arith.remsi %squeeze3A_610, %jit3A_611 : i32
    %ne3A_629 = arith.constant 0 : i32
    %ne3A_630 = arith.cmpi ne, %rem3A_628, %ne3A_629 : i32
    %and3A_631 = arith.andi %ne3A_627, %ne3A_630 : i1
    %sub3A_632 = arith.constant 1 : i32
    %sub3A_633 = arith.subi %div3A_612, %sub3A_632 : i32
    %select_n3A_634 = arith.select %and3A_631, %sub3A_633, %div3A_612 : i32
    %dma_wait3A_635 = arith.constant 0 : i32
    %dma_wait3A_636 = arith.constant 0 : i32
    %dma_wait3A_637 = tpu.memref_slice %arg3[%select_n3A_634, %dma_wait3A_635, %dma_wait3A_636] : memref<125000x8x32xf32, #tpu.memory_space<hbm>> -> memref<1x8x32xf32, #tpu.memory_space<hbm>>
    %dma_wait3A_638 = tpu.memref_squeeze %dma_wait3A_637 : memref<1x8x32xf32, #tpu.memory_space<hbm>> -> memref<8x32xf32, #tpu.memory_space<hbm>>
    %dma_wait3A_639 = arith.constant 0 : i32
    %dma_wait3A_640 = arith.constant 0 : i32
    %dma_wait3A_641 = tpu.memref_slice %arg3[%select_n3A_634, %dma_wait3A_639, %dma_wait3A_640] : memref<125000x8x32xf32, #tpu.memory_space<hbm>> -> memref<1x8x32xf32, #tpu.memory_space<hbm>>
    %dma_wait3A_642 = tpu.memref_squeeze %dma_wait3A_641 : memref<1x8x32xf32, #tpu.memory_space<hbm>> -> memref<8x32xf32, #tpu.memory_space<hbm>>
    tpu.wait_dma2 semaphore(%arg25 : memref<!tpu.dma_semaphore, #tpu.memory_space<semaphore_mem>>) src(%dma_wait3A_642 : memref<8x32xf32, #tpu.memory_space<hbm>>) dst(%arg9 : memref<8x32xf32, #tpu.memory_space<vmem>>)
    %slice3A_643 = vector.extract_strided_slice %scan3A_540 {offsets = [3], sizes = [1], strides = [1]} : vector<16xi32> to vector<1xi32>
    %squeeze3A_644 = vector.extract %slice3A_643[0] : i32 from vector<1xi32>
    %jit3A_645 = arith.constant 8 : i32
    %div3A_646 = arith.divsi %squeeze3A_644, %jit3A_645 : i32
    %sign3A_647 = arith.constant 0 : i32
    %sign3A_648 = arith.cmpi sgt, %squeeze3A_644, %sign3A_647 : i32
    %sign3A_649 = arith.extui %sign3A_648 : i1 to i32
    %sign3A_650 = arith.constant 0 : i32
    %sign3A_651 = arith.cmpi slt, %squeeze3A_644, %sign3A_650 : i32
    %sign3A_652 = arith.extui %sign3A_651 : i1 to i32
    %sign3A_653 = arith.subi %sign3A_649, %sign3A_652 : i32
    %sign3A_654 = arith.constant 0 : i32
    %sign3A_655 = arith.cmpi sgt, %jit3A_645, %sign3A_654 : i32
    %sign3A_656 = arith.extui %sign3A_655 : i1 to i32
    %sign3A_657 = arith.constant 0 : i32
    %sign3A_658 = arith.cmpi slt, %jit3A_645, %sign3A_657 : i32
    %sign3A_659 = arith.extui %sign3A_658 : i1 to i32
    %sign3A_660 = arith.subi %sign3A_656, %sign3A_659 : i32
    %ne3A_661 = arith.cmpi ne, %sign3A_653, %sign3A_660 : i32
    %rem3A_662 = arith.remsi %squeeze3A_644, %jit3A_645 : i32
    %ne3A_663 = arith.constant 0 : i32
    %ne3A_664 = arith.cmpi ne, %rem3A_662, %ne3A_663 : i32
    %and3A_665 = arith.andi %ne3A_661, %ne3A_664 : i1
    %sub3A_666 = arith.constant 1 : i32
    %sub3A_667 = arith.subi %div3A_646, %sub3A_666 : i32
    %select_n3A_668 = arith.select %and3A_665, %sub3A_667, %div3A_646 : i32
    %dma_wait3A_669 = arith.constant 0 : i32
    %dma_wait3A_670 = arith.constant 0 : i32
    %dma_wait3A_671 = tpu.memref_slice %arg3[%select_n3A_668, %dma_wait3A_669, %dma_wait3A_670] : memref<125000x8x32xf32, #tpu.memory_space<hbm>> -> memref<1x8x32xf32, #tpu.memory_space<hbm>>
    %dma_wait3A_672 = tpu.memref_squeeze %dma_wait3A_671 : memref<1x8x32xf32, #tpu.memory_space<hbm>> -> memref<8x32xf32, #tpu.memory_space<hbm>>
    %dma_wait3A_673 = arith.constant 0 : i32
    %dma_wait3A_674 = arith.constant 0 : i32
    %dma_wait3A_675 = tpu.memref_slice %arg3[%select_n3A_668, %dma_wait3A_673, %dma_wait3A_674] : memref<125000x8x32xf32, #tpu.memory_space<hbm>> -> memref<1x8x32xf32, #tpu.memory_space<hbm>>
    %dma_wait3A_676 = tpu.memref_squeeze %dma_wait3A_675 : memref<1x8x32xf32, #tpu.memory_space<hbm>> -> memref<8x32xf32, #tpu.memory_space<hbm>>
    tpu.wait_dma2 semaphore(%arg26 : memref<!tpu.dma_semaphore, #tpu.memory_space<semaphore_mem>>) src(%dma_wait3A_676 : memref<8x32xf32, #tpu.memory_space<hbm>>) dst(%arg10 : memref<8x32xf32, #tpu.memory_space<vmem>>)
    %slice3A_677 = vector.extract_strided_slice %scan3A_540 {offsets = [4], sizes = [1], strides = [1]} : vector<16xi32> to vector<1xi32>
    %squeeze3A_678 = vector.extract %slice3A_677[0] : i32 from vector<1xi32>
    %jit3A_679 = arith.constant 8 : i32
    %div3A_680 = arith.divsi %squeeze3A_678, %jit3A_679 : i32
    %sign3A_681 = arith.constant 0 : i32
    %sign3A_682 = arith.cmpi sgt, %squeeze3A_678, %sign3A_681 : i32
    %sign3A_683 = arith.extui %sign3A_682 : i1 to i32
    %sign3A_684 = arith.constant 0 : i32
    %sign3A_685 = arith.cmpi slt, %squeeze3A_678, %sign3A_684 : i32
    %sign3A_686 = arith.extui %sign3A_685 : i1 to i32
    %sign3A_687 = arith.subi %sign3A_683, %sign3A_686 : i32
    %sign3A_688 = arith.constant 0 : i32
    %sign3A_689 = arith.cmpi sgt, %jit3A_679, %sign3A_688 : i32
    %sign3A_690 = arith.extui %sign3A_689 : i1 to i32
    %sign3A_691 = arith.constant 0 : i32
    %sign3A_692 = arith.cmpi slt, %jit3A_679, %sign3A_691 : i32
    %sign3A_693 = arith.extui %sign3A_692 : i1 to i32
    %sign3A_694 = arith.subi %sign3A_690, %sign3A_693 : i32
    %ne3A_695 = arith.cmpi ne, %sign3A_687, %sign3A_694 : i32
    %rem3A_696 = arith.remsi %squeeze3A_678, %jit3A_679 : i32
    %ne3A_697 = arith.constant 0 : i32
    %ne3A_698 = arith.cmpi ne, %rem3A_696, %ne3A_697 : i32
    %and3A_699 = arith.andi %ne3A_695, %ne3A_698 : i1
    %sub3A_700 = arith.constant 1 : i32
    %sub3A_701 = arith.subi %div3A_680, %sub3A_700 : i32
    %select_n3A_702 = arith.select %and3A_699, %sub3A_701, %div3A_680 : i32
    %dma_wait3A_703 = arith.constant 0 : i32
    %dma_wait3A_704 = arith.constant 0 : i32
    %dma_wait3A_705 = tpu.memref_slice %arg3[%select_n3A_702, %dma_wait3A_703, %dma_wait3A_704] : memref<125000x8x32xf32, #tpu.memory_space<hbm>> -> memref<1x8x32xf32, #tpu.memory_space<hbm>>
    %dma_wait3A_706 = tpu.memref_squeeze %dma_wait3A_705 : memref<1x8x32xf32, #tpu.memory_space<hbm>> -> memref<8x32xf32, #tpu.memory_space<hbm>>
    %dma_wait3A_707 = arith.constant 0 : i32
    %dma_wait3A_708 = arith.constant 0 : i32
    %dma_wait3A_709 = tpu.memref_slice %arg3[%select_n3A_702, %dma_wait3A_707, %dma_wait3A_708] : memref<125000x8x32xf32, #tpu.memory_space<hbm>> -> memref<1x8x32xf32, #tpu.memory_space<hbm>>
    %dma_wait3A_710 = tpu.memref_squeeze %dma_wait3A_709 : memref<1x8x32xf32, #tpu.memory_space<hbm>> -> memref<8x32xf32, #tpu.memory_space<hbm>>
    tpu.wait_dma2 semaphore(%arg27 : memref<!tpu.dma_semaphore, #tpu.memory_space<semaphore_mem>>) src(%dma_wait3A_710 : memref<8x32xf32, #tpu.memory_space<hbm>>) dst(%arg11 : memref<8x32xf32, #tpu.memory_space<vmem>>)
    %slice3A_711 = vector.extract_strided_slice %scan3A_540 {offsets = [5], sizes = [1], strides = [1]} : vector<16xi32> to vector<1xi32>
    %squeeze3A_712 = vector.extract %slice3A_711[0] : i32 from vector<1xi32>
    %jit3A_713 = arith.constant 8 : i32
    %div3A_714 = arith.divsi %squeeze3A_712, %jit3A_713 : i32
    %sign3A_715 = arith.constant 0 : i32
    %sign3A_716 = arith.cmpi sgt, %squeeze3A_712, %sign3A_715 : i32
    %sign3A_717 = arith.extui %sign3A_716 : i1 to i32
    %sign3A_718 = arith.constant 0 : i32
    %sign3A_719 = arith.cmpi slt, %squeeze3A_712, %sign3A_718 : i32
    %sign3A_720 = arith.extui %sign3A_719 : i1 to i32
    %sign3A_721 = arith.subi %sign3A_717, %sign3A_720 : i32
    %sign3A_722 = arith.constant 0 : i32
    %sign3A_723 = arith.cmpi sgt, %jit3A_713, %sign3A_722 : i32
    %sign3A_724 = arith.extui %sign3A_723 : i1 to i32
    %sign3A_725 = arith.constant 0 : i32
    %sign3A_726 = arith.cmpi slt, %jit3A_713, %sign3A_725 : i32
    %sign3A_727 = arith.extui %sign3A_726 : i1 to i32
    %sign3A_728 = arith.subi %sign3A_724, %sign3A_727 : i32
    %ne3A_729 = arith.cmpi ne, %sign3A_721, %sign3A_728 : i32
    %rem3A_730 = arith.remsi %squeeze3A_712, %jit3A_713 : i32
    %ne3A_731 = arith.constant 0 : i32
    %ne3A_732 = arith.cmpi ne, %rem3A_730, %ne3A_731 : i32
    %and3A_733 = arith.andi %ne3A_729, %ne3A_732 : i1
    %sub3A_734 = arith.constant 1 : i32
    %sub3A_735 = arith.subi %div3A_714, %sub3A_734 : i32
    %select_n3A_736 = arith.select %and3A_733, %sub3A_735, %div3A_714 : i32
    %dma_wait3A_737 = arith.constant 0 : i32
    %dma_wait3A_738 = arith.constant 0 : i32
    %dma_wait3A_739 = tpu.memref_slice %arg3[%select_n3A_736, %dma_wait3A_737, %dma_wait3A_738] : memref<125000x8x32xf32, #tpu.memory_space<hbm>> -> memref<1x8x32xf32, #tpu.memory_space<hbm>>
    %dma_wait3A_740 = tpu.memref_squeeze %dma_wait3A_739 : memref<1x8x32xf32, #tpu.memory_space<hbm>> -> memref<8x32xf32, #tpu.memory_space<hbm>>
    %dma_wait3A_741 = arith.constant 0 : i32
    %dma_wait3A_742 = arith.constant 0 : i32
    %dma_wait3A_743 = tpu.memref_slice %arg3[%select_n3A_736, %dma_wait3A_741, %dma_wait3A_742] : memref<125000x8x32xf32, #tpu.memory_space<hbm>> -> memref<1x8x32xf32, #tpu.memory_space<hbm>>
    %dma_wait3A_744 = tpu.memref_squeeze %dma_wait3A_743 : memref<1x8x32xf32, #tpu.memory_space<hbm>> -> memref<8x32xf32, #tpu.memory_space<hbm>>
    tpu.wait_dma2 semaphore(%arg28 : memref<!tpu.dma_semaphore, #tpu.memory_space<semaphore_mem>>) src(%dma_wait3A_744 : memref<8x32xf32, #tpu.memory_space<hbm>>) dst(%arg12 : memref<8x32xf32, #tpu.memory_space<vmem>>)
    %slice3A_745 = vector.extract_strided_slice %scan3A_540 {offsets = [6], sizes = [1], strides = [1]} : vector<16xi32> to vector<1xi32>
    %squeeze3A_746 = vector.extract %slice3A_745[0] : i32 from vector<1xi32>
    %jit3A_747 = arith.constant 8 : i32
    %div3A_748 = arith.divsi %squeeze3A_746, %jit3A_747 : i32
    %sign3A_749 = arith.constant 0 : i32
    %sign3A_750 = arith.cmpi sgt, %squeeze3A_746, %sign3A_749 : i32
    %sign3A_751 = arith.extui %sign3A_750 : i1 to i32
    %sign3A_752 = arith.constant 0 : i32
    %sign3A_753 = arith.cmpi slt, %squeeze3A_746, %sign3A_752 : i32
    %sign3A_754 = arith.extui %sign3A_753 : i1 to i32
    %sign3A_755 = arith.subi %sign3A_751, %sign3A_754 : i32
    %sign3A_756 = arith.constant 0 : i32
    %sign3A_757 = arith.cmpi sgt, %jit3A_747, %sign3A_756 : i32
    %sign3A_758 = arith.extui %sign3A_757 : i1 to i32
    %sign3A_759 = arith.constant 0 : i32
    %sign3A_760 = arith.cmpi slt, %jit3A_747, %sign3A_759 : i32
    %sign3A_761 = arith.extui %sign3A_760 : i1 to i32
    %sign3A_762 = arith.subi %sign3A_758, %sign3A_761 : i32
    %ne3A_763 = arith.cmpi ne, %sign3A_755, %sign3A_762 : i32
    %rem3A_764 = arith.remsi %squeeze3A_746, %jit3A_747 : i32
    %ne3A_765 = arith.constant 0 : i32
    %ne3A_766 = arith.cmpi ne, %rem3A_764, %ne3A_765 : i32
    %and3A_767 = arith.andi %ne3A_763, %ne3A_766 : i1
    %sub3A_768 = arith.constant 1 : i32
    %sub3A_769 = arith.subi %div3A_748, %sub3A_768 : i32
    %select_n3A_770 = arith.select %and3A_767, %sub3A_769, %div3A_748 : i32
    %dma_wait3A_771 = arith.constant 0 : i32
    %dma_wait3A_772 = arith.constant 0 : i32
    %dma_wait3A_773 = tpu.memref_slice %arg3[%select_n3A_770, %dma_wait3A_771, %dma_wait3A_772] : memref<125000x8x32xf32, #tpu.memory_space<hbm>> -> memref<1x8x32xf32, #tpu.memory_space<hbm>>
    %dma_wait3A_774 = tpu.memref_squeeze %dma_wait3A_773 : memref<1x8x32xf32, #tpu.memory_space<hbm>> -> memref<8x32xf32, #tpu.memory_space<hbm>>
    %dma_wait3A_775 = arith.constant 0 : i32
    %dma_wait3A_776 = arith.constant 0 : i32
    %dma_wait3A_777 = tpu.memref_slice %arg3[%select_n3A_770, %dma_wait3A_775, %dma_wait3A_776] : memref<125000x8x32xf32, #tpu.memory_space<hbm>> -> memref<1x8x32xf32, #tpu.memory_space<hbm>>
    %dma_wait3A_778 = tpu.memref_squeeze %dma_wait3A_777 : memref<1x8x32xf32, #tpu.memory_space<hbm>> -> memref<8x32xf32, #tpu.memory_space<hbm>>
    tpu.wait_dma2 semaphore(%arg29 : memref<!tpu.dma_semaphore, #tpu.memory_space<semaphore_mem>>) src(%dma_wait3A_778 : memref<8x32xf32, #tpu.memory_space<hbm>>) dst(%arg13 : memref<8x32xf32, #tpu.memory_space<vmem>>)
    %slice3A_779 = vector.extract_strided_slice %scan3A_540 {offsets = [7], sizes = [1], strides = [1]} : vector<16xi32> to vector<1xi32>
    %squeeze3A_780 = vector.extract %slice3A_779[0] : i32 from vector<1xi32>
    %jit3A_781 = arith.constant 8 : i32
    %div3A_782 = arith.divsi %squeeze3A_780, %jit3A_781 : i32
    %sign3A_783 = arith.constant 0 : i32
    %sign3A_784 = arith.cmpi sgt, %squeeze3A_780, %sign3A_783 : i32
    %sign3A_785 = arith.extui %sign3A_784 : i1 to i32
    %sign3A_786 = arith.constant 0 : i32
    %sign3A_787 = arith.cmpi slt, %squeeze3A_780, %sign3A_786 : i32
    %sign3A_788 = arith.extui %sign3A_787 : i1 to i32
    %sign3A_789 = arith.subi %sign3A_785, %sign3A_788 : i32
    %sign3A_790 = arith.constant 0 : i32
    %sign3A_791 = arith.cmpi sgt, %jit3A_781, %sign3A_790 : i32
    %sign3A_792 = arith.extui %sign3A_791 : i1 to i32
    %sign3A_793 = arith.constant 0 : i32
    %sign3A_794 = arith.cmpi slt, %jit3A_781, %sign3A_793 : i32
    %sign3A_795 = arith.extui %sign3A_794 : i1 to i32
    %sign3A_796 = arith.subi %sign3A_792, %sign3A_795 : i32
    %ne3A_797 = arith.cmpi ne, %sign3A_789, %sign3A_796 : i32
    %rem3A_798 = arith.remsi %squeeze3A_780, %jit3A_781 : i32
    %ne3A_799 = arith.constant 0 : i32
    %ne3A_800 = arith.cmpi ne, %rem3A_798, %ne3A_799 : i32
    %and3A_801 = arith.andi %ne3A_797, %ne3A_800 : i1
    %sub3A_802 = arith.constant 1 : i32
    %sub3A_803 = arith.subi %div3A_782, %sub3A_802 : i32
    %select_n3A_804 = arith.select %and3A_801, %sub3A_803, %div3A_782 : i32
    %dma_wait3A_805 = arith.constant 0 : i32
    %dma_wait3A_806 = arith.constant 0 : i32
    %dma_wait3A_807 = tpu.memref_slice %arg3[%select_n3A_804, %dma_wait3A_805, %dma_wait3A_806] : memref<125000x8x32xf32, #tpu.memory_space<hbm>> -> memref<1x8x32xf32, #tpu.memory_space<hbm>>
    %dma_wait3A_808 = tpu.memref_squeeze %dma_wait3A_807 : memref<1x8x32xf32, #tpu.memory_space<hbm>> -> memref<8x32xf32, #tpu.memory_space<hbm>>
    %dma_wait3A_809 = arith.constant 0 : i32
    %dma_wait3A_810 = arith.constant 0 : i32
    %dma_wait3A_811 = tpu.memref_slice %arg3[%select_n3A_804, %dma_wait3A_809, %dma_wait3A_810] : memref<125000x8x32xf32, #tpu.memory_space<hbm>> -> memref<1x8x32xf32, #tpu.memory_space<hbm>>
    %dma_wait3A_812 = tpu.memref_squeeze %dma_wait3A_811 : memref<1x8x32xf32, #tpu.memory_space<hbm>> -> memref<8x32xf32, #tpu.memory_space<hbm>>
    tpu.wait_dma2 semaphore(%arg30 : memref<!tpu.dma_semaphore, #tpu.memory_space<semaphore_mem>>) src(%dma_wait3A_812 : memref<8x32xf32, #tpu.memory_space<hbm>>) dst(%arg14 : memref<8x32xf32, #tpu.memory_space<vmem>>)
    %slice3A_813 = vector.extract_strided_slice %scan3A_540 {offsets = [8], sizes = [1], strides = [1]} : vector<16xi32> to vector<1xi32>
    %squeeze3A_814 = vector.extract %slice3A_813[0] : i32 from vector<1xi32>
    %jit3A_815 = arith.constant 8 : i32
    %div3A_816 = arith.divsi %squeeze3A_814, %jit3A_815 : i32
    %sign3A_817 = arith.constant 0 : i32
    %sign3A_818 = arith.cmpi sgt, %squeeze3A_814, %sign3A_817 : i32
    %sign3A_819 = arith.extui %sign3A_818 : i1 to i32
    %sign3A_820 = arith.constant 0 : i32
    %sign3A_821 = arith.cmpi slt, %squeeze3A_814, %sign3A_820 : i32
    %sign3A_822 = arith.extui %sign3A_821 : i1 to i32
    %sign3A_823 = arith.subi %sign3A_819, %sign3A_822 : i32
    %sign3A_824 = arith.constant 0 : i32
    %sign3A_825 = arith.cmpi sgt, %jit3A_815, %sign3A_824 : i32
    %sign3A_826 = arith.extui %sign3A_825 : i1 to i32
    %sign3A_827 = arith.constant 0 : i32
    %sign3A_828 = arith.cmpi slt, %jit3A_815, %sign3A_827 : i32
    %sign3A_829 = arith.extui %sign3A_828 : i1 to i32
    %sign3A_830 = arith.subi %sign3A_826, %sign3A_829 : i32
    %ne3A_831 = arith.cmpi ne, %sign3A_823, %sign3A_830 : i32
    %rem3A_832 = arith.remsi %squeeze3A_814, %jit3A_815 : i32
    %ne3A_833 = arith.constant 0 : i32
    %ne3A_834 = arith.cmpi ne, %rem3A_832, %ne3A_833 : i32
    %and3A_835 = arith.andi %ne3A_831, %ne3A_834 : i1
    %sub3A_836 = arith.constant 1 : i32
    %sub3A_837 = arith.subi %div3A_816, %sub3A_836 : i32
    %select_n3A_838 = arith.select %and3A_835, %sub3A_837, %div3A_816 : i32
    %dma_wait3A_839 = arith.constant 0 : i32
    %dma_wait3A_840 = arith.constant 0 : i32
    %dma_wait3A_841 = tpu.memref_slice %arg3[%select_n3A_838, %dma_wait3A_839, %dma_wait3A_840] : memref<125000x8x32xf32, #tpu.memory_space<hbm>> -> memref<1x8x32xf32, #tpu.memory_space<hbm>>
    %dma_wait3A_842 = tpu.memref_squeeze %dma_wait3A_841 : memref<1x8x32xf32, #tpu.memory_space<hbm>> -> memref<8x32xf32, #tpu.memory_space<hbm>>
    %dma_wait3A_843 = arith.constant 0 : i32
    %dma_wait3A_844 = arith.constant 0 : i32
    %dma_wait3A_845 = tpu.memref_slice %arg3[%select_n3A_838, %dma_wait3A_843, %dma_wait3A_844] : memref<125000x8x32xf32, #tpu.memory_space<hbm>> -> memref<1x8x32xf32, #tpu.memory_space<hbm>>
    %dma_wait3A_846 = tpu.memref_squeeze %dma_wait3A_845 : memref<1x8x32xf32, #tpu.memory_space<hbm>> -> memref<8x32xf32, #tpu.memory_space<hbm>>
    tpu.wait_dma2 semaphore(%arg31 : memref<!tpu.dma_semaphore, #tpu.memory_space<semaphore_mem>>) src(%dma_wait3A_846 : memref<8x32xf32, #tpu.memory_space<hbm>>) dst(%arg15 : memref<8x32xf32, #tpu.memory_space<vmem>>)
    %slice3A_847 = vector.extract_strided_slice %scan3A_540 {offsets = [9], sizes = [1], strides = [1]} : vector<16xi32> to vector<1xi32>
    %squeeze3A_848 = vector.extract %slice3A_847[0] : i32 from vector<1xi32>
    %jit3A_849 = arith.constant 8 : i32
    %div3A_850 = arith.divsi %squeeze3A_848, %jit3A_849 : i32
    %sign3A_851 = arith.constant 0 : i32
    %sign3A_852 = arith.cmpi sgt, %squeeze3A_848, %sign3A_851 : i32
    %sign3A_853 = arith.extui %sign3A_852 : i1 to i32
    %sign3A_854 = arith.constant 0 : i32
    %sign3A_855 = arith.cmpi slt, %squeeze3A_848, %sign3A_854 : i32
    %sign3A_856 = arith.extui %sign3A_855 : i1 to i32
    %sign3A_857 = arith.subi %sign3A_853, %sign3A_856 : i32
    %sign3A_858 = arith.constant 0 : i32
    %sign3A_859 = arith.cmpi sgt, %jit3A_849, %sign3A_858 : i32
    %sign3A_860 = arith.extui %sign3A_859 : i1 to i32
    %sign3A_861 = arith.constant 0 : i32
    %sign3A_862 = arith.cmpi slt, %jit3A_849, %sign3A_861 : i32
    %sign3A_863 = arith.extui %sign3A_862 : i1 to i32
    %sign3A_864 = arith.subi %sign3A_860, %sign3A_863 : i32
    %ne3A_865 = arith.cmpi ne, %sign3A_857, %sign3A_864 : i32
    %rem3A_866 = arith.remsi %squeeze3A_848, %jit3A_849 : i32
    %ne3A_867 = arith.constant 0 : i32
    %ne3A_868 = arith.cmpi ne, %rem3A_866, %ne3A_867 : i32
    %and3A_869 = arith.andi %ne3A_865, %ne3A_868 : i1
    %sub3A_870 = arith.constant 1 : i32
    %sub3A_871 = arith.subi %div3A_850, %sub3A_870 : i32
    %select_n3A_872 = arith.select %and3A_869, %sub3A_871, %div3A_850 : i32
    %dma_wait3A_873 = arith.constant 0 : i32
    %dma_wait3A_874 = arith.constant 0 : i32
    %dma_wait3A_875 = tpu.memref_slice %arg3[%select_n3A_872, %dma_wait3A_873, %dma_wait3A_874] : memref<125000x8x32xf32, #tpu.memory_space<hbm>> -> memref<1x8x32xf32, #tpu.memory_space<hbm>>
    %dma_wait3A_876 = tpu.memref_squeeze %dma_wait3A_875 : memref<1x8x32xf32, #tpu.memory_space<hbm>> -> memref<8x32xf32, #tpu.memory_space<hbm>>
    %dma_wait3A_877 = arith.constant 0 : i32
    %dma_wait3A_878 = arith.constant 0 : i32
    %dma_wait3A_879 = tpu.memref_slice %arg3[%select_n3A_872, %dma_wait3A_877, %dma_wait3A_878] : memref<125000x8x32xf32, #tpu.memory_space<hbm>> -> memref<1x8x32xf32, #tpu.memory_space<hbm>>
    %dma_wait3A_880 = tpu.memref_squeeze %dma_wait3A_879 : memref<1x8x32xf32, #tpu.memory_space<hbm>> -> memref<8x32xf32, #tpu.memory_space<hbm>>
    tpu.wait_dma2 semaphore(%arg32 : memref<!tpu.dma_semaphore, #tpu.memory_space<semaphore_mem>>) src(%dma_wait3A_880 : memref<8x32xf32, #tpu.memory_space<hbm>>) dst(%arg16 : memref<8x32xf32, #tpu.memory_space<vmem>>)
    %slice3A_881 = vector.extract_strided_slice %scan3A_540 {offsets = [10], sizes = [1], strides = [1]} : vector<16xi32> to vector<1xi32>
    %squeeze3A_882 = vector.extract %slice3A_881[0] : i32 from vector<1xi32>
    %jit3A_883 = arith.constant 8 : i32
    %div3A_884 = arith.divsi %squeeze3A_882, %jit3A_883 : i32
    %sign3A_885 = arith.constant 0 : i32
    %sign3A_886 = arith.cmpi sgt, %squeeze3A_882, %sign3A_885 : i32
    %sign3A_887 = arith.extui %sign3A_886 : i1 to i32
    %sign3A_888 = arith.constant 0 : i32
    %sign3A_889 = arith.cmpi slt, %squeeze3A_882, %sign3A_888 : i32
    %sign3A_890 = arith.extui %sign3A_889 : i1 to i32
    %sign3A_891 = arith.subi %sign3A_887, %sign3A_890 : i32
    %sign3A_892 = arith.constant 0 : i32
    %sign3A_893 = arith.cmpi sgt, %jit3A_883, %sign3A_892 : i32
    %sign3A_894 = arith.extui %sign3A_893 : i1 to i32
    %sign3A_895 = arith.constant 0 : i32
    %sign3A_896 = arith.cmpi slt, %jit3A_883, %sign3A_895 : i32
    %sign3A_897 = arith.extui %sign3A_896 : i1 to i32
    %sign3A_898 = arith.subi %sign3A_894, %sign3A_897 : i32
    %ne3A_899 = arith.cmpi ne, %sign3A_891, %sign3A_898 : i32
    %rem3A_900 = arith.remsi %squeeze3A_882, %jit3A_883 : i32
    %ne3A_901 = arith.constant 0 : i32
    %ne3A_902 = arith.cmpi ne, %rem3A_900, %ne3A_901 : i32
    %and3A_903 = arith.andi %ne3A_899, %ne3A_902 : i1
    %sub3A_904 = arith.constant 1 : i32
    %sub3A_905 = arith.subi %div3A_884, %sub3A_904 : i32
    %select_n3A_906 = arith.select %and3A_903, %sub3A_905, %div3A_884 : i32
    %dma_wait3A_907 = arith.constant 0 : i32
    %dma_wait3A_908 = arith.constant 0 : i32
    %dma_wait3A_909 = tpu.memref_slice %arg3[%select_n3A_906, %dma_wait3A_907, %dma_wait3A_908] : memref<125000x8x32xf32, #tpu.memory_space<hbm>> -> memref<1x8x32xf32, #tpu.memory_space<hbm>>
    %dma_wait3A_910 = tpu.memref_squeeze %dma_wait3A_909 : memref<1x8x32xf32, #tpu.memory_space<hbm>> -> memref<8x32xf32, #tpu.memory_space<hbm>>
    %dma_wait3A_911 = arith.constant 0 : i32
    %dma_wait3A_912 = arith.constant 0 : i32
    %dma_wait3A_913 = tpu.memref_slice %arg3[%select_n3A_906, %dma_wait3A_911, %dma_wait3A_912] : memref<125000x8x32xf32, #tpu.memory_space<hbm>> -> memref<1x8x32xf32, #tpu.memory_space<hbm>>
    %dma_wait3A_914 = tpu.memref_squeeze %dma_wait3A_913 : memref<1x8x32xf32, #tpu.memory_space<hbm>> -> memref<8x32xf32, #tpu.memory_space<hbm>>
    tpu.wait_dma2 semaphore(%arg33 : memref<!tpu.dma_semaphore, #tpu.memory_space<semaphore_mem>>) src(%dma_wait3A_914 : memref<8x32xf32, #tpu.memory_space<hbm>>) dst(%arg17 : memref<8x32xf32, #tpu.memory_space<vmem>>)
    %slice3A_915 = vector.extract_strided_slice %scan3A_540 {offsets = [11], sizes = [1], strides = [1]} : vector<16xi32> to vector<1xi32>
    %squeeze3A_916 = vector.extract %slice3A_915[0] : i32 from vector<1xi32>
    %jit3A_917 = arith.constant 8 : i32
    %div3A_918 = arith.divsi %squeeze3A_916, %jit3A_917 : i32
    %sign3A_919 = arith.constant 0 : i32
    %sign3A_920 = arith.cmpi sgt, %squeeze3A_916, %sign3A_919 : i32
    %sign3A_921 = arith.extui %sign3A_920 : i1 to i32
    %sign3A_922 = arith.constant 0 : i32
    %sign3A_923 = arith.cmpi slt, %squeeze3A_916, %sign3A_922 : i32
    %sign3A_924 = arith.extui %sign3A_923 : i1 to i32
    %sign3A_925 = arith.subi %sign3A_921, %sign3A_924 : i32
    %sign3A_926 = arith.constant 0 : i32
    %sign3A_927 = arith.cmpi sgt, %jit3A_917, %sign3A_926 : i32
    %sign3A_928 = arith.extui %sign3A_927 : i1 to i32
    %sign3A_929 = arith.constant 0 : i32
    %sign3A_930 = arith.cmpi slt, %jit3A_917, %sign3A_929 : i32
    %sign3A_931 = arith.extui %sign3A_930 : i1 to i32
    %sign3A_932 = arith.subi %sign3A_928, %sign3A_931 : i32
    %ne3A_933 = arith.cmpi ne, %sign3A_925, %sign3A_932 : i32
    %rem3A_934 = arith.remsi %squeeze3A_916, %jit3A_917 : i32
    %ne3A_935 = arith.constant 0 : i32
    %ne3A_936 = arith.cmpi ne, %rem3A_934, %ne3A_935 : i32
    %and3A_937 = arith.andi %ne3A_933, %ne3A_936 : i1
    %sub3A_938 = arith.constant 1 : i32
    %sub3A_939 = arith.subi %div3A_918, %sub3A_938 : i32
    %select_n3A_940 = arith.select %and3A_937, %sub3A_939, %div3A_918 : i32
    %dma_wait3A_941 = arith.constant 0 : i32
    %dma_wait3A_942 = arith.constant 0 : i32
    %dma_wait3A_943 = tpu.memref_slice %arg3[%select_n3A_940, %dma_wait3A_941, %dma_wait3A_942] : memref<125000x8x32xf32, #tpu.memory_space<hbm>> -> memref<1x8x32xf32, #tpu.memory_space<hbm>>
    %dma_wait3A_944 = tpu.memref_squeeze %dma_wait3A_943 : memref<1x8x32xf32, #tpu.memory_space<hbm>> -> memref<8x32xf32, #tpu.memory_space<hbm>>
    %dma_wait3A_945 = arith.constant 0 : i32
    %dma_wait3A_946 = arith.constant 0 : i32
    %dma_wait3A_947 = tpu.memref_slice %arg3[%select_n3A_940, %dma_wait3A_945, %dma_wait3A_946] : memref<125000x8x32xf32, #tpu.memory_space<hbm>> -> memref<1x8x32xf32, #tpu.memory_space<hbm>>
    %dma_wait3A_948 = tpu.memref_squeeze %dma_wait3A_947 : memref<1x8x32xf32, #tpu.memory_space<hbm>> -> memref<8x32xf32, #tpu.memory_space<hbm>>
    tpu.wait_dma2 semaphore(%arg34 : memref<!tpu.dma_semaphore, #tpu.memory_space<semaphore_mem>>) src(%dma_wait3A_948 : memref<8x32xf32, #tpu.memory_space<hbm>>) dst(%arg18 : memref<8x32xf32, #tpu.memory_space<vmem>>)
    %slice3A_949 = vector.extract_strided_slice %scan3A_540 {offsets = [12], sizes = [1], strides = [1]} : vector<16xi32> to vector<1xi32>
    %squeeze3A_950 = vector.extract %slice3A_949[0] : i32 from vector<1xi32>
    %jit3A_951 = arith.constant 8 : i32
    %div3A_952 = arith.divsi %squeeze3A_950, %jit3A_951 : i32
    %sign3A_953 = arith.constant 0 : i32
    %sign3A_954 = arith.cmpi sgt, %squeeze3A_950, %sign3A_953 : i32
    %sign3A_955 = arith.extui %sign3A_954 : i1 to i32
    %sign3A_956 = arith.constant 0 : i32
    %sign3A_957 = arith.cmpi slt, %squeeze3A_950, %sign3A_956 : i32
    %sign3A_958 = arith.extui %sign3A_957 : i1 to i32
    %sign3A_959 = arith.subi %sign3A_955, %sign3A_958 : i32
    %sign3A_960 = arith.constant 0 : i32
    %sign3A_961 = arith.cmpi sgt, %jit3A_951, %sign3A_960 : i32
    %sign3A_962 = arith.extui %sign3A_961 : i1 to i32
    %sign3A_963 = arith.constant 0 : i32
    %sign3A_964 = arith.cmpi slt, %jit3A_951, %sign3A_963 : i32
    %sign3A_965 = arith.extui %sign3A_964 : i1 to i32
    %sign3A_966 = arith.subi %sign3A_962, %sign3A_965 : i32
    %ne3A_967 = arith.cmpi ne, %sign3A_959, %sign3A_966 : i32
    %rem3A_968 = arith.remsi %squeeze3A_950, %jit3A_951 : i32
    %ne3A_969 = arith.constant 0 : i32
    %ne3A_970 = arith.cmpi ne, %rem3A_968, %ne3A_969 : i32
    %and3A_971 = arith.andi %ne3A_967, %ne3A_970 : i1
    %sub3A_972 = arith.constant 1 : i32
    %sub3A_973 = arith.subi %div3A_952, %sub3A_972 : i32
    %select_n3A_974 = arith.select %and3A_971, %sub3A_973, %div3A_952 : i32
    %dma_wait3A_975 = arith.constant 0 : i32
    %dma_wait3A_976 = arith.constant 0 : i32
    %dma_wait3A_977 = tpu.memref_slice %arg3[%select_n3A_974, %dma_wait3A_975, %dma_wait3A_976] : memref<125000x8x32xf32, #tpu.memory_space<hbm>> -> memref<1x8x32xf32, #tpu.memory_space<hbm>>
    %dma_wait3A_978 = tpu.memref_squeeze %dma_wait3A_977 : memref<1x8x32xf32, #tpu.memory_space<hbm>> -> memref<8x32xf32, #tpu.memory_space<hbm>>
    %dma_wait3A_979 = arith.constant 0 : i32
    %dma_wait3A_980 = arith.constant 0 : i32
    %dma_wait3A_981 = tpu.memref_slice %arg3[%select_n3A_974, %dma_wait3A_979, %dma_wait3A_980] : memref<125000x8x32xf32, #tpu.memory_space<hbm>> -> memref<1x8x32xf32, #tpu.memory_space<hbm>>
    %dma_wait3A_982 = tpu.memref_squeeze %dma_wait3A_981 : memref<1x8x32xf32, #tpu.memory_space<hbm>> -> memref<8x32xf32, #tpu.memory_space<hbm>>
    tpu.wait_dma2 semaphore(%arg35 : memref<!tpu.dma_semaphore, #tpu.memory_space<semaphore_mem>>) src(%dma_wait3A_982 : memref<8x32xf32, #tpu.memory_space<hbm>>) dst(%arg19 : memref<8x32xf32, #tpu.memory_space<vmem>>)
    %slice3A_983 = vector.extract_strided_slice %scan3A_540 {offsets = [13], sizes = [1], strides = [1]} : vector<16xi32> to vector<1xi32>
    %squeeze3A_984 = vector.extract %slice3A_983[0] : i32 from vector<1xi32>
    %jit3A_985 = arith.constant 8 : i32
    %div3A_986 = arith.divsi %squeeze3A_984, %jit3A_985 : i32
    %sign3A_987 = arith.constant 0 : i32
    %sign3A_988 = arith.cmpi sgt, %squeeze3A_984, %sign3A_987 : i32
    %sign3A_989 = arith.extui %sign3A_988 : i1 to i32
    %sign3A_990 = arith.constant 0 : i32
    %sign3A_991 = arith.cmpi slt, %squeeze3A_984, %sign3A_990 : i32
    %sign3A_992 = arith.extui %sign3A_991 : i1 to i32
    %sign3A_993 = arith.subi %sign3A_989, %sign3A_992 : i32
    %sign3A_994 = arith.constant 0 : i32
    %sign3A_995 = arith.cmpi sgt, %jit3A_985, %sign3A_994 : i32
    %sign3A_996 = arith.extui %sign3A_995 : i1 to i32
    %sign3A_997 = arith.constant 0 : i32
    %sign3A_998 = arith.cmpi slt, %jit3A_985, %sign3A_997 : i32
    %sign3A_999 = arith.extui %sign3A_998 : i1 to i32
    %sign3A_1000 = arith.subi %sign3A_996, %sign3A_999 : i32
    %ne3A_1001 = arith.cmpi ne, %sign3A_993, %sign3A_1000 : i32
    %rem3A_1002 = arith.remsi %squeeze3A_984, %jit3A_985 : i32
    %ne3A_1003 = arith.constant 0 : i32
    %ne3A_1004 = arith.cmpi ne, %rem3A_1002, %ne3A_1003 : i32
    %and3A_1005 = arith.andi %ne3A_1001, %ne3A_1004 : i1
    %sub3A_1006 = arith.constant 1 : i32
    %sub3A_1007 = arith.subi %div3A_986, %sub3A_1006 : i32
    %select_n3A_1008 = arith.select %and3A_1005, %sub3A_1007, %div3A_986 : i32
    %dma_wait3A_1009 = arith.constant 0 : i32
    %dma_wait3A_1010 = arith.constant 0 : i32
    %dma_wait3A_1011 = tpu.memref_slice %arg3[%select_n3A_1008, %dma_wait3A_1009, %dma_wait3A_1010] : memref<125000x8x32xf32, #tpu.memory_space<hbm>> -> memref<1x8x32xf32, #tpu.memory_space<hbm>>
    %dma_wait3A_1012 = tpu.memref_squeeze %dma_wait3A_1011 : memref<1x8x32xf32, #tpu.memory_space<hbm>> -> memref<8x32xf32, #tpu.memory_space<hbm>>
    %dma_wait3A_1013 = arith.constant 0 : i32
    %dma_wait3A_1014 = arith.constant 0 : i32
    %dma_wait3A_1015 = tpu.memref_slice %arg3[%select_n3A_1008, %dma_wait3A_1013, %dma_wait3A_1014] : memref<125000x8x32xf32, #tpu.memory_space<hbm>> -> memref<1x8x32xf32, #tpu.memory_space<hbm>>
    %dma_wait3A_1016 = tpu.memref_squeeze %dma_wait3A_1015 : memref<1x8x32xf32, #tpu.memory_space<hbm>> -> memref<8x32xf32, #tpu.memory_space<hbm>>
    tpu.wait_dma2 semaphore(%arg36 : memref<!tpu.dma_semaphore, #tpu.memory_space<semaphore_mem>>) src(%dma_wait3A_1016 : memref<8x32xf32, #tpu.memory_space<hbm>>) dst(%arg20 : memref<8x32xf32, #tpu.memory_space<vmem>>)
    %slice3A_1017 = vector.extract_strided_slice %scan3A_540 {offsets = [14], sizes = [1], strides = [1]} : vector<16xi32> to vector<1xi32>
    %squeeze3A_1018 = vector.extract %slice3A_1017[0] : i32 from vector<1xi32>
    %jit3A_1019 = arith.constant 8 : i32
    %div3A_1020 = arith.divsi %squeeze3A_1018, %jit3A_1019 : i32
    %sign3A_1021 = arith.constant 0 : i32
    %sign3A_1022 = arith.cmpi sgt, %squeeze3A_1018, %sign3A_1021 : i32
    %sign3A_1023 = arith.extui %sign3A_1022 : i1 to i32
    %sign3A_1024 = arith.constant 0 : i32
    %sign3A_1025 = arith.cmpi slt, %squeeze3A_1018, %sign3A_1024 : i32
    %sign3A_1026 = arith.extui %sign3A_1025 : i1 to i32
    %sign3A_1027 = arith.subi %sign3A_1023, %sign3A_1026 : i32
    %sign3A_1028 = arith.constant 0 : i32
    %sign3A_1029 = arith.cmpi sgt, %jit3A_1019, %sign3A_1028 : i32
    %sign3A_1030 = arith.extui %sign3A_1029 : i1 to i32
    %sign3A_1031 = arith.constant 0 : i32
    %sign3A_1032 = arith.cmpi slt, %jit3A_1019, %sign3A_1031 : i32
    %sign3A_1033 = arith.extui %sign3A_1032 : i1 to i32
    %sign3A_1034 = arith.subi %sign3A_1030, %sign3A_1033 : i32
    %ne3A_1035 = arith.cmpi ne, %sign3A_1027, %sign3A_1034 : i32
    %rem3A_1036 = arith.remsi %squeeze3A_1018, %jit3A_1019 : i32
    %ne3A_1037 = arith.constant 0 : i32
    %ne3A_1038 = arith.cmpi ne, %rem3A_1036, %ne3A_1037 : i32
    %and3A_1039 = arith.andi %ne3A_1035, %ne3A_1038 : i1
    %sub3A_1040 = arith.constant 1 : i32
    %sub3A_1041 = arith.subi %div3A_1020, %sub3A_1040 : i32
    %select_n3A_1042 = arith.select %and3A_1039, %sub3A_1041, %div3A_1020 : i32
    %dma_wait3A_1043 = arith.constant 0 : i32
    %dma_wait3A_1044 = arith.constant 0 : i32
    %dma_wait3A_1045 = tpu.memref_slice %arg3[%select_n3A_1042, %dma_wait3A_1043, %dma_wait3A_1044] : memref<125000x8x32xf32, #tpu.memory_space<hbm>> -> memref<1x8x32xf32, #tpu.memory_space<hbm>>
    %dma_wait3A_1046 = tpu.memref_squeeze %dma_wait3A_1045 : memref<1x8x32xf32, #tpu.memory_space<hbm>> -> memref<8x32xf32, #tpu.memory_space<hbm>>
    %dma_wait3A_1047 = arith.constant 0 : i32
    %dma_wait3A_1048 = arith.constant 0 : i32
    %dma_wait3A_1049 = tpu.memref_slice %arg3[%select_n3A_1042, %dma_wait3A_1047, %dma_wait3A_1048] : memref<125000x8x32xf32, #tpu.memory_space<hbm>> -> memref<1x8x32xf32, #tpu.memory_space<hbm>>
    %dma_wait3A_1050 = tpu.memref_squeeze %dma_wait3A_1049 : memref<1x8x32xf32, #tpu.memory_space<hbm>> -> memref<8x32xf32, #tpu.memory_space<hbm>>
    tpu.wait_dma2 semaphore(%arg37 : memref<!tpu.dma_semaphore, #tpu.memory_space<semaphore_mem>>) src(%dma_wait3A_1050 : memref<8x32xf32, #tpu.memory_space<hbm>>) dst(%arg21 : memref<8x32xf32, #tpu.memory_space<vmem>>)
    %slice3A_1051 = vector.extract_strided_slice %scan3A_540 {offsets = [15], sizes = [1], strides = [1]} : vector<16xi32> to vector<1xi32>
    %squeeze3A_1052 = vector.extract %slice3A_1051[0] : i32 from vector<1xi32>
    %jit3A_1053 = arith.constant 8 : i32
    %div3A_1054 = arith.divsi %squeeze3A_1052, %jit3A_1053 : i32
    %sign3A_1055 = arith.constant 0 : i32
    %sign3A_1056 = arith.cmpi sgt, %squeeze3A_1052, %sign3A_1055 : i32
    %sign3A_1057 = arith.extui %sign3A_1056 : i1 to i32
    %sign3A_1058 = arith.constant 0 : i32
    %sign3A_1059 = arith.cmpi slt, %squeeze3A_1052, %sign3A_1058 : i32
    %sign3A_1060 = arith.extui %sign3A_1059 : i1 to i32
    %sign3A_1061 = arith.subi %sign3A_1057, %sign3A_1060 : i32
    %sign3A_1062 = arith.constant 0 : i32
    %sign3A_1063 = arith.cmpi sgt, %jit3A_1053, %sign3A_1062 : i32
    %sign3A_1064 = arith.extui %sign3A_1063 : i1 to i32
    %sign3A_1065 = arith.constant 0 : i32
    %sign3A_1066 = arith.cmpi slt, %jit3A_1053, %sign3A_1065 : i32
    %sign3A_1067 = arith.extui %sign3A_1066 : i1 to i32
    %sign3A_1068 = arith.subi %sign3A_1064, %sign3A_1067 : i32
    %ne3A_1069 = arith.cmpi ne, %sign3A_1061, %sign3A_1068 : i32
    %rem3A_1070 = arith.remsi %squeeze3A_1052, %jit3A_1053 : i32
    %ne3A_1071 = arith.constant 0 : i32
    %ne3A_1072 = arith.cmpi ne, %rem3A_1070, %ne3A_1071 : i32
    %and3A_1073 = arith.andi %ne3A_1069, %ne3A_1072 : i1
    %sub3A_1074 = arith.constant 1 : i32
    %sub3A_1075 = arith.subi %div3A_1054, %sub3A_1074 : i32
    %select_n3A_1076 = arith.select %and3A_1073, %sub3A_1075, %div3A_1054 : i32
    %dma_wait3A_1077 = arith.constant 0 : i32
    %dma_wait3A_1078 = arith.constant 0 : i32
    %dma_wait3A_1079 = tpu.memref_slice %arg3[%select_n3A_1076, %dma_wait3A_1077, %dma_wait3A_1078] : memref<125000x8x32xf32, #tpu.memory_space<hbm>> -> memref<1x8x32xf32, #tpu.memory_space<hbm>>
    %dma_wait3A_1080 = tpu.memref_squeeze %dma_wait3A_1079 : memref<1x8x32xf32, #tpu.memory_space<hbm>> -> memref<8x32xf32, #tpu.memory_space<hbm>>
    %dma_wait3A_1081 = arith.constant 0 : i32
    %dma_wait3A_1082 = arith.constant 0 : i32
    %dma_wait3A_1083 = tpu.memref_slice %arg3[%select_n3A_1076, %dma_wait3A_1081, %dma_wait3A_1082] : memref<125000x8x32xf32, #tpu.memory_space<hbm>> -> memref<1x8x32xf32, #tpu.memory_space<hbm>>
    %dma_wait3A_1084 = tpu.memref_squeeze %dma_wait3A_1083 : memref<1x8x32xf32, #tpu.memory_space<hbm>> -> memref<8x32xf32, #tpu.memory_space<hbm>>
    tpu.wait_dma2 semaphore(%arg38 : memref<!tpu.dma_semaphore, #tpu.memory_space<semaphore_mem>>) src(%dma_wait3A_1084 : memref<8x32xf32, #tpu.memory_space<hbm>>) dst(%arg22 : memref<8x32xf32, #tpu.memory_space<vmem>>)
    %mul3A_1085 = arith.constant 128 : i32
    %mul3A_1086 = arith.muli %add3A, %mul3A_1085 : i32
    "tpu.region"() ({
      %run_scoped3A = tpu.sem_alloc : memref<!tpu.dma_semaphore, #tpu.memory_space<semaphore_mem>>
      %dma_start3A_1087 = arith.constant 0 : i32
      %dma_start3A_1088 = tpu.memref_slice %arg4[%mul3A_1086, %dma_start3A_1087] : memref<4096x128xf32, #tpu.memory_space<hbm>> -> memref<128x128xf32, #tpu.memory_space<hbm>>
      %dma_start3A_1089 = arith.constant 0 : i32
      %dma_start3A_1090 = tpu.memref_slice %arg4[%mul3A_1086, %dma_start3A_1089] : memref<4096x128xf32, #tpu.memory_space<hbm>> -> memref<128x128xf32, #tpu.memory_space<hbm>>
      tpu.enqueue_dma source(%arg6 : memref<128x128xf32, #tpu.memory_space<vmem>>) target(%dma_start3A_1090 : memref<128x128xf32, #tpu.memory_space<hbm>>) target_semaphore(%run_scoped3A : memref<!tpu.dma_semaphore, #tpu.memory_space<semaphore_mem>>)
      %dma_wait3A_1091 = arith.constant 0 : i32
      %dma_wait3A_1092 = tpu.memref_slice %arg4[%mul3A_1086, %dma_wait3A_1091] : memref<4096x128xf32, #tpu.memory_space<hbm>> -> memref<128x128xf32, #tpu.memory_space<hbm>>
      %dma_wait3A_1093 = arith.constant 0 : i32
      %dma_wait3A_1094 = tpu.memref_slice %arg4[%mul3A_1086, %dma_wait3A_1093] : memref<4096x128xf32, #tpu.memory_space<hbm>> -> memref<128x128xf32, #tpu.memory_space<hbm>>
      tpu.wait_dma2 semaphore(%run_scoped3A : memref<!tpu.dma_semaphore, #tpu.memory_space<semaphore_mem>>) src(%arg6 : memref<128x128xf32, #tpu.memory_space<vmem>>) dst(%dma_wait3A_1094 : memref<128x128xf32, #tpu.memory_space<hbm>>)
      tpu.yield
    }) : () -> ()
    return
  }
}

</mosaic_0001>

<sc_bundles>
// kernel: _sc_tgt_rows.3.cloned.1.call-start
scs
__scs_entry_jumppad:
0x0: {  	(pc) =	sbr.rel $0x88, $3  }
0x1: {  	(tag) =	ssettag $0x0;
	lr =	simm.s32 $0x1  }
0x2: {  	[smem:$0x3F9F] =	sst lr;
	_ =	strace $0xD0000000  }
0x3: {  	_ = 	snop  }
0x4: {  	_ = 	snop  }
0x5: {  	_ = 	snop  }
0x6: {  	_ = 	snop  }
0x7: {  	_ = 	snop  }
__scs_overlays_trampoline_lowered:
0x8: {  	[smem:$0x3FAE] =	sst s0  }
0x9: {  	[smem:$0x3FAF] =	sst s1  }
0xa: {  	[smem:$0x3FB0] =	sst s2  }
0xb: {  	[smem:$0x3FB1] =	sst s3  }
0xc: {  	[smem:$0x3FB2] =	sst s4  }
0xd: {  	[smem:$0x3FB3] =	sst s5  }
0xe: {  	[smem:$0x3FB4] =	sst s6  }
0xf: {  	[smem:$0x3FB5] =	sst s7  }
0x10: {  	[smem:$0x3FB6] =	sst s8  }
0x11: {  	[smem:$0x3FB7] =	sst s9;
	s0 =	simm.s32 @!p0 $0x0  }
0x12: {  	s1 =	sld [smem:$0x3F9D];
	s0 =	simm.s32 @p0 $0x1  }
0x13: {  	[smem:$0x3FB8] =	sst s0;
	s0 =	simm.s32 @!p1 $0x0  }
0x14: {  	s2 =	sld [smem:$0x3F9C];
	s0 =	simm.s32 @p1 $0x1  }
0x15: {  	[smem:$0x3FB9] =	sst s0;
	s0 =	simm.s32 @!p2 $0x0  }
0x16: {  	s3 =	sld [smem:$0x3FDB];
	s0 =	simm.s32 @p2 $0x1  }
0x17: {  	s4 =	simm.s32 $0x1BF5;
	[smem:$0x3FBB] =	sst s0  }
0x18: {  	s0 =	sld [smem:$0x3F9E];
	_ =	swait.ge [sflag:s4], $0x0  }
0x19: {  	s7 =	sld [smem:$0x3F9F]  }
0x1a: {  	s8 =	sadd.s32 $0xFFFFE003, lr  }
0x1b: {  	s9 =	sadd.s32 $0xFFFFFEF7, lr;
	s5 =	simm.s32 $0xFFFFFFFF;
	p2 =	slt.u32 s8, $0xFFFFF086  }
0x1c: {  	p1 =	slt.u32 s9, $0xF7A;
	s5 =	simm.s32 @!p2 $0x0  }
0x1d: {  	s5 =	simm.s32 @p1 $0x1;
	p0 =	seq.s32 s7, s2  }
0x1e: {  	s7 =	smul.u32 @!p0 $0xF7A, s2;
	p2 =	seq.s32 @!p0 s5, $0x0  }
0x1f: {  	s9 =	smul.u32 $0xF7A, s1;
	s8 =	simm.s32 @!p0 $0x1BF5;
	p2 =	por !p2, p0  }
0x20: {  	[sflag:s8] =	ssyncset.s32 @!p0 $0xFFFFF086;
	s6 =	sadd.s32 @!p0 s3, s7;
	s7 =	simm.s32 @!p0 $0x108  }
0x21: {  	s3 =	sadd.s32 s3, s9;
	s6 =	sadd.s32 @!p0 $0x88, s6;
	s7 =	simm.s32 @p2 $0x1082  }
0x22: {  	[simem:s7], [sflag:s8] =	dma.local @!p0 [hbm:s6], $0xF7A  }
0x23: {  	s9 =	sor.u32 $0xD0000000, s2;
	s6 =	simm.s32 $0x108;
	_ =	swait.ge @!p0 [sflag:s8], $0x0  }
0x24: {  	s3 =	sadd.s32 $0x88, s3;
	s6 =	simm.s32 @!p1 $0x1082;
	[sflag:s4] =	ssyncset.s32 $0xFFFFF086  }
0x25: {  	[simem:s6], [sflag:s4] =	dma.local [hbm:s3], $0xF7A  }
0x26: {  	[smem:$0x3F9F] =	sst s1;
	(tag) =	ssettag s2;
	_ =	strace s9  }
0x27: {  	s1 =	sld [smem:$0x3FAF]  }
0x28: {  	s2 =	sld [smem:$0x3FB0]  }
0x29: {  	s4 =	sld [smem:$0x3FB2]  }
0x2a: {  	p0 =	seq.s32 s5, $0x0;
	s5 =	sld [smem:$0x3FB3]  }
0x2b: {  	s6 =	sld [smem:$0x3FB4]  }
0x2c: {  	s7 =	sld [smem:$0x3FB5]  }
0x2d: {  	s3 =	simm.s32 $0x108;
	s8 =	sld [smem:$0x3FB6]  }
0x2e: {  	s3 =	simm.s32 @!p0 $0x1082;
	s9 =	sld [smem:$0x3FB7]  }
0x2f: {  	lr =	sadd.s32 s0, s3;
	s0 =	sld [smem:$0x3FAE]  }
0x30: {  	s3 =	sld [smem:$0x3FB1]  }
0x31: {  	[smem:$0x3FBA] =	sst s10  }
0x32: {  	s10 =	sld [smem:$0x3FB8];
	_ =	sdelay $0x3  }
0x33: {  	p0 =	seq.s32 s10, $0x1;
	s10 =	sld [smem:$0x3FBA];
	_ =	sdelay $0x3  }
0x34: {  	[smem:$0x3FBA] =	sst s10  }
0x35: {  	s10 =	sld [smem:$0x3FB9];
	_ =	sdelay $0x3  }
0x36: {  	p1 =	seq.s32 s10, $0x1;
	s10 =	sld [smem:$0x3FBA];
	_ =	sdelay $0x3  }
0x37: {  	[smem:$0x3FBA] =	sst s10  }
0x38: {  	s10 =	sld [smem:$0x3FBB]  }
0x39: {  	_ = 	snop;
	(pc) =	sbr.ind lr, $3  }
0x3a: {  	_ = 	snop  }
0x3b: {  	_ = 	snop  }
0x3c: {  	p2 =	seq.s32 s10, $0x1;
	s10 =	sld [smem:$0x3FBA]  }
0x3d: {  	_ =	shalt  }
0x3e: {  	_ =	shalt  }
0x3f: {  	_ =	shalt  }
0x40: {  	_ =	shalt  }
0x41: {  	_ =	shalt  }
0x42: {  	_ =	shalt  }
0x43: {  	_ =	shalt  }
0x44: {  	_ =	shalt  }
0x45: {  	_ =	shalt  }
0x46: {  	_ =	shalt  }
0x47: {  	_ =	shalt  }
0x48: {  	_ =	shalt  }
0x49: {  	_ =	shalt  }
0x4a: {  	_ =	shalt  }
0x4b: {  	_ =	shalt  }
0x4c: {  	_ =	shalt  }
0x4d: {  	_ =	shalt  }
0x4e: {  	_ =	shalt  }
0x4f: {  	_ =	shalt  }
0x50: {  	_ =	shalt  }
0x51: {  	_ =	shalt  }
0x52: {  	_ =	shalt  }
0x53: {  	_ =	shalt  }
0x54: {  	_ =	shalt  }
0x55: {  	_ =	shalt  }
0x56: {  	_ =	shalt  }
0x57: {  	_ =	shalt  }
0x58: {  	_ =	shalt  }
0x59: {  	_ =	shalt  }
0x5a: {  	_ =	shalt  }
0x5b: {  	_ =	shalt  }
0x5c: {  	_ =	shalt  }
0x5d: {  	_ =	shalt  }
0x5e: {  	_ =	shalt  }
0x5f: {  	_ =	shalt  }
0x60: {  	_ =	shalt  }
0x61: {  	_ =	shalt  }
0x62: {  	_ =	shalt  }
0x63: {  	_ =	shalt  }
0x64: {  	_ =	shalt  }
0x65: {  	_ =	shalt  }
0x66: {  	_ =	shalt  }
0x67: {  	_ =	shalt  }
0x68: {  	_ =	shalt  }
0x69: {  	_ =	shalt  }
0x6a: {  	_ =	shalt  }
0x6b: {  	_ =	shalt  }
0x6c: {  	_ =	shalt  }
0x6d: {  	_ =	shalt  }
0x6e: {  	_ =	shalt  }
0x6f: {  	_ =	shalt  }
0x70: {  	_ =	shalt  }
0x71: {  	_ =	shalt  }
0x72: {  	_ =	shalt  }
0x73: {  	_ =	shalt  }
0x74: {  	_ =	shalt  }
0x75: {  	_ =	shalt  }
0x76: {  	_ =	shalt  }
0x77: {  	_ =	shalt  }
0x78: {  	_ =	shalt  }
0x79: {  	_ =	shalt  }
0x7a: {  	_ =	shalt  }
0x7b: {  	_ =	shalt  }
0x7c: {  	_ =	shalt  }
0x7d: {  	_ =	shalt  }
0x7e: {  	_ =	shalt  }
0x7f: {  	_ =	shalt  }
0x80: {  	_ =	shalt  }
0x81: {  	_ =	shalt  }
0x82: {  	_ =	shalt  }
0x83: {  	_ =	shalt  }
0x84: {  	_ =	shalt  }
0x85: {  	_ =	shalt  }
0x86: {  	_ =	shalt  }
0x87: {  	_ =	shalt  }
.Lfunc_end0:
.L_simem_size_0:
called_computation_lowered:
.L_overlay_start_0:
0x88: {  	s2 =	sld [smem:$0x3FD9]  }
0x89: {  	s3 =	sld [smem:$0x3FFE];
	_ =	sdelay $0x1  }
0x8a: {  	s1 =	srdreg.scid  }
0x8b: {  	s0 =	sand.u32 $0x1, s1  }
0x8c: {  	s17 =	sshll.u32 s0, $0xA;
	s2 =	sadd.s32 s3, s2  }
0x8d: {  	s2 =	sadd.s32 s2, s17  }
0x8e: {  	[smem:$0x3FC6] =	sst s2  }
0x8f: {  	_ = 	snop  }
0x90: {  	s2 =	sld [smem:$0x3FC9]  }
0x91: {  	s18 =	sld [smem:$0x3FD0];
	(tm) =	ssettm $0x1  }
0x92: {  	s4 =	sld [smem:$0x3FFB];
	_ =	sdelay $0x3  }
0x93: {  	_ =	strace s4  }
0x94: {  	s4 =	sld [smem:$0x3FFC];
	_ =	sdelay $0x3  }
0x95: {  	_ =	strace s4  }
0x96: {  	s4 =	sld [smem:$0x3FFD];
	_ =	sdelay $0x3  }
0x97: {  	_ =	strace s4  }
0x98: {  	_ =	strace $0x8FFFFFFF  }
0x99: {  	s19 =	sld [smem:$0x3FDB];
	_ =	sdelay $0x1  }
0x9a: {  	s5 =	simm.s32 $_scs_section_size  }
0x9b: {  	s6 =	simm.s32 $_size__tile_overlayer_lowered;
	s7 =	simm.s32 $_tile_overlayer_lowered  }
0x9c: {  	s22 =	simm.s32 $0x1BFF;
	s21 =	sshll.u32 s7, $0x1;
	s4 =	sadd.s32 s5, s19  }
0x9d: {  	s8 =	simm.s32 $0x0;
	s20 =	sshll.u32 s6, $0x1;
	s6 =	sadd.s32 s21, s4  }
0x9e: {  	[timem:s8], [sflag:s22] =	dma.local [hbm:s6], s20  }
0x9f: {  	_ =	swait.ge [sflag:s22], s20  }
0xa0: {  	s5 =	ssub.s32 $0x0, s20;
	[sflag:s22] =	ssyncset.done $0x0  }
0xa1: {  	[sflag:s22] =	ssyncadd.s32 s5;
	_ =	sdelay $0x1  }
0xa2: {  	s23 =	simm.s32 $0x1B8B  }
0xa3: {  	_ =	swait.ge [sflag:s23], $0x1  }
0xa4: {  	[sflag:s23] =	ssyncset.done $0x0  }
0xa5: {  	s25 =	simm.s32 $0x1B8E;
	s24 =	sld [smem:$0x3FFE];
	[sflag:s23] =	ssyncadd.s32 $0xFFFFFFFF  }
0xa6: {  	s26 =	simm.s32 $execute0_lowered;
	[smem:$0x3FD2] =	sst s25  }
0xa7: {  	s6 =	sshll.u32 s26, $0x1;
	_ =	strace $0x80000046;
	[dreg:$0x1] =	wrdreg $0xFFFFFFFF  }
0xa8: {  	s28 =	simm.s32 $_size_execute0_lowered;
	s4 =	sadd.s32 s4, s6;
	[dreg:$0x0] =	wrdreg $0x0  }
0xa9: {  	s6 =	sshll.u32 s28, $0x1;
	[dreg:$0x2] =	wrdreg s4  }
0xaa: {  	[dreg:$0x3] =	wrdreg s6  }
0xab: {  	[dreg:$0x4] =	wrdreg $0xC0  }
0xac: {  	_ =	task [dreg:s8], $0x5FFFF  }
0xad: {  	[dreg:$0x1] =	wrdreg $0xFFFFFFFF  }
0xae: {  	[dreg:$0x0] =	wrdreg $0x60  }
0xaf: {  	[dreg:$0x2] =	wrdreg s2  }
0xb0: {  	[dreg:$0x3] =	wrdreg s24  }
0xb1: {  	[dreg:$0x4] =	wrdreg s18  }
0xb2: {  	[dreg:$0x5] =	wrdreg $0x9  }
0xb3: {  	_ =	task.clear_ibuf [dreg:s8], $0x6FFFF;
	_ =	strace $0x90000046  }
0xb4: {  	s29 =	simm.s32 $0x9;
	_ =	strace $0x80000048  }
0xb5: {  	_ =	swait.ge [sflag:s29], $0x1  }
0xb6: {  	[sflag:s29] =	ssyncadd.s32 $0xFFFFFFFF  }
0xb7: {  	_ =	strace $0x90000048  }
0xb8: {  	_ =	sfence  }
0xb9: {  	s30 =	sld [smem:$0x0];
	_ =	sdelay $0x2  }
0xba: {  	s31 =	sshll.u32 s1, $0xD;
	s1 =	sshrl.u32 s1, $0x2  }
0xbb: {  	s3 =	sand.u32 $0x4000, s31;
	s1 =	sadd.s32 s1, s30  }
0xbc: {  	s0 =	sor.u32 s3, s0;
	s1 =	sshll.u32 s1, $0x11  }
0xbd: {  	s0 =	sor.u32 s1, s0  }
0xbe: {  	s0 =	sadd.s32 $0x8F2B, s0  }
0xbf: {  	[sflag:s0] =	ssyncadd.remote.s32 $0x1  }
0xc0: {  	_ =	sfence.sel $0xFFFF  }
0xc1: {  	[dreg:$0x0] =	wrdreg $0xFFFFFFFF;
	(pc) =	sbr.abs _section_cstart, $3  }
0xc2: {  	[dreg:$0x1] =	wrdreg $0xFFFFFFFF  }
0xc3: {  	_ =	task.clear_ibuf [dreg:s8], $0x2FFFF;
	_ =	strace $0x9FFFFFFF  }
0xc4: {  	(tm) =	ssettm $0x7FFFFFFF  }
0xc5: {  	_ =	shalt  }
tec
execute0_lowered:
.L_overlay_start_1:
0x0: {  	(tag) =	ssettag $0x1  }
0x1: {  	s0 =	rddreg [dreg:$0x0]  }
0x2: {  	s1 =	rddreg [dreg:$0x1]  }
0x3: {  	s4 =	rddreg [dreg:$0x2];
	s2 =	simm.s32 $0x0;
	s3 =	srdreg.scid  }
0x4: {  	s6 =	stileid.u32;
	s13 =	simm.s32 $0x11;
	s8 =	simm.s32 $0x1  }
0x5: {  	s14 =	simm.s32 $0x4200;
	s15 =	simm.s32 $0x4600;
	s16 =	simm.s32 $0x4A00  }
0x6: {  	s17 =	simm.s32 $0x4E00;
	s18 =	simm.s32 $0x5200;
	s19 =	simm.s32 $0x5600  }
0x7: {  	s20 =	simm.s32 $0x5A00;
	s21 =	simm.s32 $0x5E00;
	s22 =	simm.s32 $0x6200  }
0x8: {  	s28 =	simm.s32 $0x4;
	s29 =	simm.s32 $0x5;
	s30 =	simm.s32 $0x6  }
0x9: {  	s31 =	simm.s32 $0x7;
	s9 =	simm.s32 $0xE;
	s10 =	simm.s32 $0xF  }
0xa: {  	s11 =	simm.s32 $0x10;
	s12 =	simm.s32 $0x0;
	[smem:$0x7FF] =	sst s2  }
0xb: {  	s5 =	sand.u32 $0x1, s3;
	s6 =	sshll.u32 s6, $0x1;
	s3 =	sadd.s32 $0x400, s1  }
0xc: {  	_ =	strace $0x80000047;
	s23 =	ssub.s32 $0x2, s5;
	s5 =	sor.u32 s5, s6  }
0xd: {  	s6 =	simm.s32 $0xC;
	[dreg:$0x7] =	wrdreg s12;
	s24 =	sshrl.u32 s23, $0x1  }
0xe: {  	s7 =	sshll.u32 s5, $0x6;
	s5 =	sshll.u32 s5, $0xB;
	s1 =	ssub.s32 s23, s24  }
0xf: {  	s0 =	sadd.s32 s0, s7;
	s25 =	sadd.s32 s4, s5;
	s23 =	simm.s32 $0x6600  }
0x10: {  	s24 =	simm.s32 $0x6A00;
	s4 =	simm.s32 $0xA;
	[dreg:$0x4] =	wrdreg s0  }
0x11: {  	s5 =	simm.s32 $0xB;
	s7 =	simm.s32 $0xD;
	[dreg:$0x5] =	wrdreg s25  }
0x12: {  	s26 =	smax.u32 s1, $0x1;
	s25 =	simm.s32 $0x2;
	s0 =	simm.s32 $0x8  }
0x13: {  	s1 =	simm.s32 $0x9;
	[dreg:$0x6] =	wrdreg s26;
	s26 =	simm.s32 $0x3  }
.LBB2_1:
0x14: {  	s12 =	rddreg [dreg:$0x4]  }
0x15: {  	[tilespmem:s2], [sflag:$0x11] =	stream.linear.gather [hbm4b:s12+s2], $0x200, $0x38;
	[tilespmem:$0x8200] =	vst v63  }
0x16: {  	_ =	swait.ge [sflag:s13], $0x200  }
0x17: {  	[sflag:s13] =	ssyncset.done $0x0  }
0x18: {  	[sflag:s13] =	ssyncadd.s32 $0xFFFFFE00  }
0x19: {  	v1 =	vld [tilespmem:$0x0];
	_ =	sdelay $0x4  }
0x1a: {  	(v2sf) =	vpush v1, $0x0;
	_ =	sdelay $0xa  }
0x1b: {  	(v2sf) =	vpush v1, $0x1;
	_ =	sdelay $0x3  }
0x1c: {  	s12 =	spop (v2sf)  }
0x1d: {  	s13 =	sand.u32 $0x7, s12  }
0x1e: {  	p1 =	slt.s32 s12, $0x1;
	p0 =	sne.s32 s13, $0x0;
	s13 =	sshra.s32 s12, $0x1F  }
0x1f: {  	s13 =	sshrl.u32 s13, $0x1D;
	p0 =	por !p1, !p0  }
0x20: {  	s12 =	sadd.s32 s13, s12;
	p0 =	por !p0, !p0;
	s13 =	simm.s32 $0x1  }
0x21: {  	s12 =	sshrl.u32 s12, $0x3;
	s13 =	simm.s32 @!p0 $0x0  }
0x22: {  	s12 =	ssub.s32 s12, s13  }
0x23: {  	(v2sf) =	vpush v1, $0x2;
	s12 =	sshll.u32 s12, $0x7  }
0x24: {  	s12 =	sand.u32 $0x1FFFFF80, s12  }
0x25: {  	s12 =	sadd.s32 s3, s12  }
0x26: {  	[tilespmem:s14], [sflag:$0x1] =	stream.linear.gather [hbm4b:s12+s2], $0x400, $0x38;
	[tilespmem:$0x8200] =	vst v63  }
0x27: {  	s12 =	spop (v2sf)  }
0x28: {  	s14 =	sand.u32 $0x7, s12  }
0x29: {  	p2 =	slt.s32 s12, $0x1;
	p1 =	sne.s32 s14, $0x0;
	s14 =	sshra.s32 s12, $0x1F  }
0x2a: {  	s13 =	sshrl.u32 s14, $0x1D;
	p0 =	por !p2, !p1  }
0x2b: {  	s12 =	sadd.s32 s13, s12;
	p0 =	por !p0, !p0;
	s13 =	simm.s32 $0x1  }
0x2c: {  	(v2sf) =	vpush v1, $0x3;
	s12 =	sshrl.u32 s12, $0x3;
	s13 =	simm.s32 @!p0 $0x0  }
0x2d: {  	s12 =	ssub.s32 s12, s13  }
0x2e: {  	s12 =	sshll.u32 s12, $0x7  }
0x2f: {  	s12 =	sand.u32 $0x1FFFFF80, s12  }
0x30: {  	s12 =	sadd.s32 s3, s12  }
0x31: {  	[tilespmem:s15], [sflag:$0x2] =	stream.linear.gather [hbm4b:s12+s2], $0x400, $0x38;
	[tilespmem:$0x8200] =	vst v63  }
0x32: {  	s12 =	spop (v2sf)  }
0x33: {  	s15 =	sand.u32 $0x7, s12  }
0x34: {  	s14 =	sshra.s32 s12, $0x1F;
	p4 =	slt.s32 s12, $0x1;
	p3 =	sne.s32 s15, $0x0  }
0x35: {  	(v2sf) =	vpush v1, $0x4;
	s13 =	sshrl.u32 s14, $0x1D;
	p0 =	por !p4, !p3  }
0x36: {  	s12 =	sadd.s32 s13, s12;
	s13 =	simm.s32 $0x1;
	p0 =	por !p0, !p0  }
0x37: {  	s12 =	sshrl.u32 s12, $0x3;
	s13 =	simm.s32 @!p0 $0x0  }
0x38: {  	s12 =	ssub.s32 s12, s13  }
0x39: {  	s12 =	sshll.u32 s12, $0x7  }
0x3a: {  	s12 =	sand.u32 $0x1FFFFF80, s12  }
0x3b: {  	s15 =	spop (v2sf);
	s12 =	sadd.s32 s3, s12  }
0x3c: {  	(v2sf) =	vpush v1, $0x5;
	[tilespmem:s16], [sflag:$0x3] =	stream.linear.gather [hbm4b:s12+s2], $0x400, $0x38;
	[tilespmem:$0x8200] =	vst v63  }
0x3d: {  	s16 =	sand.u32 $0x7, s15  }
0x3e: {  	s14 =	sshra.s32 s15, $0x1F;
	p6 =	slt.s32 s15, $0x1;
	p5 =	sne.s32 s16, $0x0  }
0x3f: {  	s13 =	sshrl.u32 s14, $0x1D;
	p0 =	por !p6, !p5  }
0x40: {  	s12 =	sadd.s32 s13, s15;
	s13 =	simm.s32 $0x1;
	p0 =	por !p0, !p0  }
0x41: {  	s12 =	sshrl.u32 s12, $0x3;
	s13 =	simm.s32 @!p0 $0x0  }
0x42: {  	s12 =	ssub.s32 s12, s13  }
0x43: {  	s12 =	sshll.u32 s12, $0x7  }
0x44: {  	s15 =	spop (v2sf);
	s12 =	sand.u32 $0x1FFFFF80, s12  }
0x45: {  	(v2sf) =	vpush v1, $0x6;
	s16 =	sand.u32 $0x7, s15;
	s12 =	sadd.s32 s3, s12  }
0x46: {  	[tilespmem:s17], [sflag:$0x4] =	stream.linear.gather [hbm4b:s12+s2], $0x400, $0x38;
	[tilespmem:$0x8200] =	vst v63  }
0x47: {  	p2 =	slt.s32 s15, $0x1;
	p1 =	sne.s32 s16, $0x0;
	s17 =	sshra.s32 s15, $0x1F  }
0x48: {  	p0 =	por !p2, !p1;
	s13 =	sshrl.u32 s17, $0x1D  }
0x49: {  	p0 =	por !p0, !p0;
	s12 =	sadd.s32 s13, s15;
	s13 =	simm.s32 $0x1  }
0x4a: {  	s12 =	sshrl.u32 s12, $0x3;
	s13 =	simm.s32 @!p0 $0x0  }
0x4b: {  	s14 =	spop (v2sf);
	s12 =	ssub.s32 s12, s13  }
0x4c: {  	(v2sf) =	vpush v1, $0x7;
	s15 =	sand.u32 $0x7, s14;
	s16 =	sshra.s32 s14, $0x1F;
	s12 =	sshll.u32 s12, $0x7  }
0x4d: {  	p4 =	slt.s32 s14, $0x1;
	p3 =	sne.s32 s15, $0x0;
	s12 =	sand.u32 $0x1FFFFF80, s12  }
0x4e: {  	s13 =	sshrl.u32 s16, $0x1D;
	p0 =	por !p4, !p3;
	s12 =	sadd.s32 s3, s12  }
0x4f: {  	[tilespmem:s18], [sflag:$0x5] =	stream.linear.gather [hbm4b:s12+s2], $0x400, $0x38;
	[tilespmem:$0x8200] =	vst v63  }
0x50: {  	p0 =	por !p0, !p0;
	s12 =	sadd.s32 s13, s14;
	s13 =	simm.s32 $0x1  }
0x51: {  	s12 =	sshrl.u32 s12, $0x3;
	s13 =	simm.s32 @!p0 $0x0  }
0x52: {  	s12 =	ssub.s32 s12, s13  }
0x53: {  	s12 =	sshll.u32 s12, $0x7  }
0x54: {  	s17 =	spop (v2sf);
	s12 =	sand.u32 $0x1FFFFF80, s12  }
0x55: {  	(v2sf) =	vpush v1, $0x8;
	s18 =	sand.u32 $0x7, s17;
	s12 =	sadd.s32 s3, s12  }
0x56: {  	[tilespmem:s19], [sflag:$0x6] =	stream.linear.gather [hbm4b:s12+s2], $0x400, $0x38;
	[tilespmem:$0x8200] =	vst v63  }
0x57: {  	p6 =	slt.s32 s17, $0x1;
	p5 =	sne.s32 s18, $0x0;
	s19 =	sshra.s32 s17, $0x1F  }
0x58: {  	p0 =	por !p6, !p5;
	s13 =	sshrl.u32 s19, $0x1D  }
0x59: {  	p0 =	por !p0, !p0;
	s12 =	sadd.s32 s13, s17;
	s13 =	simm.s32 $0x1  }
0x5a: {  	s12 =	sshrl.u32 s12, $0x3;
	s13 =	simm.s32 @!p0 $0x0  }
0x5b: {  	s14 =	spop (v2sf);
	s12 =	ssub.s32 s12, s13  }
0x5c: {  	s15 =	sand.u32 $0x7, s14;
	s16 =	sshra.s32 s14, $0x1F;
	s12 =	sshll.u32 s12, $0x7  }
0x5d: {  	p2 =	slt.s32 s14, $0x1;
	p1 =	sne.s32 s15, $0x0;
	s12 =	sand.u32 $0x1FFFFF80, s12  }
0x5e: {  	(v2sf) =	vpush v1, $0x9;
	s13 =	sshrl.u32 s16, $0x1D;
	p0 =	por !p2, !p1;
	s12 =	sadd.s32 s3, s12  }
0x5f: {  	[tilespmem:s20], [sflag:$0x7] =	stream.linear.gather [hbm4b:s12+s2], $0x400, $0x38;
	[tilespmem:$0x8200] =	vst v63  }
0x60: {  	p0 =	por !p0, !p0;
	s12 =	sadd.s32 s13, s14;
	s13 =	simm.s32 $0x1  }
0x61: {  	s12 =	sshrl.u32 s12, $0x3;
	s13 =	simm.s32 @!p0 $0x0  }
0x62: {  	s12 =	ssub.s32 s12, s13  }
0x63: {  	s12 =	sshll.u32 s12, $0x7  }
0x64: {  	s12 =	sand.u32 $0x1FFFFF80, s12;
	s17 =	spop (v2sf)  }
0x65: {  	s12 =	sadd.s32 s3, s12;
	s18 =	sand.u32 $0x7, s17  }
0x66: {  	(v2sf) =	vpush v1, $0xA;
	[tilespmem:s21], [sflag:$0x8] =	stream.linear.gather [hbm4b:s12+s2], $0x400, $0x38;
	[tilespmem:$0x8200] =	vst v63  }
0x67: {  	s19 =	sshra.s32 s17, $0x1F;
	p4 =	slt.s32 s17, $0x1;
	p3 =	sne.s32 s18, $0x0  }
0x68: {  	s13 =	sshrl.u32 s19, $0x1D;
	p0 =	por !p4, !p3  }
0x69: {  	s12 =	sadd.s32 s13, s17;
	s13 =	simm.s32 $0x1;
	p0 =	por !p0, !p0  }
0x6a: {  	s12 =	sshrl.u32 s12, $0x3;
	s13 =	simm.s32 @!p0 $0x0  }
0x6b: {  	s12 =	ssub.s32 s12, s13  }
0x6c: {  	s12 =	sshll.u32 s12, $0x7  }
0x6d: {  	s20 =	spop (v2sf);
	(v2sf) =	vpush v1, $0xB;
	s12 =	sand.u32 $0x1FFFFF80, s12  }
0x6e: {  	s21 =	sand.u32 $0x7, s20;
	s12 =	sadd.s32 s3, s12  }
0x6f: {  	[tilespmem:s22], [sflag:$0x9] =	stream.linear.gather [hbm4b:s12+s2], $0x400, $0x38;
	[tilespmem:$0x8200] =	vst v63  }
0x70: {  	p6 =	slt.s32 s20, $0x1;
	p5 =	sne.s32 s21, $0x0;
	s22 =	sshra.s32 s20, $0x1F  }
0x71: {  	p0 =	por !p6, !p5;
	s13 =	sshrl.u32 s22, $0x1D  }
0x72: {  	p0 =	por !p0, !p0;
	s12 =	sadd.s32 s13, s20;
	s13 =	simm.s32 $0x1  }
0x73: {  	s12 =	sshrl.u32 s12, $0x3;
	s13 =	simm.s32 @!p0 $0x0  }
0x74: {  	s12 =	ssub.s32 s12, s13  }
0x75: {  	s12 =	sshll.u32 s12, $0x7;
	s14 =	spop (v2sf)  }
0x76: {  	s12 =	sand.u32 $0x1FFFFF80, s12;
	s15 =	sand.u32 $0x7, s14;
	s16 =	sshra.s32 s14, $0x1F  }
0x77: {  	(v2sf) =	vpush v1, $0xC;
	p2 =	slt.s32 s14, $0x1;
	s12 =	sadd.s32 s3, s12;
	p1 =	sne.s32 s15, $0x0  }
0x78: {  	[tilespmem:s23], [sflag:$0xA] =	stream.linear.gather [hbm4b:s12+s2], $0x400, $0x38;
	[tilespmem:$0x8200] =	vst v63  }
0x79: {  	s13 =	sshrl.u32 s16, $0x1D;
	p0 =	por !p2, !p1  }
0x7a: {  	s12 =	sadd.s32 s13, s14;
	s13 =	simm.s32 $0x1;
	p0 =	por !p0, !p0  }
0x7b: {  	s12 =	sshrl.u32 s12, $0x3;
	s13 =	simm.s32 @!p0 $0x0  }
0x7c: {  	s17 =	spop (v2sf);
	s12 =	ssub.s32 s12, s13  }
0x7d: {  	s18 =	sand.u32 $0x7, s17;
	s19 =	sshra.s32 s17, $0x1F;
	s12 =	sshll.u32 s12, $0x7  }
0x7e: {  	(v2sf) =	vpush v1, $0xD;
	p4 =	slt.s32 s17, $0x1;
	p3 =	sne.s32 s18, $0x0;
	s12 =	sand.u32 $0x1FFFFF80, s12  }
0x7f: {  	s13 =	sshrl.u32 s19, $0x1D;
	p0 =	por !p4, !p3;
	s12 =	sadd.s32 s3, s12  }
0x80: {  	[tilespmem:s24], [sflag:$0xB] =	stream.linear.gather [hbm4b:s12+s2], $0x400, $0x38;
	[tilespmem:$0x8200] =	vst v63  }
0x81: {  	p0 =	por !p0, !p0;
	s12 =	sadd.s32 s13, s17;
	s13 =	simm.s32 $0x1  }
0x82: {  	s12 =	sshrl.u32 s12, $0x3;
	s13 =	simm.s32 @!p0 $0x0  }
0x83: {  	s12 =	ssub.s32 s12, s13  }
0x84: {  	s12 =	sshll.u32 s12, $0x7  }
0x85: {  	s12 =	sand.u32 $0x1FFFFF80, s12  }
0x86: {  	s20 =	simm.s32 $0x6E00;
	s12 =	sadd.s32 s3, s12;
	s21 =	spop (v2sf)  }
0x87: {  	[tilespmem:s20], [sflag:$0xC] =	stream.linear.gather [hbm4b:s12+s2], $0x400, $0x38;
	[tilespmem:$0x8200] =	vst v63  }
0x88: {  	(v2sf) =	vpush v1, $0xE;
	s22 =	sand.u32 $0x7, s21  }
0x89: {  	s23 =	sshra.s32 s21, $0x1F;
	p6 =	slt.s32 s21, $0x1;
	p5 =	sne.s32 s22, $0x0  }
0x8a: {  	s13 =	sshrl.u32 s23, $0x1D;
	p0 =	por !p6, !p5  }
0x8b: {  	s12 =	sadd.s32 s13, s21;
	s13 =	simm.s32 $0x1;
	p0 =	por !p0, !p0  }
0x8c: {  	s12 =	sshrl.u32 s12, $0x3;
	s13 =	simm.s32 @!p0 $0x0  }
0x8d: {  	s24 =	simm.s32 $0x7200;
	s14 =	spop (v2sf);
	s12 =	ssub.s32 s12, s13  }
0x8e: {  	s15 =	sand.u32 $0x7, s14;
	s16 =	sshra.s32 s14, $0x1F;
	s12 =	sshll.u32 s12, $0x7  }
0x8f: {  	(v2sf) =	vpush v1, $0xF;
	p2 =	slt.s32 s14, $0x1;
	p1 =	sne.s32 s15, $0x0;
	s12 =	sand.u32 $0x1FFFFF80, s12  }
0x90: {  	s13 =	sshrl.u32 s16, $0x1D;
	p0 =	por !p2, !p1;
	s12 =	sadd.s32 s3, s12  }
0x91: {  	[tilespmem:s24], [sflag:$0xD] =	stream.linear.gather [hbm4b:s12+s2], $0x400, $0x38;
	[tilespmem:$0x8200] =	vst v63  }
0x92: {  	p0 =	por !p0, !p0;
	s12 =	sadd.s32 s13, s14;
	s13 =	simm.s32 $0x1  }
0x93: {  	s12 =	sshrl.u32 s12, $0x3;
	s13 =	simm.s32 @!p0 $0x0  }
0x94: {  	s12 =	ssub.s32 s12, s13  }
0x95: {  	s12 =	sshll.u32 s12, $0x7  }
0x96: {  	s12 =	sand.u32 $0x1FFFFF80, s12  }
0x97: {  	s18 =	simm.s32 $0x7600;
	s17 =	spop (v2sf);
	s12 =	sadd.s32 s3, s12  }
0x98: {  	[tilespmem:s18], [sflag:$0xE] =	stream.linear.gather [hbm4b:s12+s2], $0x400, $0x38;
	[tilespmem:$0x8200] =	vst v63  }
0x99: {  	s19 =	sand.u32 $0x7, s17  }
0x9a: {  	s20 =	sshra.s32 s17, $0x1F;
	p4 =	slt.s32 s17, $0x1;
	p3 =	sne.s32 s19, $0x0  }
0x9b: {  	s12 =	sshrl.u32 s20, $0x1D;
	p0 =	por !p4, !p3  }
0x9c: {  	s13 =	simm.s32 $0x1;
	s12 =	sadd.s32 s12, s17;
	p0 =	por !p0, !p0  }
0x9d: {  	s12 =	sshrl.u32 s12, $0x3;
	s13 =	simm.s32 @!p0 $0x0  }
0x9e: {  	s21 =	simm.s32 $0x7A00;
	s22 =	spop (v2sf);
	s12 =	ssub.s32 s12, s13  }
0x9f: {  	s23 =	sand.u32 $0x7, s22;
	s24 =	sshra.s32 s22, $0x1F;
	s12 =	sshll.u32 s12, $0x7  }
0xa0: {  	p6 =	slt.s32 s22, $0x1;
	p5 =	sne.s32 s23, $0x0;
	s12 =	sand.u32 $0x1FFFFF80, s12  }
0xa1: {  	s13 =	sshrl.u32 s24, $0x1D;
	p0 =	por !p6, !p5;
	s12 =	sadd.s32 s3, s12  }
0xa2: {  	[tilespmem:s21], [sflag:$0xF] =	stream.linear.gather [hbm4b:s12+s2], $0x400, $0x38;
	[tilespmem:$0x8200] =	vst v63  }
0xa3: {  	p0 =	por !p0, !p0;
	s12 =	sadd.s32 s13, s22;
	s13 =	simm.s32 $0x1  }
0xa4: {  	s12 =	sshrl.u32 s12, $0x3;
	s13 =	simm.s32 @!p0 $0x0  }
0xa5: {  	s18 =	simm.s32 $0x4600;
	s12 =	ssub.s32 s12, s13  }
0xa6: {  	s20 =	simm.s32 $0x6200;
	s19 =	simm.s32 $0x4A00;
	s12 =	sshll.u32 s12, $0x7  }
0xa7: {  	s17 =	simm.s32 $0x6A00;
	s23 =	simm.s32 $0x7E00;
	s12 =	sand.u32 $0x1FFFFF80, s12  }
0xa8: {  	s24 =	simm.s32 $0x5E00;
	s21 =	simm.s32 $0x5200;
	s12 =	sadd.s32 s3, s12  }
0xa9: {  	[tilespmem:s23], [sflag:$0x10] =	stream.linear.gather [hbm4b:s12+s2], $0x400, $0x38;
	[tilespmem:$0x8200] =	vst v63  }
0xaa: {  	s22 =	simm.s32 $0x5600;
	s13 =	simm.s32 $0x10;
	s12 =	simm.s32 $0x300  }
.LBB2_2:
0xab: {  	s14 =	sand.u32 $0x1F0, s13  }
0xac: {  	v0 =	vld [tilespmem:s14+$0x0];
	_ =	sdelay $0x2  }
0xad: {  	v1 =	vshll.u32 v1, $0x7;
	_ =	swait.ge [sflag:s8], $0x400  }
0xae: {  	(v2sf) =	vpush v1, $0x0  }
0xaf: {  	(v2sf) =	vpush v0, $0x0;
	_ =	sdelay $0xd  }
0xb0: {  	s16 =	spop (v2sf)  }
0xb1: {  	[sflag:s8] =	ssyncset.done $0x0;
	s15 =	spop (v2sf)  }
0xb2: {  	[sflag:s8] =	ssyncadd.s32 $0xFFFFFC00;
	s14 =	sand.u32 $0x380, s16;
	s16 =	sand.u32 $0x7, s15  }
0xb3: {  	p1 =	slt.s32 s15, $0x1;
	p0 =	sne.s32 s16, $0x0;
	s16 =	sshra.s32 s15, $0x1F  }
0xb4: {  	v2 =	vld [tilespmem:s14+$0x4200];
	s16 =	sshrl.u32 s16, $0x1D;
	p0 =	por !p1, !p0  }
0xb5: {  	v3 =	vld [tilespmem:s14+$0x4210];
	s16 =	sadd.s32 s16, s15;
	p0 =	por !p0, !p0;
	s15 =	simm.s32 $0x1  }
0xb6: {  	s14 =	sshrl.u32 s16, $0x3;
	s15 =	simm.s32 @!p0 $0x0  }
0xb7: {  	s14 =	ssub.s32 s14, s15  }
0xb8: {  	s14 =	sshll.u32 s14, $0x7  }
0xb9: {  	[tilespmem:s12+$0xFFFFFF00] =	vst v2;
	s14 =	sand.u32 $0x1FFFFF80, s14  }
0xba: {  	[tilespmem:s12+$0xFFFFFF10] =	vst v3;
	s16 =	simm.s32 $0x4200;
	s14 =	sadd.s32 s3, s14  }
0xbb: {  	[tilespmem:s16], [sflag:$0x1] =	stream.linear.gather [hbm4b:s14+s2], $0x400, $0x38;
	[tilespmem:$0x8200] =	vst v63  }
0xbc: {  	_ =	swait.ge [sflag:s25], $0x400  }
0xbd: {  	(v2sf) =	vpush v1, $0x1  }
0xbe: {  	(v2sf) =	vpush v0, $0x1;
	_ =	sdelay $0xd  }
0xbf: {  	s16 =	spop (v2sf)  }
0xc0: {  	[sflag:s25] =	ssyncset.done $0x0;
	s15 =	spop (v2sf)  }
0xc1: {  	[sflag:s25] =	ssyncadd.s32 $0xFFFFFC00;
	s14 =	sand.u32 $0x380, s16;
	s16 =	sand.u32 $0x7, s15  }
0xc2: {  	p2 =	slt.s32 s15, $0x1;
	p1 =	sne.s32 s16, $0x0;
	s16 =	sshra.s32 s15, $0x1F  }
0xc3: {  	v2 =	vld [tilespmem:s14+$0x4600];
	s16 =	sshrl.u32 s16, $0x1D;
	p0 =	por !p2, !p1  }
0xc4: {  	v3 =	vld [tilespmem:s14+$0x4610];
	s16 =	sadd.s32 s16, s15;
	p0 =	por !p0, !p0;
	s15 =	simm.s32 $0x1  }
0xc5: {  	s14 =	sshrl.u32 s16, $0x3;
	s15 =	simm.s32 @!p0 $0x0  }
0xc6: {  	s14 =	ssub.s32 s14, s15  }
0xc7: {  	s14 =	sshll.u32 s14, $0x7  }
0xc8: {  	[tilespmem:s12+$0xFFFFFF20] =	vst v2;
	s14 =	sand.u32 $0x1FFFFF80, s14  }
0xc9: {  	[tilespmem:s12+$0xFFFFFF30] =	vst v3;
	s14 =	sadd.s32 s3, s14  }
0xca: {  	[tilespmem:s18], [sflag:$0x2] =	stream.linear.gather [hbm4b:s14+s2], $0x400, $0x38;
	[tilespmem:$0x8200] =	vst v63  }
0xcb: {  	_ =	swait.ge [sflag:s26], $0x400  }
0xcc: {  	(v2sf) =	vpush v1, $0x2  }
0xcd: {  	(v2sf) =	vpush v0, $0x2;
	_ =	sdelay $0xd  }
0xce: {  	s16 =	spop (v2sf)  }
0xcf: {  	[sflag:s26] =	ssyncset.done $0x0;
	s15 =	spop (v2sf)  }
0xd0: {  	[sflag:s26] =	ssyncadd.s32 $0xFFFFFC00;
	s14 =	sand.u32 $0x380, s16;
	s16 =	sand.u32 $0x7, s15  }
0xd1: {  	p4 =	slt.s32 s15, $0x1;
	p3 =	sne.s32 s16, $0x0;
	s16 =	sshra.s32 s15, $0x1F  }
0xd2: {  	v2 =	vld [tilespmem:s14+$0x4A00];
	s16 =	sshrl.u32 s16, $0x1D;
	p0 =	por !p4, !p3  }
0xd3: {  	v3 =	vld [tilespmem:s14+$0x4A10];
	s16 =	sadd.s32 s16, s15;
	p0 =	por !p0, !p0;
	s15 =	simm.s32 $0x1  }
0xd4: {  	s14 =	sshrl.u32 s16, $0x3;
	s15 =	simm.s32 @!p0 $0x0  }
0xd5: {  	s14 =	ssub.s32 s14, s15  }
0xd6: {  	s14 =	sshll.u32 s14, $0x7  }
0xd7: {  	[tilespmem:s12+$0xFFFFFF40] =	vst v2;
	s14 =	sand.u32 $0x1FFFFF80, s14  }
0xd8: {  	[tilespmem:s12+$0xFFFFFF50] =	vst v3;
	s14 =	sadd.s32 s3, s14  }
0xd9: {  	[tilespmem:s19], [sflag:$0x3] =	stream.linear.gather [hbm4b:s14+s2], $0x400, $0x38;
	[tilespmem:$0x8200] =	vst v63  }
0xda: {  	_ =	swait.ge [sflag:s28], $0x400  }
0xdb: {  	(v2sf) =	vpush v1, $0x3  }
0xdc: {  	(v2sf) =	vpush v0, $0x3;
	_ =	sdelay $0xd  }
0xdd: {  	s16 =	spop (v2sf)  }
0xde: {  	[sflag:s28] =	ssyncset.done $0x0;
	s15 =	spop (v2sf)  }
0xdf: {  	[sflag:s28] =	ssyncadd.s32 $0xFFFFFC00;
	s14 =	sand.u32 $0x380, s16;
	s16 =	sand.u32 $0x7, s15  }
0xe0: {  	p6 =	slt.s32 s15, $0x1;
	p5 =	sne.s32 s16, $0x0;
	s16 =	sshra.s32 s15, $0x1F  }
0xe1: {  	v2 =	vld [tilespmem:s14+$0x4E00];
	s16 =	sshrl.u32 s16, $0x1D;
	p0 =	por !p6, !p5  }
0xe2: {  	v3 =	vld [tilespmem:s14+$0x4E10];
	s16 =	sadd.s32 s16, s15;
	p0 =	por !p0, !p0;
	s15 =	simm.s32 $0x1  }
0xe3: {  	s14 =	sshrl.u32 s16, $0x3;
	s15 =	simm.s32 @!p0 $0x0  }
0xe4: {  	s14 =	ssub.s32 s14, s15  }
0xe5: {  	s14 =	sshll.u32 s14, $0x7  }
0xe6: {  	[tilespmem:s12+$0xFFFFFF60] =	vst v2;
	s14 =	sand.u32 $0x1FFFFF80, s14  }
0xe7: {  	s16 =	simm.s32 $0x4E00;
	[tilespmem:s12+$0xFFFFFF70] =	vst v3;
	s14 =	sadd.s32 s3, s14  }
0xe8: {  	[tilespmem:s16], [sflag:$0x4] =	stream.linear.gather [hbm4b:s14+s2], $0x400, $0x38;
	[tilespmem:$0x8200] =	vst v63  }
0xe9: {  	_ =	swait.ge [sflag:s29], $0x400  }
0xea: {  	(v2sf) =	vpush v1, $0x4  }
0xeb: {  	(v2sf) =	vpush v0, $0x4;
	_ =	sdelay $0xd  }
0xec: {  	s16 =	spop (v2sf)  }
0xed: {  	[sflag:s29] =	ssyncset.done $0x0;
	s15 =	spop (v2sf)  }
0xee: {  	[sflag:s29] =	ssyncadd.s32 $0xFFFFFC00;
	s14 =	sand.u32 $0x380, s16;
	s16 =	sand.u32 $0x7, s15  }
0xef: {  	p2 =	slt.s32 s15, $0x1;
	p1 =	sne.s32 s16, $0x0;
	s16 =	sshra.s32 s15, $0x1F  }
0xf0: {  	v2 =	vld [tilespmem:s14+$0x5200];
	s16 =	sshrl.u32 s16, $0x1D;
	p0 =	por !p2, !p1  }
0xf1: {  	v3 =	vld [tilespmem:s14+$0x5210];
	s16 =	sadd.s32 s16, s15;
	p0 =	por !p0, !p0;
	s15 =	simm.s32 $0x1  }
0xf2: {  	s14 =	sshrl.u32 s16, $0x3;
	s15 =	simm.s32 @!p0 $0x0  }
0xf3: {  	s14 =	ssub.s32 s14, s15  }
0xf4: {  	s14 =	sshll.u32 s14, $0x7  }
0xf5: {  	[tilespmem:s12+$0xFFFFFF80] =	vst v2;
	s14 =	sand.u32 $0x1FFFFF80, s14  }
0xf6: {  	[tilespmem:s12+$0xFFFFFF90] =	vst v3;
	s14 =	sadd.s32 s3, s14  }
0xf7: {  	[tilespmem:s21], [sflag:$0x5] =	stream.linear.gather [hbm4b:s14+s2], $0x400, $0x38;
	[tilespmem:$0x8200] =	vst v63  }
0xf8: {  	_ =	swait.ge [sflag:s30], $0x400  }
0xf9: {  	(v2sf) =	vpush v1, $0x5  }
0xfa: {  	(v2sf) =	vpush v0, $0x5;
	_ =	sdelay $0xd  }
0xfb: {  	s16 =	spop (v2sf)  }
0xfc: {  	[sflag:s30] =	ssyncset.done $0x0;
	s15 =	spop (v2sf)  }
0xfd: {  	[sflag:s30] =	ssyncadd.s32 $0xFFFFFC00;
	s14 =	sand.u32 $0x380, s16;
	s16 =	sand.u32 $0x7, s15  }
0xfe: {  	p4 =	slt.s32 s15, $0x1;
	p3 =	sne.s32 s16, $0x0;
	s16 =	sshra.s32 s15, $0x1F  }
0xff: {  	v2 =	vld [tilespmem:s14+$0x5600];
	s16 =	sshrl.u32 s16, $0x1D;
	p0 =	por !p4, !p3  }
0x100: {  	v3 =	vld [tilespmem:s14+$0x5610];
	s16 =	sadd.s32 s16, s15;
	p0 =	por !p0, !p0;
	s15 =	simm.s32 $0x1  }
0x101: {  	s14 =	sshrl.u32 s16, $0x3;
	s15 =	simm.s32 @!p0 $0x0  }
0x102: {  	s14 =	ssub.s32 s14, s15  }
0x103: {  	s14 =	sshll.u32 s14, $0x7  }
0x104: {  	[tilespmem:s12+$0xFFFFFFA0] =	vst v2;
	s14 =	sand.u32 $0x1FFFFF80, s14  }
0x105: {  	[tilespmem:s12+$0xFFFFFFB0] =	vst v3;
	s14 =	sadd.s32 s3, s14  }
0x106: {  	[tilespmem:s22], [sflag:$0x6] =	stream.linear.gather [hbm4b:s14+s2], $0x400, $0x38;
	[tilespmem:$0x8200] =	vst v63  }
0x107: {  	_ =	swait.ge [sflag:s31], $0x400  }
0x108: {  	(v2sf) =	vpush v1, $0x6  }
0x109: {  	(v2sf) =	vpush v0, $0x6;
	_ =	sdelay $0xd  }
0x10a: {  	s16 =	spop (v2sf)  }
0x10b: {  	[sflag:s31] =	ssyncset.done $0x0;
	s15 =	spop (v2sf)  }
0x10c: {  	[sflag:s31] =	ssyncadd.s32 $0xFFFFFC00;
	s14 =	sand.u32 $0x380, s16;
	s16 =	sand.u32 $0x7, s15  }
0x10d: {  	p6 =	slt.s32 s15, $0x1;
	p5 =	sne.s32 s16, $0x0;
	s16 =	sshra.s32 s15, $0x1F  }
0x10e: {  	v2 =	vld [tilespmem:s14+$0x5A00];
	s16 =	sshrl.u32 s16, $0x1D;
	p0 =	por !p6, !p5  }
0x10f: {  	v3 =	vld [tilespmem:s14+$0x5A10];
	s16 =	sadd.s32 s16, s15;
	p0 =	por !p0, !p0;
	s15 =	simm.s32 $0x1  }
0x110: {  	s14 =	sshrl.u32 s16, $0x3;
	s15 =	simm.s32 @!p0 $0x0  }
0x111: {  	s14 =	ssub.s32 s14, s15  }
0x112: {  	s14 =	sshll.u32 s14, $0x7  }
0x113: {  	[tilespmem:s12+$0xFFFFFFC0] =	vst v2;
	s14 =	sand.u32 $0x1FFFFF80, s14  }
0x114: {  	s16 =	simm.s32 $0x5A00;
	[tilespmem:s12+$0xFFFFFFD0] =	vst v3;
	s14 =	sadd.s32 s3, s14  }
0x115: {  	[tilespmem:s16], [sflag:$0x7] =	stream.linear.gather [hbm4b:s14+s2], $0x400, $0x38;
	[tilespmem:$0x8200] =	vst v63  }
0x116: {  	_ =	swait.ge [sflag:s0], $0x400  }
0x117: {  	(v2sf) =	vpush v1, $0x7  }
0x118: {  	(v2sf) =	vpush v0, $0x7;
	_ =	sdelay $0xd  }
0x119: {  	s16 =	spop (v2sf)  }
0x11a: {  	[sflag:s0] =	ssyncset.done $0x0;
	s15 =	spop (v2sf)  }
0x11b: {  	[sflag:s0] =	ssyncadd.s32 $0xFFFFFC00;
	s14 =	sand.u32 $0x380, s16;
	s16 =	sand.u32 $0x7, s15  }
0x11c: {  	p2 =	slt.s32 s15, $0x1;
	p1 =	sne.s32 s16, $0x0;
	s16 =	sshra.s32 s15, $0x1F  }
0x11d: {  	v2 =	vld [tilespmem:s14+$0x5E00];
	s16 =	sshrl.u32 s16, $0x1D;
	p0 =	por !p2, !p1  }
0x11e: {  	v3 =	vld [tilespmem:s14+$0x5E10];
	s16 =	sadd.s32 s16, s15;
	p0 =	por !p0, !p0;
	s15 =	simm.s32 $0x1  }
0x11f: {  	s14 =	sshrl.u32 s16, $0x3;
	s15 =	simm.s32 @!p0 $0x0  }
0x120: {  	s14 =	ssub.s32 s14, s15  }
0x121: {  	s14 =	sshll.u32 s14, $0x7  }
0x122: {  	[tilespmem:s12+$0xFFFFFFE0] =	vst v2;
	s14 =	sand.u32 $0x1FFFFF80, s14  }
0x123: {  	[tilespmem:s12+$0xFFFFFFF0] =	vst v3;
	s14 =	sadd.s32 s3, s14  }
0x124: {  	[tilespmem:s24], [sflag:$0x8] =	stream.linear.gather [hbm4b:s14+s2], $0x400, $0x38;
	[tilespmem:$0x8200] =	vst v63  }
0x125: {  	_ =	swait.ge [sflag:s1], $0x400  }
0x126: {  	(v2sf) =	vpush v1, $0x8  }
0x127: {  	(v2sf) =	vpush v0, $0x8;
	_ =	sdelay $0xd  }
0x128: {  	s16 =	spop (v2sf)  }
0x129: {  	[sflag:s1] =	ssyncset.done $0x0;
	s15 =	spop (v2sf)  }
0x12a: {  	[sflag:s1] =	ssyncadd.s32 $0xFFFFFC00;
	s14 =	sand.u32 $0x380, s16;
	s16 =	sand.u32 $0x7, s15  }
0x12b: {  	p4 =	slt.s32 s15, $0x1;
	p3 =	sne.s32 s16, $0x0;
	s16 =	sshra.s32 s15, $0x1F  }
0x12c: {  	v2 =	vld [tilespmem:s14+$0x6200];
	s16 =	sshrl.u32 s16, $0x1D;
	p0 =	por !p4, !p3  }
0x12d: {  	v3 =	vld [tilespmem:s14+$0x6210];
	s16 =	sadd.s32 s16, s15;
	p0 =	por !p0, !p0;
	s15 =	simm.s32 $0x1  }
0x12e: {  	s14 =	sshrl.u32 s16, $0x3;
	s15 =	simm.s32 @!p0 $0x0  }
0x12f: {  	s14 =	ssub.s32 s14, s15  }
0x130: {  	s14 =	sshll.u32 s14, $0x7  }
0x131: {  	[tilespmem:s12+$0x0] =	vst v2;
	s14 =	sand.u32 $0x1FFFFF80, s14  }
0x132: {  	[tilespmem:s12+$0x10] =	vst v3;
	s14 =	sadd.s32 s3, s14  }
0x133: {  	[tilespmem:s20], [sflag:$0x9] =	stream.linear.gather [hbm4b:s14+s2], $0x400, $0x38;
	[tilespmem:$0x8200] =	vst v63  }
0x134: {  	_ =	swait.ge [sflag:s4], $0x400  }
0x135: {  	(v2sf) =	vpush v1, $0x9  }
0x136: {  	(v2sf) =	vpush v0, $0x9;
	_ =	sdelay $0xd  }
0x137: {  	s16 =	spop (v2sf)  }
0x138: {  	[sflag:s4] =	ssyncset.done $0x0;
	s15 =	spop (v2sf)  }
0x139: {  	[sflag:s4] =	ssyncadd.s32 $0xFFFFFC00;
	s14 =	sand.u32 $0x380, s16;
	s16 =	sand.u32 $0x7, s15  }
0x13a: {  	p6 =	slt.s32 s15, $0x1;
	p5 =	sne.s32 s16, $0x0;
	s16 =	sshra.s32 s15, $0x1F  }
0x13b: {  	v2 =	vld [tilespmem:s14+$0x6600];
	s16 =	sshrl.u32 s16, $0x1D;
	p0 =	por !p6, !p5  }
0x13c: {  	v3 =	vld [tilespmem:s14+$0x6610];
	s16 =	sadd.s32 s16, s15;
	p0 =	por !p0, !p0;
	s15 =	simm.s32 $0x1  }
0x13d: {  	s14 =	sshrl.u32 s16, $0x3;
	s15 =	simm.s32 @!p0 $0x0  }
0x13e: {  	s14 =	ssub.s32 s14, s15  }
0x13f: {  	s14 =	sshll.u32 s14, $0x7  }
0x140: {  	[tilespmem:s12+$0x20] =	vst v2;
	s14 =	sand.u32 $0x1FFFFF80, s14  }
0x141: {  	s16 =	simm.s32 $0x6600;
	[tilespmem:s12+$0x30] =	vst v3;
	s14 =	sadd.s32 s3, s14  }
0x142: {  	[tilespmem:s16], [sflag:$0xA] =	stream.linear.gather [hbm4b:s14+s2], $0x400, $0x38;
	[tilespmem:$0x8200] =	vst v63  }
0x143: {  	_ =	swait.ge [sflag:s5], $0x400  }
0x144: {  	(v2sf) =	vpush v1, $0xA  }
0x145: {  	(v2sf) =	vpush v0, $0xA;
	_ =	sdelay $0xd  }
0x146: {  	s16 =	spop (v2sf)  }
0x147: {  	[sflag:s5] =	ssyncset.done $0x0;
	s15 =	spop (v2sf)  }
0x148: {  	[sflag:s5] =	ssyncadd.s32 $0xFFFFFC00;
	s14 =	sand.u32 $0x380, s16;
	s16 =	sand.u32 $0x7, s15  }
0x149: {  	p2 =	slt.s32 s15, $0x1;
	p1 =	sne.s32 s16, $0x0;
	s16 =	sshra.s32 s15, $0x1F  }
0x14a: {  	v2 =	vld [tilespmem:s14+$0x6A00];
	s16 =	sshrl.u32 s16, $0x1D;
	p0 =	por !p2, !p1  }
0x14b: {  	v3 =	vld [tilespmem:s14+$0x6A10];
	s16 =	sadd.s32 s16, s15;
	p0 =	por !p0, !p0;
	s15 =	simm.s32 $0x1  }
0x14c: {  	s14 =	sshrl.u32 s16, $0x3;
	s15 =	simm.s32 @!p0 $0x0  }
0x14d: {  	s14 =	ssub.s32 s14, s15  }
0x14e: {  	s14 =	sshll.u32 s14, $0x7  }
0x14f: {  	[tilespmem:s12+$0x40] =	vst v2;
	s14 =	sand.u32 $0x1FFFFF80, s14  }
0x150: {  	[tilespmem:s12+$0x50] =	vst v3;
	s14 =	sadd.s32 s3, s14  }
0x151: {  	[tilespmem:s17], [sflag:$0xB] =	stream.linear.gather [hbm4b:s14+s2], $0x400, $0x38;
	[tilespmem:$0x8200] =	vst v63  }
0x152: {  	_ =	swait.ge [sflag:s6], $0x400  }
0x153: {  	(v2sf) =	vpush v1, $0xB  }
0x154: {  	(v2sf) =	vpush v0, $0xB;
	_ =	sdelay $0xd  }
0x155: {  	s16 =	spop (v2sf)  }
0x156: {  	[sflag:s6] =	ssyncset.done $0x0;
	s15 =	spop (v2sf)  }
0x157: {  	[sflag:s6] =	ssyncadd.s32 $0xFFFFFC00;
	s14 =	sand.u32 $0x380, s16;
	s16 =	sand.u32 $0x7, s15  }
0x158: {  	p4 =	slt.s32 s15, $0x1;
	p3 =	sne.s32 s16, $0x0;
	s16 =	sshra.s32 s15, $0x1F  }
0x159: {  	v2 =	vld [tilespmem:s14+$0x6E00];
	s16 =	sshrl.u32 s16, $0x1D;
	p0 =	por !p4, !p3  }
0x15a: {  	v3 =	vld [tilespmem:s14+$0x6E10];
	s16 =	sadd.s32 s16, s15;
	p0 =	por !p0, !p0;
	s15 =	simm.s32 $0x1  }
0x15b: {  	s14 =	sshrl.u32 s16, $0x3;
	s15 =	simm.s32 @!p0 $0x0  }
0x15c: {  	s14 =	ssub.s32 s14, s15  }
0x15d: {  	s14 =	sshll.u32 s14, $0x7  }
0x15e: {  	[tilespmem:s12+$0x60] =	vst v2;
	s14 =	sand.u32 $0x1FFFFF80, s14  }
0x15f: {  	s16 =	simm.s32 $0x6E00;
	[tilespmem:s12+$0x70] =	vst v3;
	s14 =	sadd.s32 s3, s14  }
0x160: {  	[tilespmem:s16], [sflag:$0xC] =	stream.linear.gather [hbm4b:s14+s2], $0x400, $0x38;
	[tilespmem:$0x8200] =	vst v63  }
0x161: {  	_ =	swait.ge [sflag:s7], $0x400  }
0x162: {  	(v2sf) =	vpush v1, $0xC  }
0x163: {  	(v2sf) =	vpush v0, $0xC;
	_ =	sdelay $0xd  }
0x164: {  	s16 =	spop (v2sf)  }
0x165: {  	[sflag:s7] =	ssyncset.done $0x0;
	s15 =	spop (v2sf)  }
0x166: {  	[sflag:s7] =	ssyncadd.s32 $0xFFFFFC00;
	s14 =	sand.u32 $0x380, s16;
	s16 =	sand.u32 $0x7, s15  }
0x167: {  	p6 =	slt.s32 s15, $0x1;
	p5 =	sne.s32 s16, $0x0;
	s16 =	sshra.s32 s15, $0x1F  }
0x168: {  	v2 =	vld [tilespmem:s14+$0x7200];
	s16 =	sshrl.u32 s16, $0x1D;
	p0 =	por !p6, !p5  }
0x169: {  	v3 =	vld [tilespmem:s14+$0x7210];
	s16 =	sadd.s32 s16, s15;
	p0 =	por !p0, !p0;
	s15 =	simm.s32 $0x1  }
0x16a: {  	s14 =	sshrl.u32 s16, $0x3;
	s15 =	simm.s32 @!p0 $0x0  }
0x16b: {  	s14 =	ssub.s32 s14, s15  }
0x16c: {  	s14 =	sshll.u32 s14, $0x7  }
0x16d: {  	[tilespmem:s12+$0x80] =	vst v2;
	s14 =	sand.u32 $0x1FFFFF80, s14  }
0x16e: {  	s16 =	simm.s32 $0x7200;
	[tilespmem:s12+$0x90] =	vst v3;
	s14 =	sadd.s32 s3, s14  }
0x16f: {  	[tilespmem:s16], [sflag:$0xD] =	stream.linear.gather [hbm4b:s14+s2], $0x400, $0x38;
	[tilespmem:$0x8200] =	vst v63  }
0x170: {  	_ =	swait.ge [sflag:s9], $0x400  }
0x171: {  	(v2sf) =	vpush v1, $0xD  }
0x172: {  	(v2sf) =	vpush v0, $0xD;
	_ =	sdelay $0xd  }
0x173: {  	s16 =	spop (v2sf)  }
0x174: {  	[sflag:s9] =	ssyncset.done $0x0;
	s15 =	spop (v2sf)  }
0x175: {  	[sflag:s9] =	ssyncadd.s32 $0xFFFFFC00;
	s14 =	sand.u32 $0x380, s16;
	s16 =	sand.u32 $0x7, s15  }
0x176: {  	p2 =	slt.s32 s15, $0x1;
	p1 =	sne.s32 s16, $0x0;
	s16 =	sshra.s32 s15, $0x1F  }
0x177: {  	v2 =	vld [tilespmem:s14+$0x7600];
	s16 =	sshrl.u32 s16, $0x1D;
	p0 =	por !p2, !p1  }
0x178: {  	v3 =	vld [tilespmem:s14+$0x7610];
	s16 =	sadd.s32 s16, s15;
	p0 =	por !p0, !p0;
	s15 =	simm.s32 $0x1  }
0x179: {  	s14 =	sshrl.u32 s16, $0x3;
	s15 =	simm.s32 @!p0 $0x0  }
0x17a: {  	s14 =	ssub.s32 s14, s15  }
0x17b: {  	s14 =	sshll.u32 s14, $0x7  }
0x17c: {  	[tilespmem:s12+$0xA0] =	vst v2;
	s14 =	sand.u32 $0x1FFFFF80, s14  }
0x17d: {  	s16 =	simm.s32 $0x7600;
	[tilespmem:s12+$0xB0] =	vst v3;
	s14 =	sadd.s32 s3, s14  }
0x17e: {  	[tilespmem:s16], [sflag:$0xE] =	stream.linear.gather [hbm4b:s14+s2], $0x400, $0x38;
	[tilespmem:$0x8200] =	vst v63  }
0x17f: {  	_ =	swait.ge [sflag:s10], $0x400  }
0x180: {  	(v2sf) =	vpush v1, $0xE  }
0x181: {  	(v2sf) =	vpush v0, $0xE;
	_ =	sdelay $0xd  }
0x182: {  	s16 =	spop (v2sf)  }
0x183: {  	[sflag:s10] =	ssyncset.done $0x0;
	s15 =	spop (v2sf)  }
0x184: {  	[sflag:s10] =	ssyncadd.s32 $0xFFFFFC00;
	s14 =	sand.u32 $0x380, s16;
	s16 =	sand.u32 $0x7, s15  }
0x185: {  	p4 =	slt.s32 s15, $0x1;
	p3 =	sne.s32 s16, $0x0;
	s16 =	sshra.s32 s15, $0x1F  }
0x186: {  	v2 =	vld [tilespmem:s14+$0x7A00];
	s16 =	sshrl.u32 s16, $0x1D;
	p0 =	por !p4, !p3  }
0x187: {  	v3 =	vld [tilespmem:s14+$0x7A10];
	s16 =	sadd.s32 s16, s15;
	p0 =	por !p0, !p0;
	s15 =	simm.s32 $0x1  }
0x188: {  	s14 =	sshrl.u32 s16, $0x3;
	s15 =	simm.s32 @!p0 $0x0  }
0x189: {  	s14 =	ssub.s32 s14, s15  }
0x18a: {  	s14 =	sshll.u32 s14, $0x7  }
0x18b: {  	[tilespmem:s12+$0xC0] =	vst v2;
	s14 =	sand.u32 $0x1FFFFF80, s14  }
0x18c: {  	s16 =	simm.s32 $0x7A00;
	[tilespmem:s12+$0xD0] =	vst v3;
	s14 =	sadd.s32 s3, s14  }
0x18d: {  	[tilespmem:s16], [sflag:$0xF] =	stream.linear.gather [hbm4b:s14+s2], $0x400, $0x38;
	[tilespmem:$0x8200] =	vst v63  }
0x18e: {  	_ =	swait.ge [sflag:s11], $0x400  }
0x18f: {  	(v2sf) =	vpush v1, $0xF  }
0x190: {  	(v2sf) =	vpush v0, $0xF;
	_ =	sdelay $0xd  }
0x191: {  	s16 =	spop (v2sf)  }
0x192: {  	[sflag:s11] =	ssyncset.done $0x0;
	s15 =	spop (v2sf)  }
0x193: {  	[sflag:s11] =	ssyncadd.s32 $0xFFFFFC00;
	s14 =	sand.u32 $0x380, s16;
	s16 =	sand.u32 $0x7, s15  }
0x194: {  	p6 =	slt.s32 s15, $0x1;
	p5 =	sne.s32 s16, $0x0;
	s16 =	sshra.s32 s15, $0x1F  }
0x195: {  	v1 =	vld [tilespmem:s14+$0x7E00];
	s16 =	sshrl.u32 s16, $0x1D;
	p0 =	por !p6, !p5  }
0x196: {  	v2 =	vld [tilespmem:s14+$0x7E10];
	s16 =	sadd.s32 s16, s15;
	p0 =	por !p0, !p0;
	s15 =	simm.s32 $0x1  }
0x197: {  	s14 =	sshrl.u32 s16, $0x3;
	s15 =	simm.s32 @!p0 $0x0;
	p0 =	sne.s32 s13, $0x200  }
.Ltmp0:
0x198: {  	s14 =	ssub.s32 s14, s15;
	(pc) =	sbr.rel @p0 .LBB2_2-.Ltmp0, $4  }
0x199: {  	s14 =	sshll.u32 s14, $0x7  }
0x19a: {  	[tilespmem:s12+$0xE0] =	vst v1;
	s14 =	sand.u32 $0x1FFFFF80, s14  }
0x19b: {  	s13 =	sadd.s32 $0x10, s13;
	[tilespmem:s12+$0xF0] =	vst v2;
	s12 =	sadd.s32 $0x200, s12;
	s14 =	sadd.s32 s3, s14  }
0x19c: {  	v1 =	vmov v0;
	[tilespmem:s23], [sflag:$0x10] =	stream.linear.gather [hbm4b:s14+s2], $0x400, $0x38;
	[tilespmem:$0x8200] =	vst v63  }
0x19d: {  	_ =	swait.ge [sflag:s8], $0x400  }
0x19e: {  	[sflag:s8] =	ssyncset.done $0x0  }
0x19f: {  	[sflag:s8] =	ssyncadd.s32 $0xFFFFFC00  }
0x1a0: {  	_ =	swait.ge [sflag:s25], $0x400  }
0x1a1: {  	[sflag:s25] =	ssyncset.done $0x0  }
0x1a2: {  	[sflag:s25] =	ssyncadd.s32 $0xFFFFFC00  }
0x1a3: {  	_ =	swait.ge [sflag:s26], $0x400  }
0x1a4: {  	[sflag:s26] =	ssyncset.done $0x0  }
0x1a5: {  	[sflag:s26] =	ssyncadd.s32 $0xFFFFFC00  }
0x1a6: {  	_ =	swait.ge [sflag:s28], $0x400  }
0x1a7: {  	[sflag:s28] =	ssyncset.done $0x0  }
0x1a8: {  	[sflag:s28] =	ssyncadd.s32 $0xFFFFFC00  }
0x1a9: {  	_ =	swait.ge [sflag:s29], $0x400  }
0x1aa: {  	[sflag:s29] =	ssyncset.done $0x0  }
0x1ab: {  	[sflag:s29] =	ssyncadd.s32 $0xFFFFFC00  }
0x1ac: {  	_ =	swait.ge [sflag:s30], $0x400  }
0x1ad: {  	[sflag:s30] =	ssyncset.done $0x0  }
0x1ae: {  	[sflag:s30] =	ssyncadd.s32 $0xFFFFFC00  }
0x1af: {  	_ =	swait.ge [sflag:s31], $0x400  }
0x1b0: {  	[sflag:s31] =	ssyncset.done $0x0  }
0x1b1: {  	[sflag:s31] =	ssyncadd.s32 $0xFFFFFC00  }
0x1b2: {  	_ =	swait.ge [sflag:s0], $0x400  }
0x1b3: {  	[sflag:s0] =	ssyncset.done $0x0  }
0x1b4: {  	[sflag:s0] =	ssyncadd.s32 $0xFFFFFC00  }
0x1b5: {  	_ =	swait.ge [sflag:s1], $0x400  }
0x1b6: {  	[sflag:s1] =	ssyncset.done $0x0  }
0x1b7: {  	[sflag:s1] =	ssyncadd.s32 $0xFFFFFC00  }
0x1b8: {  	_ =	swait.ge [sflag:s4], $0x400  }
0x1b9: {  	[sflag:s4] =	ssyncset.done $0x0  }
0x1ba: {  	[sflag:s4] =	ssyncadd.s32 $0xFFFFFC00  }
0x1bb: {  	_ =	swait.ge [sflag:s5], $0x400  }
0x1bc: {  	[sflag:s5] =	ssyncset.done $0x0  }
0x1bd: {  	[sflag:s5] =	ssyncadd.s32 $0xFFFFFC00  }
0x1be: {  	_ =	swait.ge [sflag:s6], $0x400  }
0x1bf: {  	[sflag:s6] =	ssyncset.done $0x0  }
0x1c0: {  	[sflag:s6] =	ssyncadd.s32 $0xFFFFFC00  }
0x1c1: {  	_ =	swait.ge [sflag:s7], $0x400  }
0x1c2: {  	[sflag:s7] =	ssyncset.done $0x0  }
0x1c3: {  	[sflag:s7] =	ssyncadd.s32 $0xFFFFFC00  }
0x1c4: {  	_ =	swait.ge [sflag:s9], $0x400  }
0x1c5: {  	[sflag:s9] =	ssyncset.done $0x0  }
0x1c6: {  	[sflag:s9] =	ssyncadd.s32 $0xFFFFFC00  }
0x1c7: {  	_ =	swait.ge [sflag:s10], $0x400  }
0x1c8: {  	[sflag:s10] =	ssyncset.done $0x0  }
0x1c9: {  	[sflag:s10] =	ssyncadd.s32 $0xFFFFFC00  }
0x1ca: {  	_ =	swait.ge [sflag:s11], $0x400  }
0x1cb: {  	[sflag:s11] =	ssyncset.done $0x0  }
0x1cc: {  	s13 =	simm.s32 $0x200;
	s12 =	rddreg [dreg:$0x5];
	[sflag:s11] =	ssyncadd.s32 $0xFFFFFC00  }
0x1cd: {  	[hbm4b:s12+s2] =	stream.linear.scatter [tilespmem:s13], [sflag:$0x11], $0x4000, $0x38;
	[tilespmem:$0x8200] =	vst v63  }
0x1ce: {  	s13 =	simm.s32 $0x11  }
0x1cf: {  	_ =	swait.ge [sflag:s13], $0x4000  }
0x1d0: {  	s14 =	rddreg [dreg:$0x7]  }
0x1d1: {  	s24 =	rddreg [dreg:$0x6];
	s14 =	sadd.s32 $0x1, s14  }
0x1d2: {  	p0 =	sne.s32 s14, s24  }
.Ltmp1:
0x1d3: {  	s15 =	simm.s32 $0x4600;
	s16 =	simm.s32 $0x4A00;
	(pc) =	sbr.rel @p0 .LBB2_1-.Ltmp1, $4  }
0x1d4: {  	s17 =	simm.s32 $0x4E00;
	s18 =	simm.s32 $0x5200;
	s19 =	simm.s32 $0x5600  }
0x1d5: {  	s20 =	simm.s32 $0x5A00;
	s21 =	simm.s32 $0x5E00;
	[sflag:s13] =	ssyncset.done $0x0  }
0x1d6: {  	s22 =	simm.s32 $0x6200;
	s23 =	simm.s32 $0x6600;
	[sflag:s13] =	ssyncadd.s32 $0xFFFFC000  }
0x1d7: {  	[dreg:$0x7] =	wrdreg s14;
	s14 =	simm.s32 $0x4200;
	s24 =	simm.s32 $0x6A00  }
0x1d8: {  	_ =	sfence.sel $0x180000  }
0x1d9: {  	[bflag:$0x0] =	sbarrier.arrive $0xFFFF  }
0x1da: {  	_ =	strace $0x90000047  }
0x1db: {  	s0 =	stileid.u32;
	[bflag:$0x2] =	sbarrier.arrive $0xFFFF  }
0x1dc: {  	p0 =	sne.s32 s0, $0x0;
	s0 =	rddreg [dreg:$0x3]  }
0x1dd: {  	s0 =	sadd.s32 @!p0 $0x100000, s0  }
0x1de: {  	[sflag:s0] =	ssyncadd.tile.s32 @!p0 $0x1;
	_ =	shalt  }
.Lfunc_end2:
_tile_overlayer_lowered:
.L_overlay_start_2:
0x1df: {  	(tag) =	ssettag $0x2  }
0x1e0: {  	s0 =	rddreg [dreg:$0x0];
	s2 =	stileid.u32  }
0x1e1: {  	s1 =	rddreg [dreg:$0x1];
	p0 =	sne.s32 s2, $0x0  }
0x1e2: {  	s3 =	rddreg [dreg:$0x2];
	[bflag:$0x3] =	sbarrier.arrive $0xFFFF;
	s2 =	simm.s32 @!p0 $0x1C11  }
0x1e3: {  	[timem:s3], [sflag:s2] =	dma.local @!p0 [hbm:s0], s1  }
0x1e4: {  	s0 =	simm.s32 @!p0 $0x11  }
0x1e5: {  	_ =	swait.ge @!p0 [sflag:s0], s1  }
0x1e6: {  	s1 =	ssub.s32 @!p0 $0x0, s1;
	[sflag:s0] =	ssyncset.done @!p0 $0x0  }
0x1e7: {  	[sflag:s0] =	ssyncadd.s32 @!p0 s1  }
0x1e8: {  	[bflag:$0x3] =	sbarrier.arrive $0xFFFF  }
0x1e9: {  	_ =	shalt  }

</sc_bundles>
